<compile_context>
chip_gen: v7x
topology: tpu7x:2x2x1
jax: 0.10.2.dev20260603
libtpu: 0.0.44.dev20260713+nightly
codegen_flags: <defaults>
</compile_context>

<pallas_src>
import jax
import jax.numpy as jnp
from jax import lax
from jax.experimental import pallas as pl
from jax.experimental.pallas import tpu as pltpu
from jax.experimental.pallas import tpu_sc as plsc

F32 = jnp.float32
NC = 2
NS = 16
CH = 128
BR = 2048
G_SEG = 64


def _mesh():
    return plsc.VectorSubcoreMesh(core_axis_name="c", subcore_axis_name="s",
                                  num_cores=NC, num_subcores=NS)


def _make_hist(NP, NCH, NHZ):
    ept = NP // NS
    zpt = NHZ // NS
    hchunks = NCH // NC

    def body(dst3, out, dstv, onesv, zb, hist_sh):
        c = lax.axis_index("c")
        s = lax.axis_index("s")
        pltpu.sync_copy(dst3.at[s], dstv)
        for k in range(CH // 16):
            onesv[pl.ds(k * 16, 16)] = jnp.ones((16,), F32)

        def zb_body(i, carry):
            zb[pl.ds(i * 16, 16)] = jnp.zeros((16,), F32)
            return carry

        lax.fori_loop(0, zpt // 16, zb_body, 0)
        pltpu.sync_copy(zb, hist_sh.at[pl.ds(s * zpt, zpt)])
        plsc.subcore_barrier()

        def step(j, carry):
            pltpu.sync_copy(onesv, hist_sh.at[dstv.at[j]], add=True)
            return carry

        lax.fori_loop(c * hchunks, (c + 1) * hchunks, step, 0)
        plsc.subcore_barrier()
        pltpu.sync_copy(hist_sh.at[pl.ds(s * ept, ept)],
                        out.at[c, pl.ds(s * ept, ept)])

    return pl.kernel(
        body,
        out_type=jax.ShapeDtypeStruct((NC, NP), F32),
        mesh=_mesh(),
        scratch_types=[
            pltpu.VMEM((NCH, CH), jnp.int32),
            pltpu.VMEM((CH,), F32),
            pltpu.VMEM((NHZ // NS,), F32),
            pltpu.VMEM_SHARED((NHZ,), F32),
        ],
    )


def _make_conv(NP, HH, NCH, NZP):
    rpt = NP // NS
    zpt = NZP // NS
    nfull = zpt // CH
    rem = zpt - nfull * CH

    def body(y_hbm, src3, dst3, out, srcv, dstv, rows0, rows1, zb, z_sh,
             sem0, sem1):
        c = lax.axis_index("c")
        s = lax.axis_index("s")
        pltpu.sync_copy(src3.at[s], srcv)
        pltpu.sync_copy(dst3.at[s], dstv)
        yc = y_hbm.at[c]

        def zrow(r, carry):
            for k in range(HH // 16):
                zb[r, pl.ds(k * 16, 16)] = jnp.zeros((16,), F32)
            return carry

        lax.fori_loop(0, CH, zrow, 0)
        base = s * zpt
        for t in range(nfull):
            pltpu.sync_copy(zb, z_sh.at[pl.ds(base + t * CH, CH)])
        if rem:
            pltpu.sync_copy(zb.at[pl.ds(0, rem)],
                            z_sh.at[pl.ds(base + nfull * CH, rem)])
        plsc.subcore_barrier()

        pltpu.async_copy(yc.at[srcv.at[0]], rows0, sem0)

        def step(i, carry):
            j = i * 2
            pltpu.async_copy(yc.at[srcv.at[j + 1]], rows1, sem1)
            pltpu.make_async_copy(yc.at[pl.ds(0, CH)], rows0, sem0).wait()
            pltpu.sync_copy(rows0, z_sh.at[dstv.at[j]], add=True)

            @pl.when(j + 2 < NCH)
            def _():
                pltpu.async_copy(yc.at[srcv.at[j + 2]], rows0, sem0)

            pltpu.make_async_copy(yc.at[pl.ds(0, CH)], rows1, sem1).wait()
            pltpu.sync_copy(rows1, z_sh.at[dstv.at[j + 1]], add=True)
            return carry

        lax.fori_loop(0, NCH // 2, step, 0)
        plsc.subcore_barrier()
        pltpu.sync_copy(z_sh.at[pl.ds(s * rpt, rpt)],
                        out.at[c, pl.ds(s * rpt, rpt)])

    return pl.kernel(
        body,
        out_type=jax.ShapeDtypeStruct((NC, NP, HH), F32),
        mesh=_mesh(),
        compiler_params=pltpu.CompilerParams(use_tc_tiling_on_sc=False),
        scratch_types=[
            pltpu.VMEM((NCH, CH), jnp.int32),
            pltpu.VMEM((NCH, CH), jnp.int32),
            pltpu.VMEM((CH, HH), F32),
            pltpu.VMEM((CH, HH), F32),
            pltpu.VMEM((CH, HH), F32),
            pltpu.VMEM_SHARED((NZP, HH), F32),
            pltpu.SemaphoreType.DMA,
            pltpu.SemaphoreType.DMA,
        ],
    )


def _col(blk):
    n = blk.shape[0]
    return jnp.concatenate(
        [jnp.transpose(blk[a:a + 1, :]) for a in range(n)], axis=0)


def _halves(w):
    hh = w.shape[-1] // 2
    return w[:, :hh], w[:, hh:]


def _t0_body(x_ref, w_ref, hist_ref, y_ref, dinv_ref):
    deg = hist_ref[0] + hist_ref[1] + 1.0
    dinv = lax.rsqrt(deg)
    dinv_ref[...] = dinv
    xw = jnp.dot(x_ref[...], w_ref[...], preferred_element_type=F32)
    xw = xw * _col(dinv)
    yl, yr = _halves(xw)
    y_ref[0] = yl
    y_ref[1] = yr


def _t1_body(z_ref, y_ref, dinv_ref, b1_ref, g1_ref, bt1_ref, g2_ref,
             bt2_ref, w2_ref, y2_ref):
    dinv = _col(dinv_ref[...])
    b1l, b1r = _halves(b1_ref[...])
    hl = jnp.maximum(dinv * (z_ref[0] + y_ref[0]) + b1l, 0.0)
    hr = jnp.maximum(dinv * (z_ref[1] + y_ref[1]) + b1r, 0.0)
    n = hl.shape[1] + hr.shape[1]
    for g_r, b_r in ((g1_ref, bt1_ref), (g2_ref, bt2_ref)):
        mu = (jnp.sum(hl, -1, keepdims=True)
              + jnp.sum(hr, -1, keepdims=True)) / n
        dl = hl - mu
        dr = hr - mu
        var = (jnp.sum(dl * dl, -1, keepdims=True)
               + jnp.sum(dr * dr, -1, keepdims=True)) / n
        rstd = lax.rsqrt(var + 1e-5)
        gl, gr = _halves(g_r[...])
        btl, btr = _halves(b_r[...])
        hl = dl * rstd * gl + btl
        hr = dr * rstd * gr + btr
    w2 = w2_ref[...]
    hh = hl.shape[1]
    y2 = (jnp.dot(hl, w2[:hh], preferred_element_type=F32)
          + jnp.dot(hr, w2[hh:], preferred_element_type=F32)) * dinv
    yl, yr = _halves(y2)
    y2_ref[0] = yl
    y2_ref[1] = yr


def _t2_body(z_ref, y_ref, dinv_ref, b_ref, w_ref, o_ref):
    dinv = _col(dinv_ref[...])
    bl, br = _halves(b_ref[...])
    hl = dinv * (z_ref[0] + y_ref[0]) + bl
    hr = dinv * (z_ref[1] + y_ref[1]) + br
    w = w_ref[...]
    hh = hl.shape[1]
    y = (jnp.dot(hl, w[:hh], preferred_element_type=F32)
         + jnp.dot(hr, w[hh:], preferred_element_type=F32)) * dinv
    yl, yr = _halves(y)
    o_ref[0] = yl
    o_ref[1] = yr


def _shift_down(a, k, fill):
    pad = jnp.full((k,) + a.shape[1:], fill, a.dtype)
    return jnp.concatenate([pad, a[:-k]], axis=0)


def _make_t3(O):
    def body(z_ref, y_ref, dinv_ref, b3_ref, lw1_ref, lb1_ref, lw2_ref,
             lb2_ref, batch_ref, out_ref, gmax_s, gsum_s, cnt_s):
        i = pl.program_id(0)

        @pl.when(i == 0)
        def _():
            gmax_s[...] = jnp.full((G_SEG, O), -jnp.inf, F32)
            gsum_s[...] = jnp.zeros((G_SEG, O), F32)
            cnt_s[...] = jnp.zeros((G_SEG, 1), F32)

        dinv = _col(dinv_ref[...])
        b3l, b3r = _halves(b3_ref[...])
        hl = dinv * (z_ref[0] + y_ref[0]) + b3l
        hr = dinv * (z_ref[1] + y_ref[1]) + b3r
        lw1 = lw1_ref[...]
        hh = hl.shape[1]
        h = (jnp.dot(hl, lw1[:hh], preferred_element_type=F32)
             + jnp.dot(hr, lw1[hh:], preferred_element_type=F32)
             + lb1_ref[...])
        h = jnp.dot(h, lw2_ref[...], preferred_element_type=F32) + lb2_ref[...]

        bvec = _col(batch_ref[...])
        seg = lax.broadcasted_iota(jnp.int32, (1, G_SEG), 1)
        mask = (bvec == seg).astype(F32)
        gsum_s[...] += lax.dot_general(mask, h, (((0,), (0,)), ((), ())),
                                       preferred_element_type=F32)
        ones_col = jnp.ones((h.shape[0], 1), F32)
        bcnt = lax.dot_general(mask, ones_col, (((0,), (0,)), ((), ())),
                               preferred_element_type=F32)
        cnt_s[...] += bcnt

        m = h
        k = 1
        while k < h.shape[0]:
            msh = _shift_down(m, k, -jnp.inf)
            bsh = _shift_down(bvec, k, -1)
            m = jnp.maximum(m, jnp.where(bvec == bsh, msh, -jnp.inf))
            k *= 2
        bnext = jnp.concatenate(
            [bvec[1:], jnp.full((1, 1), G_SEG + 1, bvec.dtype)], axis=0)
        mlast = jnp.where(bvec != bnext, m, 0.0)
        bmax = lax.dot_general(mask, mlast, (((0,), (0,)), ((), ())),
                               preferred_element_type=F32)
        bmax = jnp.where(bcnt > 0.0, bmax, -jnp.inf)
        gmax_s[...] = jnp.maximum(gmax_s[...], bmax)

        @pl.when(i == pl.num_programs(0) - 1)
        def _():
            cnt = jnp.maximum(cnt_s[...], 1.0)
            gmean = gsum_s[...] / cnt
            row = jnp.concatenate([gmax_s[...], gmean], axis=1)
            mx = jnp.max(row, axis=1, keepdims=True)
            ex = jnp.exp(row - mx)
            out_ref[...] = row - mx - jnp.log(
                jnp.sum(ex, axis=1, keepdims=True))

    return body


def _row_spec(shape):
    if len(shape) == 2:
        return pl.BlockSpec((BR, shape[1]), lambda i: (i, 0))
    return pl.BlockSpec((shape[0], BR, shape[2]), lambda i: (0, i, 0))


def _packed_spec(nd):
    if nd == 2:
        return pl.BlockSpec((BR // 128, 128), lambda i: (i, 0))
    return pl.BlockSpec((NC, BR // 128, 128), lambda i: (0, i, 0))


def _full_spec(shape):
    nd = len(shape)
    return pl.BlockSpec(shape, lambda i, _nd=nd: (0,) * _nd)


def kernel(x, edge_index, batch, W1, b1, g1, bt1, g2, bt2, W2, b2, W3, b3,
           LW1, Lb1, LW2, Lb2):
    N, D = x.shape
    E = edge_index.shape[1]
    H = W1.shape[1]
    HH = H // 2
    O = LW2.shape[1]

    NP = ((N + BR - 1) // BR) * BR
    ept0 = -(-E // NS)
    NCH = -(-ept0 // CH)
    if NCH % 2:
        NCH += 1
    ept = NCH * CH
    NZP = ((NP + 16 + NS - 1) // NS) * NS
    NHZ = ((NP + 16 + 16 * NS - 1) // (16 * NS)) * (16 * NS)

    xp = jnp.pad(x, ((0, NP - N), (0, 0)))
    batch_p = jnp.pad(batch, (0, NP - N), constant_values=G_SEG)
    src = edge_index[0]
    dst = edge_index[1]
    idt = dst.dtype
    src2 = jnp.pad(src, (0, NS * ept0 - E)).reshape(NS, ept0)
    src3 = jnp.pad(src2, ((0, 0), (0, ept - ept0))).reshape(NS, NCH, CH)
    dst2 = jnp.concatenate(
        [dst, jnp.full((NS * ept0 - E,), NP, idt)]).reshape(NS, ept0)
    dpad = jnp.broadcast_to(NP + (jnp.arange(ept - ept0, dtype=idt) % 16),
                            (NS, ept - ept0))
    dst3 = jnp.concatenate([dst2, dpad], axis=1).reshape(NS, NCH, CH)

    hist_call = _make_hist(NP, NCH, NHZ)
    conv_call = _make_conv(NP, HH, NCH, NZP)
    nb = NP // BR

    hist = hist_call(dst3)
    hist3 = hist.reshape(NC, NP // 128, 128)

    y1, dinv = pl.pallas_call(
        _t0_body,
        grid=(nb,),
        in_specs=[_row_spec((NP, D)), _full_spec((D, H)), _packed_spec(3)],
        out_specs=[_row_spec((NC, NP, HH)), _packed_spec(2)],
        out_shape=[jax.ShapeDtypeStruct((NC, NP, HH), F32),
                   jax.ShapeDtypeStruct((NP // 128, 128), F32)],
    )(xp, W1, hist3)

    z1 = conv_call(y1, src3, dst3)

    vec = lambda v: v.reshape(1, -1)
    y2 = pl.pallas_call(
        _t1_body,
        grid=(nb,),
        in_specs=[_row_spec((NC, NP, HH)), _row_spec((NC, NP, HH)),
                  _packed_spec(2),
                  _full_spec((1, H)), _full_spec((1, H)), _full_spec((1, H)),
                  _full_spec((1, H)), _full_spec((1, H)),
                  _full_spec((H, H))],
        out_specs=_row_spec((NC, NP, HH)),
        out_shape=jax.ShapeDtypeStruct((NC, NP, HH), F32),
    )(z1, y1, dinv, vec(b1), vec(g1), vec(bt1), vec(g2), vec(bt2), W2)

    z2 = conv_call(y2, src3, dst3)

    y3 = pl.pallas_call(
        _t2_body,
        grid=(nb,),
        in_specs=[_row_spec((NC, NP, HH)), _row_spec((NC, NP, HH)),
                  _packed_spec(2), _full_spec((1, H)),
                  _full_spec((H, H))],
        out_specs=_row_spec((NC, NP, HH)),
        out_shape=jax.ShapeDtypeStruct((NC, NP, HH), F32),
    )(z2, y2, dinv, vec(b2), W3)

    z3 = conv_call(y3, src3, dst3)

    out = pl.pallas_call(
        _make_t3(O),
        grid=(nb,),
        in_specs=[_row_spec((NC, NP, HH)), _row_spec((NC, NP, HH)),
                  _packed_spec(2), _full_spec((1, H)),
                  _full_spec((H, H)), _full_spec((1, H)),
                  _full_spec((H, O)), _full_spec((1, O)),
                  _packed_spec(2)],
        out_specs=pl.BlockSpec((G_SEG, 2 * O), lambda i: (0, 0)),
        out_shape=jax.ShapeDtypeStruct((G_SEG, 2 * O), F32),
        scratch_shapes=[pltpu.VMEM((G_SEG, O), F32),
                        pltpu.VMEM((G_SEG, O), F32),
                        pltpu.VMEM((G_SEG, 1), F32)],
    )(z3, y3, dinv, vec(b3), LW1, vec(Lb1), LW2, vec(Lb2),
      batch_p.astype(jnp.int32).reshape(NP // 128, 128))

    return out

# --- scband reference (transcript-rebuilt; emitter-appended) ---
"""Pipeline reference for scband-gnn-18897856102536 (READ-ONLY COPY).

The authoritative reference and input builder live on the scoring server;
editing this copy changes nothing except your own understanding.
"""

import jax, jax.numpy as jnp
import numpy as np

N = 10000
E = 320000
D = 128
H = 128
O = 64
G = 64


def setup_inputs(seed: int = 0) -> dict:
    key = jax.random.key(seed)
    ks = jax.random.split(key, 16)
    x = jax.random.normal(ks[0], (N, D), dtype=jnp.float32)
    edge_index = jax.random.randint(ks[1], (2, E), 0, N, dtype=jnp.int32)
    batch = jnp.sort(jax.random.randint(ks[2], (N,), 0, G, dtype=jnp.int32))
    s = 0.05
    return {
        "x": x,
        "edge_index": edge_index,
        "batch": batch,
        "W1": jax.random.normal(ks[3], (D, H), jnp.float32) * s,
        "b1": jnp.zeros((H,), jnp.float32),
        "g1": jnp.ones((H,), jnp.float32),
        "bt1": jnp.zeros((H,), jnp.float32),
        "g2": jnp.ones((H,), jnp.float32),
        "bt2": jnp.zeros((H,), jnp.float32),
        "W2": jax.random.normal(ks[4], (H, H), jnp.float32) * s,
        "b2": jnp.zeros((H,), jnp.float32),
        "W3": jax.random.normal(ks[5], (H, H), jnp.float32) * s,
        "b3": jnp.zeros((H,), jnp.float32),
        "LW1": jax.random.normal(ks[6], (H, H), jnp.float32) * s,
        "Lb1": jnp.zeros((H,), jnp.float32),
        "LW2": jax.random.normal(ks[7], (H, O), jnp.float32) * s,
        "Lb2": jnp.zeros((O,), jnp.float32),
    }


def _gcn_conv(x, edge_index, W, b):
    # GCNConv: x' = D^{-1/2} (A + I) D^{-1/2} (x W) + b
    src = edge_index[0]
    dst = edge_index[1]
    loop = jnp.arange(N, dtype=edge_index.dtype)
    s = jnp.concatenate([src, loop])
    d = jnp.concatenate([dst, loop])
    deg = jnp.zeros((N,), x.dtype).at[d].add(1.0)
    dinv = jax.lax.rsqrt(deg)
    norm = dinv[s] * dinv[d]
    xw = x @ W
    msg = jnp.take(xw, s, axis=0) * norm[:, None]
    out = jnp.zeros((N, W.shape[1]), x.dtype).at[d].add(msg)
    return out + b


def _layernorm(x, g, b):
    mu = jnp.mean(x, axis=-1, keepdims=True)
    var = jnp.mean((x - mu) ** 2, axis=-1, keepdims=True)
    return (x - mu) * jax.lax.rsqrt(var + 1e-5) * g + b


def reference(x, edge_index, batch, W1, b1, g1, bt1, g2, bt2, W2, b2, W3, b3, LW1, Lb1, LW2, Lb2):
    h = _gcn_conv(x, edge_index, W1, b1)
    h = jax.nn.relu(h)
    # dropout is identity in eval mode
    h = _layernorm(h, g1, bt1)
    h = _layernorm(h, g2, bt2)
    h = _gcn_conv(h, edge_index, W2, b2)
    h = _gcn_conv(h, edge_index, W3, b3)
    h = h @ LW1 + Lb1
    h = h @ LW2 + Lb2
    gmax = jax.ops.segment_max(h, batch, num_segments=G)
    cnt = jnp.zeros((G,), h.dtype).at[batch].add(1.0)
    gmean = jax.ops.segment_sum(h, batch, num_segments=G) / jnp.clip(cnt, 1.0)[:, None]
    out = jnp.concatenate([gmax, gmean], axis=1)
    return jax.nn.log_softmax(out, axis=1)

if __name__ == "__main__":
    import jax
    _d = setup_inputs()
    print(jax.jit(kernel)(*tuple(_d.values())))

</pallas_src>

<mosaic_0001>
#map = affine_map<(d0, d1) -> (0, 0, 0)>
module attributes {stable_mosaic.version = 14 : i64} {
  func.func @body(%arg0: i32, %arg1: i32, %arg2: memref<2x10240x64xf32, #tpu.memory_space<hbm>>, %arg3: memref<16x158x128xi32, #tpu.memory_space<hbm>>, %arg4: memref<16x158x128xi32, #tpu.memory_space<hbm>>, %arg5: memref<2x10240x64xf32, #tpu.memory_space<hbm>>, %arg6: memref<158x128xi32, #tpu.memory_space<vmem>>, %arg7: memref<158x128xi32, #tpu.memory_space<vmem>>, %arg8: memref<128x64xf32, #tpu.memory_space<vmem>>, %arg9: memref<128x64xf32, #tpu.memory_space<vmem>>, %arg10: memref<128x64xf32, #tpu.memory_space<vmem>>, %arg11: memref<10256x64xf32, #tpu.memory_space<vmem_shared>>, %arg12: memref<!tpu.dma_semaphore, #tpu.memory_space<semaphore_mem>>, %arg13: memref<!tpu.dma_semaphore, #tpu.memory_space<semaphore_mem>>) attributes {dimension_semantics = [#tpu.dimension_semantics<core_parallel>, #tpu.dimension_semantics<subcore_parallel>], iteration_bounds = array<i64: 2, 16>, scalar_prefetch = 0 : i64, scratch_operands = 8 : i64, tpu.core_type = #tpu.core_type<sc_vector_subcore>, window_params = [{transform_indices = #map}, {transform_indices = #map}, {transform_indices = #map}, {transform_indices = #map}]} {
    "tpu.region"() ({
      %run_scoped3A = tpu.sem_alloc : memref<!tpu.dma_semaphore, #tpu.memory_space<semaphore_mem>>
      %dma_start3A_38 = arith.constant 0 : i32
      %dma_start3A_39 = arith.constant 0 : i32
      %dma_start3A_40 = tpu.memref_slice %arg3[%arg1, %dma_start3A_38, %dma_start3A_39] : memref<16x158x128xi32, #tpu.memory_space<hbm>> -> memref<1x158x128xi32, #tpu.memory_space<hbm>>
      %dma_start3A_41 = tpu.memref_squeeze %dma_start3A_40 : memref<1x158x128xi32, #tpu.memory_space<hbm>> -> memref<158x128xi32, #tpu.memory_space<hbm>>
      %dma_start3A_42 = arith.constant 0 : i32
      %dma_start3A_43 = arith.constant 0 : i32
      %dma_start3A_44 = tpu.memref_slice %arg3[%arg1, %dma_start3A_42, %dma_start3A_43] : memref<16x158x128xi32, #tpu.memory_space<hbm>> -> memref<1x158x128xi32, #tpu.memory_space<hbm>>
      %dma_start3A_45 = tpu.memref_squeeze %dma_start3A_44 : memref<1x158x128xi32, #tpu.memory_space<hbm>> -> memref<158x128xi32, #tpu.memory_space<hbm>>
      tpu.enqueue_dma source(%dma_start3A_45 : memref<158x128xi32, #tpu.memory_space<hbm>>) target(%arg6 : memref<158x128xi32, #tpu.memory_space<vmem>>) target_semaphore(%run_scoped3A : memref<!tpu.dma_semaphore, #tpu.memory_space<semaphore_mem>>)
      %dma_wait3A = arith.constant 0 : i32
      %dma_wait3A_46 = arith.constant 0 : i32
      %dma_wait3A_47 = tpu.memref_slice %arg3[%arg1, %dma_wait3A, %dma_wait3A_46] : memref<16x158x128xi32, #tpu.memory_space<hbm>> -> memref<1x158x128xi32, #tpu.memory_space<hbm>>
      %dma_wait3A_48 = tpu.memref_squeeze %dma_wait3A_47 : memref<1x158x128xi32, #tpu.memory_space<hbm>> -> memref<158x128xi32, #tpu.memory_space<hbm>>
      %dma_wait3A_49 = arith.constant 0 : i32
      %dma_wait3A_50 = arith.constant 0 : i32
      %dma_wait3A_51 = tpu.memref_slice %arg3[%arg1, %dma_wait3A_49, %dma_wait3A_50] : memref<16x158x128xi32, #tpu.memory_space<hbm>> -> memref<1x158x128xi32, #tpu.memory_space<hbm>>
      %dma_wait3A_52 = tpu.memref_squeeze %dma_wait3A_51 : memref<1x158x128xi32, #tpu.memory_space<hbm>> -> memref<158x128xi32, #tpu.memory_space<hbm>>
      tpu.wait_dma2 semaphore(%run_scoped3A : memref<!tpu.dma_semaphore, #tpu.memory_space<semaphore_mem>>) src(%dma_wait3A_52 : memref<158x128xi32, #tpu.memory_space<hbm>>) dst(%arg6 : memref<158x128xi32, #tpu.memory_space<vmem>>)
      tpu.yield
    }) : () -> ()
    "tpu.region"() ({
      %run_scoped3A = tpu.sem_alloc : memref<!tpu.dma_semaphore, #tpu.memory_space<semaphore_mem>>
      %dma_start3A_38 = arith.constant 0 : i32
      %dma_start3A_39 = arith.constant 0 : i32
      %dma_start3A_40 = tpu.memref_slice %arg4[%arg1, %dma_start3A_38, %dma_start3A_39] : memref<16x158x128xi32, #tpu.memory_space<hbm>> -> memref<1x158x128xi32, #tpu.memory_space<hbm>>
      %dma_start3A_41 = tpu.memref_squeeze %dma_start3A_40 : memref<1x158x128xi32, #tpu.memory_space<hbm>> -> memref<158x128xi32, #tpu.memory_space<hbm>>
      %dma_start3A_42 = arith.constant 0 : i32
      %dma_start3A_43 = arith.constant 0 : i32
      %dma_start3A_44 = tpu.memref_slice %arg4[%arg1, %dma_start3A_42, %dma_start3A_43] : memref<16x158x128xi32, #tpu.memory_space<hbm>> -> memref<1x158x128xi32, #tpu.memory_space<hbm>>
      %dma_start3A_45 = tpu.memref_squeeze %dma_start3A_44 : memref<1x158x128xi32, #tpu.memory_space<hbm>> -> memref<158x128xi32, #tpu.memory_space<hbm>>
      tpu.enqueue_dma source(%dma_start3A_45 : memref<158x128xi32, #tpu.memory_space<hbm>>) target(%arg7 : memref<158x128xi32, #tpu.memory_space<vmem>>) target_semaphore(%run_scoped3A : memref<!tpu.dma_semaphore, #tpu.memory_space<semaphore_mem>>)
      %dma_wait3A = arith.constant 0 : i32
      %dma_wait3A_46 = arith.constant 0 : i32
      %dma_wait3A_47 = tpu.memref_slice %arg4[%arg1, %dma_wait3A, %dma_wait3A_46] : memref<16x158x128xi32, #tpu.memory_space<hbm>> -> memref<1x158x128xi32, #tpu.memory_space<hbm>>
      %dma_wait3A_48 = tpu.memref_squeeze %dma_wait3A_47 : memref<1x158x128xi32, #tpu.memory_space<hbm>> -> memref<158x128xi32, #tpu.memory_space<hbm>>
      %dma_wait3A_49 = arith.constant 0 : i32
      %dma_wait3A_50 = arith.constant 0 : i32
      %dma_wait3A_51 = tpu.memref_slice %arg4[%arg1, %dma_wait3A_49, %dma_wait3A_50] : memref<16x158x128xi32, #tpu.memory_space<hbm>> -> memref<1x158x128xi32, #tpu.memory_space<hbm>>
      %dma_wait3A_52 = tpu.memref_squeeze %dma_wait3A_51 : memref<1x158x128xi32, #tpu.memory_space<hbm>> -> memref<158x128xi32, #tpu.memory_space<hbm>>
      tpu.wait_dma2 semaphore(%run_scoped3A : memref<!tpu.dma_semaphore, #tpu.memory_space<semaphore_mem>>) src(%dma_wait3A_52 : memref<158x128xi32, #tpu.memory_space<hbm>>) dst(%arg7 : memref<158x128xi32, #tpu.memory_space<vmem>>)
      tpu.yield
    }) : () -> ()
    %scan3A = arith.constant 0 : i32
    %scan3A_0 = arith.constant 0 : i32
    %scan3A_1 = arith.constant 128 : i32
    %scan3A_2 = arith.addi %scan3A_0, %scan3A_1 : i32
    %scan3A_3 = arith.constant 1 : i32
    scf.for %scan3A_38 = %scan3A_0 to %scan3A_2 step %scan3A_3  : i32 {
      %broadcast_in_dim3A = arith.constant 0.000000e+00 : f32
      %broadcast_in_dim3A_39 = vector.broadcast %broadcast_in_dim3A : f32 to vector<16xf32>
      %swap3A = arith.index_cast %scan3A_38 : i32 to index
      %swap3A_40 = arith.constant 0 : index
      %swap3A_41 = tpu.vector_load %arg10[%swap3A, %swap3A_40] {strides = array<i32>} : memref<128x64xf32, #tpu.memory_space<vmem>>, vector<1x16xf32>,
      %swap3A_42 = vector.shape_cast %swap3A_41 : vector<1x16xf32> to vector<16xf32>
      %swap3A_43 = vector.shape_cast %broadcast_in_dim3A_39 : vector<16xf32> to vector<1x16xf32>
      tpu.vector_store %arg10[%swap3A, %swap3A_40], %swap3A_43 {strides = array<i32>} : memref<128x64xf32, #tpu.memory_space<vmem>>, vector<1x16xf32>,
      %broadcast_in_dim3A_44 = arith.constant 0.000000e+00 : f32
      %broadcast_in_dim3A_45 = vector.broadcast %broadcast_in_dim3A_44 : f32 to vector<16xf32>
      %swap3A_46 = arith.index_cast %scan3A_38 : i32 to index
      %swap3A_47 = arith.constant 16 : index
      %swap3A_48 = tpu.vector_load %arg10[%swap3A_46, %swap3A_47] {strides = array<i32>} : memref<128x64xf32, #tpu.memory_space<vmem>>, vector<1x16xf32>,
      %swap3A_49 = vector.shape_cast %swap3A_48 : vector<1x16xf32> to vector<16xf32>
      %swap3A_50 = vector.shape_cast %broadcast_in_dim3A_45 : vector<16xf32> to vector<1x16xf32>
      tpu.vector_store %arg10[%swap3A_46, %swap3A_47], %swap3A_50 {strides = array<i32>} : memref<128x64xf32, #tpu.memory_space<vmem>>, vector<1x16xf32>,
      %broadcast_in_dim3A_51 = arith.constant 0.000000e+00 : f32
      %broadcast_in_dim3A_52 = vector.broadcast %broadcast_in_dim3A_51 : f32 to vector<16xf32>
      %swap3A_53 = arith.index_cast %scan3A_38 : i32 to index
      %swap3A_54 = arith.constant 32 : index
      %swap3A_55 = tpu.vector_load %arg10[%swap3A_53, %swap3A_54] {strides = array<i32>} : memref<128x64xf32, #tpu.memory_space<vmem>>, vector<1x16xf32>,
      %swap3A_56 = vector.shape_cast %swap3A_55 : vector<1x16xf32> to vector<16xf32>
      %swap3A_57 = vector.shape_cast %broadcast_in_dim3A_52 : vector<16xf32> to vector<1x16xf32>
      tpu.vector_store %arg10[%swap3A_53, %swap3A_54], %swap3A_57 {strides = array<i32>} : memref<128x64xf32, #tpu.memory_space<vmem>>, vector<1x16xf32>,
      %broadcast_in_dim3A_58 = arith.constant 0.000000e+00 : f32
      %broadcast_in_dim3A_59 = vector.broadcast %broadcast_in_dim3A_58 : f32 to vector<16xf32>
      %swap3A_60 = arith.index_cast %scan3A_38 : i32 to index
      %swap3A_61 = arith.constant 48 : index
      %swap3A_62 = tpu.vector_load %arg10[%swap3A_60, %swap3A_61] {strides = array<i32>} : memref<128x64xf32, #tpu.memory_space<vmem>>, vector<1x16xf32>,
      %swap3A_63 = vector.shape_cast %swap3A_62 : vector<1x16xf32> to vector<16xf32>
      %swap3A_64 = vector.shape_cast %broadcast_in_dim3A_59 : vector<16xf32> to vector<1x16xf32>
      tpu.vector_store %arg10[%swap3A_60, %swap3A_61], %swap3A_64 {strides = array<i32>} : memref<128x64xf32, #tpu.memory_space<vmem>>, vector<1x16xf32>,
    }
    %scan3A_4 = arith.constant 128 : i32
    %mul3A = arith.constant 641 : i32
    %mul3A_5 = arith.muli %arg1, %mul3A : i32
    %add3A = arith.constant 0 : i32
    %add3A_6 = arith.addi %mul3A_5, %add3A : i32
    "tpu.region"() ({
      %run_scoped3A = tpu.sem_alloc : memref<!tpu.dma_semaphore, #tpu.memory_space<semaphore_mem>>
      %dma_start3A_38 = arith.constant 0 : i32
      %dma_start3A_39 = tpu.memref_slice %arg11[%add3A_6, %dma_start3A_38] : memref<10256x64xf32, #tpu.memory_space<vmem_shared>> -> memref<128x64xf32, #tpu.memory_space<vmem_shared>>
      %dma_start3A_40 = arith.constant 0 : i32
      %dma_start3A_41 = tpu.memref_slice %arg11[%add3A_6, %dma_start3A_40] : memref<10256x64xf32, #tpu.memory_space<vmem_shared>> -> memref<128x64xf32, #tpu.memory_space<vmem_shared>>
      tpu.enqueue_dma source(%arg10 : memref<128x64xf32, #tpu.memory_space<vmem>>) target(%dma_start3A_41 : memref<128x64xf32, #tpu.memory_space<vmem_shared>>) target_semaphore(%run_scoped3A : memref<!tpu.dma_semaphore, #tpu.memory_space<semaphore_mem>>)
      %dma_wait3A = arith.constant 0 : i32
      %dma_wait3A_42 = tpu.memref_slice %arg11[%add3A_6, %dma_wait3A] : memref<10256x64xf32, #tpu.memory_space<vmem_shared>> -> memref<128x64xf32, #tpu.memory_space<vmem_shared>>
      %dma_wait3A_43 = arith.constant 0 : i32
      %dma_wait3A_44 = tpu.memref_slice %arg11[%add3A_6, %dma_wait3A_43] : memref<10256x64xf32, #tpu.memory_space<vmem_shared>> -> memref<128x64xf32, #tpu.memory_space<vmem_shared>>
      tpu.wait_dma2 semaphore(%run_scoped3A : memref<!tpu.dma_semaphore, #tpu.memory_space<semaphore_mem>>) src(%arg10 : memref<128x64xf32, #tpu.memory_space<vmem>>) dst(%dma_wait3A_44 : memref<128x64xf32, #tpu.memory_space<vmem_shared>>)
      tpu.yield
    }) : () -> ()
    %add3A_7 = arith.constant 128 : i32
    %add3A_8 = arith.addi %mul3A_5, %add3A_7 : i32
    "tpu.region"() ({
      %run_scoped3A = tpu.sem_alloc : memref<!tpu.dma_semaphore, #tpu.memory_space<semaphore_mem>>
      %dma_start3A_38 = arith.constant 0 : i32
      %dma_start3A_39 = tpu.memref_slice %arg11[%add3A_8, %dma_start3A_38] : memref<10256x64xf32, #tpu.memory_space<vmem_shared>> -> memref<128x64xf32, #tpu.memory_space<vmem_shared>>
      %dma_start3A_40 = arith.constant 0 : i32
      %dma_start3A_41 = tpu.memref_slice %arg11[%add3A_8, %dma_start3A_40] : memref<10256x64xf32, #tpu.memory_space<vmem_shared>> -> memref<128x64xf32, #tpu.memory_space<vmem_shared>>
      tpu.enqueue_dma source(%arg10 : memref<128x64xf32, #tpu.memory_space<vmem>>) target(%dma_start3A_41 : memref<128x64xf32, #tpu.memory_space<vmem_shared>>) target_semaphore(%run_scoped3A : memref<!tpu.dma_semaphore, #tpu.memory_space<semaphore_mem>>)
      %dma_wait3A = arith.constant 0 : i32
      %dma_wait3A_42 = tpu.memref_slice %arg11[%add3A_8, %dma_wait3A] : memref<10256x64xf32, #tpu.memory_space<vmem_shared>> -> memref<128x64xf32, #tpu.memory_space<vmem_shared>>
      %dma_wait3A_43 = arith.constant 0 : i32
      %dma_wait3A_44 = tpu.memref_slice %arg11[%add3A_8, %dma_wait3A_43] : memref<10256x64xf32, #tpu.memory_space<vmem_shared>> -> memref<128x64xf32, #tpu.memory_space<vmem_shared>>
      tpu.wait_dma2 semaphore(%run_scoped3A : memref<!tpu.dma_semaphore, #tpu.memory_space<semaphore_mem>>) src(%arg10 : memref<128x64xf32, #tpu.memory_space<vmem>>) dst(%dma_wait3A_44 : memref<128x64xf32, #tpu.memory_space<vmem_shared>>)
      tpu.yield
    }) : () -> ()
    %add3A_9 = arith.constant 256 : i32
    %add3A_10 = arith.addi %mul3A_5, %add3A_9 : i32
    "tpu.region"() ({
      %run_scoped3A = tpu.sem_alloc : memref<!tpu.dma_semaphore, #tpu.memory_space<semaphore_mem>>
      %dma_start3A_38 = arith.constant 0 : i32
      %dma_start3A_39 = tpu.memref_slice %arg11[%add3A_10, %dma_start3A_38] : memref<10256x64xf32, #tpu.memory_space<vmem_shared>> -> memref<128x64xf32, #tpu.memory_space<vmem_shared>>
      %dma_start3A_40 = arith.constant 0 : i32
      %dma_start3A_41 = tpu.memref_slice %arg11[%add3A_10, %dma_start3A_40] : memref<10256x64xf32, #tpu.memory_space<vmem_shared>> -> memref<128x64xf32, #tpu.memory_space<vmem_shared>>
      tpu.enqueue_dma source(%arg10 : memref<128x64xf32, #tpu.memory_space<vmem>>) target(%dma_start3A_41 : memref<128x64xf32, #tpu.memory_space<vmem_shared>>) target_semaphore(%run_scoped3A : memref<!tpu.dma_semaphore, #tpu.memory_space<semaphore_mem>>)
      %dma_wait3A = arith.constant 0 : i32
      %dma_wait3A_42 = tpu.memref_slice %arg11[%add3A_10, %dma_wait3A] : memref<10256x64xf32, #tpu.memory_space<vmem_shared>> -> memref<128x64xf32, #tpu.memory_space<vmem_shared>>
      %dma_wait3A_43 = arith.constant 0 : i32
      %dma_wait3A_44 = tpu.memref_slice %arg11[%add3A_10, %dma_wait3A_43] : memref<10256x64xf32, #tpu.memory_space<vmem_shared>> -> memref<128x64xf32, #tpu.memory_space<vmem_shared>>
      tpu.wait_dma2 semaphore(%run_scoped3A : memref<!tpu.dma_semaphore, #tpu.memory_space<semaphore_mem>>) src(%arg10 : memref<128x64xf32, #tpu.memory_space<vmem>>) dst(%dma_wait3A_44 : memref<128x64xf32, #tpu.memory_space<vmem_shared>>)
      tpu.yield
    }) : () -> ()
    %add3A_11 = arith.constant 384 : i32
    %add3A_12 = arith.addi %mul3A_5, %add3A_11 : i32
    "tpu.region"() ({
      %run_scoped3A = tpu.sem_alloc : memref<!tpu.dma_semaphore, #tpu.memory_space<semaphore_mem>>
      %dma_start3A_38 = arith.constant 0 : i32
      %dma_start3A_39 = tpu.memref_slice %arg11[%add3A_12, %dma_start3A_38] : memref<10256x64xf32, #tpu.memory_space<vmem_shared>> -> memref<128x64xf32, #tpu.memory_space<vmem_shared>>
      %dma_start3A_40 = arith.constant 0 : i32
      %dma_start3A_41 = tpu.memref_slice %arg11[%add3A_12, %dma_start3A_40] : memref<10256x64xf32, #tpu.memory_space<vmem_shared>> -> memref<128x64xf32, #tpu.memory_space<vmem_shared>>
      tpu.enqueue_dma source(%arg10 : memref<128x64xf32, #tpu.memory_space<vmem>>) target(%dma_start3A_41 : memref<128x64xf32, #tpu.memory_space<vmem_shared>>) target_semaphore(%run_scoped3A : memref<!tpu.dma_semaphore, #tpu.memory_space<semaphore_mem>>)
      %dma_wait3A = arith.constant 0 : i32
      %dma_wait3A_42 = tpu.memref_slice %arg11[%add3A_12, %dma_wait3A] : memref<10256x64xf32, #tpu.memory_space<vmem_shared>> -> memref<128x64xf32, #tpu.memory_space<vmem_shared>>
      %dma_wait3A_43 = arith.constant 0 : i32
      %dma_wait3A_44 = tpu.memref_slice %arg11[%add3A_12, %dma_wait3A_43] : memref<10256x64xf32, #tpu.memory_space<vmem_shared>> -> memref<128x64xf32, #tpu.memory_space<vmem_shared>>
      tpu.wait_dma2 semaphore(%run_scoped3A : memref<!tpu.dma_semaphore, #tpu.memory_space<semaphore_mem>>) src(%arg10 : memref<128x64xf32, #tpu.memory_space<vmem>>) dst(%dma_wait3A_44 : memref<128x64xf32, #tpu.memory_space<vmem_shared>>)
      tpu.yield
    }) : () -> ()
    %add3A_13 = arith.constant 512 : i32
    %add3A_14 = arith.addi %mul3A_5, %add3A_13 : i32
    "tpu.region"() ({
      %run_scoped3A = tpu.sem_alloc : memref<!tpu.dma_semaphore, #tpu.memory_space<semaphore_mem>>
      %dma_start3A_38 = arith.constant 0 : i32
      %dma_start3A_39 = tpu.memref_slice %arg11[%add3A_14, %dma_start3A_38] : memref<10256x64xf32, #tpu.memory_space<vmem_shared>> -> memref<128x64xf32, #tpu.memory_space<vmem_shared>>
      %dma_start3A_40 = arith.constant 0 : i32
      %dma_start3A_41 = tpu.memref_slice %arg11[%add3A_14, %dma_start3A_40] : memref<10256x64xf32, #tpu.memory_space<vmem_shared>> -> memref<128x64xf32, #tpu.memory_space<vmem_shared>>
      tpu.enqueue_dma source(%arg10 : memref<128x64xf32, #tpu.memory_space<vmem>>) target(%dma_start3A_41 : memref<128x64xf32, #tpu.memory_space<vmem_shared>>) target_semaphore(%run_scoped3A : memref<!tpu.dma_semaphore, #tpu.memory_space<semaphore_mem>>)
      %dma_wait3A = arith.constant 0 : i32
      %dma_wait3A_42 = tpu.memref_slice %arg11[%add3A_14, %dma_wait3A] : memref<10256x64xf32, #tpu.memory_space<vmem_shared>> -> memref<128x64xf32, #tpu.memory_space<vmem_shared>>
      %dma_wait3A_43 = arith.constant 0 : i32
      %dma_wait3A_44 = tpu.memref_slice %arg11[%add3A_14, %dma_wait3A_43] : memref<10256x64xf32, #tpu.memory_space<vmem_shared>> -> memref<128x64xf32, #tpu.memory_space<vmem_shared>>
      tpu.wait_dma2 semaphore(%run_scoped3A : memref<!tpu.dma_semaphore, #tpu.memory_space<semaphore_mem>>) src(%arg10 : memref<128x64xf32, #tpu.memory_space<vmem>>) dst(%dma_wait3A_44 : memref<128x64xf32, #tpu.memory_space<vmem_shared>>)
      tpu.yield
    }) : () -> ()
    %add3A_15 = arith.constant 640 : i32
    %add3A_16 = arith.addi %mul3A_5, %add3A_15 : i32
    "tpu.region"() ({
      %run_scoped3A = tpu.sem_alloc : memref<!tpu.dma_semaphore, #tpu.memory_space<semaphore_mem>>
      %dma_start3A_38 = arith.constant 0 : i32
      %dma_start3A_39 = arith.constant 0 : i32
      %dma_start3A_40 = tpu.memref_slice %arg10[%dma_start3A_38, %dma_start3A_39] : memref<128x64xf32, #tpu.memory_space<vmem>> -> memref<1x64xf32, #tpu.memory_space<vmem>>
      %dma_start3A_41 = arith.constant 0 : i32
      %dma_start3A_42 = tpu.memref_slice %arg11[%add3A_16, %dma_start3A_41] : memref<10256x64xf32, #tpu.memory_space<vmem_shared>> -> memref<1x64xf32, #tpu.memory_space<vmem_shared>>
      %dma_start3A_43 = arith.constant 0 : i32
      %dma_start3A_44 = tpu.memref_slice %arg11[%add3A_16, %dma_start3A_43] : memref<10256x64xf32, #tpu.memory_space<vmem_shared>> -> memref<1x64xf32, #tpu.memory_space<vmem_shared>>
      %dma_start3A_45 = arith.constant 0 : i32
      %dma_start3A_46 = arith.constant 0 : i32
      %dma_start3A_47 = tpu.memref_slice %arg10[%dma_start3A_45, %dma_start3A_46] : memref<128x64xf32, #tpu.memory_space<vmem>> -> memref<1x64xf32, #tpu.memory_space<vmem>>
      tpu.enqueue_dma source(%dma_start3A_47 : memref<1x64xf32, #tpu.memory_space<vmem>>) target(%dma_start3A_44 : memref<1x64xf32, #tpu.memory_space<vmem_shared>>) target_semaphore(%run_scoped3A : memref<!tpu.dma_semaphore, #tpu.memory_space<semaphore_mem>>)
      %dma_wait3A = arith.constant 0 : i32
      %dma_wait3A_48 = arith.constant 0 : i32
      %dma_wait3A_49 = tpu.memref_slice %arg10[%dma_wait3A, %dma_wait3A_48] : memref<128x64xf32, #tpu.memory_space<vmem>> -> memref<1x64xf32, #tpu.memory_space<vmem>>
      %dma_wait3A_50 = arith.constant 0 : i32
      %dma_wait3A_51 = tpu.memref_slice %arg11[%add3A_16, %dma_wait3A_50] : memref<10256x64xf32, #tpu.memory_space<vmem_shared>> -> memref<1x64xf32, #tpu.memory_space<vmem_shared>>
      %dma_wait3A_52 = arith.constant 0 : i32
      %dma_wait3A_53 = tpu.memref_slice %arg11[%add3A_16, %dma_wait3A_52] : memref<10256x64xf32, #tpu.memory_space<vmem_shared>> -> memref<1x64xf32, #tpu.memory_space<vmem_shared>>
      %dma_wait3A_54 = arith.constant 0 : i32
      %dma_wait3A_55 = arith.constant 0 : i32
      %dma_wait3A_56 = tpu.memref_slice %arg10[%dma_wait3A_54, %dma_wait3A_55] : memref<128x64xf32, #tpu.memory_space<vmem>> -> memref<1x64xf32, #tpu.memory_space<vmem>>
      tpu.wait_dma2 semaphore(%run_scoped3A : memref<!tpu.dma_semaphore, #tpu.memory_space<semaphore_mem>>) src(%dma_wait3A_56 : memref<1x64xf32, #tpu.memory_space<vmem>>) dst(%dma_wait3A_53 : memref<1x64xf32, #tpu.memory_space<vmem_shared>>)
      tpu.yield
    }) : () -> ()
    %barrier3A = arith.constant 0 : index
    tpu.barrier barrier_id(%barrier3A)
    %dma_start3A = arith.constant 0 : i32
    %dma_start3A_17 = arith.constant 0 : i32
    %dma_start3A_18 = tpu.memref_slice %arg6[%dma_start3A, %dma_start3A_17] : memref<158x128xi32, #tpu.memory_space<vmem>> -> memref<1x128xi32, #tpu.memory_space<vmem>>
    %dma_start3A_19 = tpu.memref_squeeze %dma_start3A_18 : memref<1x128xi32, #tpu.memory_space<vmem>> -> memref<128xi32, #tpu.memory_space<vmem>>
    %dma_start3A_20 = arith.constant 0 : i32
    %dma_start3A_21 = arith.constant 0 : i32
    %dma_start3A_22 = tpu.memref_slice %arg2[%arg0, %dma_start3A_20, %dma_start3A_21] : memref<2x10240x64xf32, #tpu.memory_space<hbm>> -> memref<1x10240x64xf32, #tpu.memory_space<hbm>>
    %dma_start3A_23 = tpu.memref_squeeze %dma_start3A_22 : memref<1x10240x64xf32, #tpu.memory_space<hbm>> -> memref<10240x64xf32, #tpu.memory_space<hbm>>
    %dma_start3A_24 = arith.constant 0 : i32
    %dma_start3A_25 = arith.constant 0 : i32
    %dma_start3A_26 = tpu.memref_slice %dma_start3A_23[%dma_start3A_24, %dma_start3A_25] : memref<10240x64xf32, #tpu.memory_space<hbm>> -> memref<10240x64xf32, #tpu.memory_space<hbm>>
    tpu.enqueue_indirect_dma source(%dma_start3A_26 : memref<10240x64xf32, #tpu.memory_space<hbm>>) target(%arg8 : memref<128x64xf32, #tpu.memory_space<vmem>>) offsets(%dma_start3A_19 : memref<128xi32, #tpu.memory_space<vmem>>) semaphore(%arg12 : memref<!tpu.dma_semaphore, #tpu.memory_space<semaphore_mem>>)
    %scan3A_27 = arith.constant 0 : i32
    %scan3A_28 = arith.constant 0 : i32
    %scan3A_29 = arith.constant 79 : i32
    %scan3A_30 = arith.addi %scan3A_28, %scan3A_29 : i32
    %scan3A_31 = arith.constant 1 : i32
    scf.for %scan3A_38 = %scan3A_28 to %scan3A_30 step %scan3A_31  : i32 {
      %mul3A_39 = arith.constant 2 : i32
      %mul3A_40 = arith.muli %scan3A_38, %mul3A_39 : i32
      %add3A_41 = arith.constant 1 : i32
      %add3A_42 = arith.addi %mul3A_40, %add3A_41 : i32
      %dma_start3A_43 = arith.constant 0 : i32
      %dma_start3A_44 = tpu.memref_slice %arg6[%add3A_42, %dma_start3A_43] : memref<158x128xi32, #tpu.memory_space<vmem>> -> memref<1x128xi32, #tpu.memory_space<vmem>>
      %dma_start3A_45 = tpu.memref_squeeze %dma_start3A_44 : memref<1x128xi32, #tpu.memory_space<vmem>> -> memref<128xi32, #tpu.memory_space<vmem>>
      %dma_start3A_46 = arith.constant 0 : i32
      %dma_start3A_47 = arith.constant 0 : i32
      %dma_start3A_48 = tpu.memref_slice %arg2[%arg0, %dma_start3A_46, %dma_start3A_47] : memref<2x10240x64xf32, #tpu.memory_space<hbm>> -> memref<1x10240x64xf32, #tpu.memory_space<hbm>>
      %dma_start3A_49 = tpu.memref_squeeze %dma_start3A_48 : memref<1x10240x64xf32, #tpu.memory_space<hbm>> -> memref<10240x64xf32, #tpu.memory_space<hbm>>
      %dma_start3A_50 = arith.constant 0 : i32
      %dma_start3A_51 = arith.constant 0 : i32
      %dma_start3A_52 = tpu.memref_slice %dma_start3A_49[%dma_start3A_50, %dma_start3A_51] : memref<10240x64xf32, #tpu.memory_space<hbm>> -> memref<10240x64xf32, #tpu.memory_space<hbm>>
      tpu.enqueue_indirect_dma source(%dma_start3A_52 : memref<10240x64xf32, #tpu.memory_space<hbm>>) target(%arg9 : memref<128x64xf32, #tpu.memory_space<vmem>>) offsets(%dma_start3A_45 : memref<128xi32, #tpu.memory_space<vmem>>) semaphore(%arg13 : memref<!tpu.dma_semaphore, #tpu.memory_space<semaphore_mem>>)
      %dma_wait3A = arith.constant 0 : i32
      %dma_wait3A_53 = arith.constant 0 : i32
      %dma_wait3A_54 = tpu.memref_slice %arg2[%arg0, %dma_wait3A, %dma_wait3A_53] : memref<2x10240x64xf32, #tpu.memory_space<hbm>> -> memref<1x10240x64xf32, #tpu.memory_space<hbm>>
      %dma_wait3A_55 = tpu.memref_squeeze %dma_wait3A_54 : memref<1x10240x64xf32, #tpu.memory_space<hbm>> -> memref<10240x64xf32, #tpu.memory_space<hbm>>
      %dma_wait3A_56 = arith.constant 0 : i32
      %dma_wait3A_57 = arith.constant 0 : i32
      %dma_wait3A_58 = tpu.memref_slice %dma_wait3A_55[%dma_wait3A_56, %dma_wait3A_57] : memref<10240x64xf32, #tpu.memory_space<hbm>> -> memref<128x64xf32, #tpu.memory_space<hbm>>
      %dma_wait3A_59 = arith.constant 0 : i32
      %dma_wait3A_60 = arith.constant 0 : i32
      %dma_wait3A_61 = tpu.memref_slice %arg2[%arg0, %dma_wait3A_59, %dma_wait3A_60] : memref<2x10240x64xf32, #tpu.memory_space<hbm>> -> memref<1x10240x64xf32, #tpu.memory_space<hbm>>
      %dma_wait3A_62 = tpu.memref_squeeze %dma_wait3A_61 : memref<1x10240x64xf32, #tpu.memory_space<hbm>> -> memref<10240x64xf32, #tpu.memory_space<hbm>>
      %dma_wait3A_63 = arith.constant 0 : i32
      %dma_wait3A_64 = arith.constant 0 : i32
      %dma_wait3A_65 = tpu.memref_slice %dma_wait3A_62[%dma_wait3A_63, %dma_wait3A_64] : memref<10240x64xf32, #tpu.memory_space<hbm>> -> memref<128x64xf32, #tpu.memory_space<hbm>>
      tpu.wait_dma2 semaphore(%arg12 : memref<!tpu.dma_semaphore, #tpu.memory_space<semaphore_mem>>) src(%dma_wait3A_65 : memref<128x64xf32, #tpu.memory_space<hbm>>) dst(%arg8 : memref<128x64xf32, #tpu.memory_space<vmem>>)
      "tpu.region"() ({
        %run_scoped3A = tpu.sem_alloc : memref<!tpu.dma_semaphore, #tpu.memory_space<semaphore_mem>>
        %dma_start3A_86 = arith.constant 0 : i32
        %dma_start3A_87 = tpu.memref_slice %arg7[%mul3A_40, %dma_start3A_86] : memref<158x128xi32, #tpu.memory_space<vmem>> -> memref<1x128xi32, #tpu.memory_space<vmem>>
        %dma_start3A_88 = tpu.memref_squeeze %dma_start3A_87 : memref<1x128xi32, #tpu.memory_space<vmem>> -> memref<128xi32, #tpu.memory_space<vmem>>
        %dma_start3A_89 = arith.constant 0 : i32
        %dma_start3A_90 = arith.constant 0 : i32
        %dma_start3A_91 = tpu.memref_slice %arg11[%dma_start3A_89, %dma_start3A_90] : memref<10256x64xf32, #tpu.memory_space<vmem_shared>> -> memref<10256x64xf32, #tpu.memory_space<vmem_shared>>
        tpu.enqueue_indirect_dma source(%arg8 : memref<128x64xf32, #tpu.memory_space<vmem>>) target(%dma_start3A_91 : memref<10256x64xf32, #tpu.memory_space<vmem_shared>>) offsets(%dma_start3A_88 : memref<128xi32, #tpu.memory_space<vmem>>) semaphore(%run_scoped3A : memref<!tpu.dma_semaphore, #tpu.memory_space<semaphore_mem>>) {add = true}
        %dma_wait3A_92 = arith.constant 0 : i32
        %dma_wait3A_93 = tpu.memref_slice %arg7[%mul3A_40, %dma_wait3A_92] : memref<158x128xi32, #tpu.memory_space<vmem>> -> memref<1x128xi32, #tpu.memory_space<vmem>>
        %dma_wait3A_94 = tpu.memref_squeeze %dma_wait3A_93 : memref<1x128xi32, #tpu.memory_space<vmem>> -> memref<128xi32, #tpu.memory_space<vmem>>
        %dma_wait3A_95 = arith.constant 0 : i32
        %dma_wait3A_96 = arith.constant 0 : i32
        %dma_wait3A_97 = tpu.memref_slice %arg11[%dma_wait3A_95, %dma_wait3A_96] : memref<10256x64xf32, #tpu.memory_space<vmem_shared>> -> memref<10256x64xf32, #tpu.memory_space<vmem_shared>>
        tpu.wait_indirect_dma semaphore(%run_scoped3A : memref<!tpu.dma_semaphore, #tpu.memory_space<semaphore_mem>>) src(%arg8 : memref<128x64xf32, #tpu.memory_space<vmem>>) dst(%dma_wait3A_97 : memref<10256x64xf32, #tpu.memory_space<vmem_shared>>)
        tpu.yield
      }) : () -> ()
      %add3A_66 = arith.constant 2 : i32
      %add3A_67 = arith.addi %mul3A_40, %add3A_66 : i32
      %lt3A = arith.constant 158 : i32
      %lt3A_68 = arith.cmpi slt, %add3A_67, %lt3A : i32
      %convert_element_type3A = arith.extui %lt3A_68 : i1 to i32
      %cond3A = arith.constant 0 : i32
      %cond3A_69 = arith.cmpi ne, %convert_element_type3A, %cond3A : i32
      scf.if %cond3A_69 {
        %add3A_86 = arith.constant 2 : i32
        %add3A_87 = arith.addi %mul3A_40, %add3A_86 : i32
        %dma_start3A_88 = arith.constant 0 : i32
        %dma_start3A_89 = tpu.memref_slice %arg6[%add3A_87, %dma_start3A_88] : memref<158x128xi32, #tpu.memory_space<vmem>> -> memref<1x128xi32, #tpu.memory_space<vmem>>
        %dma_start3A_90 = tpu.memref_squeeze %dma_start3A_89 : memref<1x128xi32, #tpu.memory_space<vmem>> -> memref<128xi32, #tpu.memory_space<vmem>>
        %dma_start3A_91 = arith.constant 0 : i32
        %dma_start3A_92 = arith.constant 0 : i32
        %dma_start3A_93 = tpu.memref_slice %arg2[%arg0, %dma_start3A_91, %dma_start3A_92] : memref<2x10240x64xf32, #tpu.memory_space<hbm>> -> memref<1x10240x64xf32, #tpu.memory_space<hbm>>
        %dma_start3A_94 = tpu.memref_squeeze %dma_start3A_93 : memref<1x10240x64xf32, #tpu.memory_space<hbm>> -> memref<10240x64xf32, #tpu.memory_space<hbm>>
        %dma_start3A_95 = arith.constant 0 : i32
        %dma_start3A_96 = arith.constant 0 : i32
        %dma_start3A_97 = tpu.memref_slice %dma_start3A_94[%dma_start3A_95, %dma_start3A_96] : memref<10240x64xf32, #tpu.memory_space<hbm>> -> memref<10240x64xf32, #tpu.memory_space<hbm>>
        tpu.enqueue_indirect_dma source(%dma_start3A_97 : memref<10240x64xf32, #tpu.memory_space<hbm>>) target(%arg8 : memref<128x64xf32, #tpu.memory_space<vmem>>) offsets(%dma_start3A_90 : memref<128xi32, #tpu.memory_space<vmem>>) semaphore(%arg12 : memref<!tpu.dma_semaphore, #tpu.memory_space<semaphore_mem>>)
      } else {
      }
      %dma_wait3A_70 = arith.constant 0 : i32
      %dma_wait3A_71 = arith.constant 0 : i32
      %dma_wait3A_72 = tpu.memref_slice %arg2[%arg0, %dma_wait3A_70, %dma_wait3A_71] : memref<2x10240x64xf32, #tpu.memory_space<hbm>> -> memref<1x10240x64xf32, #tpu.memory_space<hbm>>
      %dma_wait3A_73 = tpu.memref_squeeze %dma_wait3A_72 : memref<1x10240x64xf32, #tpu.memory_space<hbm>> -> memref<10240x64xf32, #tpu.memory_space<hbm>>
      %dma_wait3A_74 = arith.constant 0 : i32
      %dma_wait3A_75 = arith.constant 0 : i32
      %dma_wait3A_76 = tpu.memref_slice %dma_wait3A_73[%dma_wait3A_74, %dma_wait3A_75] : memref<10240x64xf32, #tpu.memory_space<hbm>> -> memref<128x64xf32, #tpu.memory_space<hbm>>
      %dma_wait3A_77 = arith.constant 0 : i32
      %dma_wait3A_78 = arith.constant 0 : i32
      %dma_wait3A_79 = tpu.memref_slice %arg2[%arg0, %dma_wait3A_77, %dma_wait3A_78] : memref<2x10240x64xf32, #tpu.memory_space<hbm>> -> memref<1x10240x64xf32, #tpu.memory_space<hbm>>
      %dma_wait3A_80 = tpu.memref_squeeze %dma_wait3A_79 : memref<1x10240x64xf32, #tpu.memory_space<hbm>> -> memref<10240x64xf32, #tpu.memory_space<hbm>>
      %dma_wait3A_81 = arith.constant 0 : i32
      %dma_wait3A_82 = arith.constant 0 : i32
      %dma_wait3A_83 = tpu.memref_slice %dma_wait3A_80[%dma_wait3A_81, %dma_wait3A_82] : memref<10240x64xf32, #tpu.memory_space<hbm>> -> memref<128x64xf32, #tpu.memory_space<hbm>>
      tpu.wait_dma2 semaphore(%arg13 : memref<!tpu.dma_semaphore, #tpu.memory_space<semaphore_mem>>) src(%dma_wait3A_83 : memref<128x64xf32, #tpu.memory_space<hbm>>) dst(%arg9 : memref<128x64xf32, #tpu.memory_space<vmem>>)
      %add3A_84 = arith.constant 1 : i32
      %add3A_85 = arith.addi %mul3A_40, %add3A_84 : i32
      "tpu.region"() ({
        %run_scoped3A = tpu.sem_alloc : memref<!tpu.dma_semaphore, #tpu.memory_space<semaphore_mem>>
        %dma_start3A_86 = arith.constant 0 : i32
        %dma_start3A_87 = tpu.memref_slice %arg7[%add3A_85, %dma_start3A_86] : memref<158x128xi32, #tpu.memory_space<vmem>> -> memref<1x128xi32, #tpu.memory_space<vmem>>
        %dma_start3A_88 = tpu.memref_squeeze %dma_start3A_87 : memref<1x128xi32, #tpu.memory_space<vmem>> -> memref<128xi32, #tpu.memory_space<vmem>>
        %dma_start3A_89 = arith.constant 0 : i32
        %dma_start3A_90 = arith.constant 0 : i32
        %dma_start3A_91 = tpu.memref_slice %arg11[%dma_start3A_89, %dma_start3A_90] : memref<10256x64xf32, #tpu.memory_space<vmem_shared>> -> memref<10256x64xf32, #tpu.memory_space<vmem_shared>>
        tpu.enqueue_indirect_dma source(%arg9 : memref<128x64xf32, #tpu.memory_space<vmem>>) target(%dma_start3A_91 : memref<10256x64xf32, #tpu.memory_space<vmem_shared>>) offsets(%dma_start3A_88 : memref<128xi32, #tpu.memory_space<vmem>>) semaphore(%run_scoped3A : memref<!tpu.dma_semaphore, #tpu.memory_space<semaphore_mem>>) {add = true}
        %dma_wait3A_92 = arith.constant 0 : i32
        %dma_wait3A_93 = tpu.memref_slice %arg7[%add3A_85, %dma_wait3A_92] : memref<158x128xi32, #tpu.memory_space<vmem>> -> memref<1x128xi32, #tpu.memory_space<vmem>>
        %dma_wait3A_94 = tpu.memref_squeeze %dma_wait3A_93 : memref<1x128xi32, #tpu.memory_space<vmem>> -> memref<128xi32, #tpu.memory_space<vmem>>
        %dma_wait3A_95 = arith.constant 0 : i32
        %dma_wait3A_96 = arith.constant 0 : i32
        %dma_wait3A_97 = tpu.memref_slice %arg11[%dma_wait3A_95, %dma_wait3A_96] : memref<10256x64xf32, #tpu.memory_space<vmem_shared>> -> memref<10256x64xf32, #tpu.memory_space<vmem_shared>>
        tpu.wait_indirect_dma semaphore(%run_scoped3A : memref<!tpu.dma_semaphore, #tpu.memory_space<semaphore_mem>>) src(%arg9 : memref<128x64xf32, #tpu.memory_space<vmem>>) dst(%dma_wait3A_97 : memref<10256x64xf32, #tpu.memory_space<vmem_shared>>)
        tpu.yield
      }) : () -> ()
    }
    %scan3A_32 = arith.constant 79 : i32
    %barrier3A_33 = arith.constant 0 : index
    tpu.barrier barrier_id(%barrier3A_33)
    %mul3A_34 = arith.constant 640 : i32
    %mul3A_35 = arith.muli %arg1, %mul3A_34 : i32
    %mul3A_36 = arith.constant 640 : i32
    %mul3A_37 = arith.muli %arg1, %mul3A_36 : i32
    "tpu.region"() ({
      %run_scoped3A = tpu.sem_alloc : memref<!tpu.dma_semaphore, #tpu.memory_space<semaphore_mem>>
      %dma_start3A_38 = arith.constant 0 : i32
      %dma_start3A_39 = tpu.memref_slice %arg5[%arg0, %mul3A_37, %dma_start3A_38] : memref<2x10240x64xf32, #tpu.memory_space<hbm>> -> memref<1x640x64xf32, #tpu.memory_space<hbm>>
      %dma_start3A_40 = tpu.memref_squeeze %dma_start3A_39 : memref<1x640x64xf32, #tpu.memory_space<hbm>> -> memref<640x64xf32, #tpu.memory_space<hbm>>
      %dma_start3A_41 = arith.constant 0 : i32
      %dma_start3A_42 = tpu.memref_slice %arg11[%mul3A_35, %dma_start3A_41] : memref<10256x64xf32, #tpu.memory_space<vmem_shared>> -> memref<640x64xf32, #tpu.memory_space<vmem_shared>>
      tpu.enqueue_dma source(%dma_start3A_42 : memref<640x64xf32, #tpu.memory_space<vmem_shared>>) target(%dma_start3A_40 : memref<640x64xf32, #tpu.memory_space<hbm>>) target_semaphore(%run_scoped3A : memref<!tpu.dma_semaphore, #tpu.memory_space<semaphore_mem>>)
      %dma_wait3A = arith.constant 0 : i32
      %dma_wait3A_43 = tpu.memref_slice %arg5[%arg0, %mul3A_37, %dma_wait3A] : memref<2x10240x64xf32, #tpu.memory_space<hbm>> -> memref<1x640x64xf32, #tpu.memory_space<hbm>>
      %dma_wait3A_44 = tpu.memref_squeeze %dma_wait3A_43 : memref<1x640x64xf32, #tpu.memory_space<hbm>> -> memref<640x64xf32, #tpu.memory_space<hbm>>
      %dma_wait3A_45 = arith.constant 0 : i32
      %dma_wait3A_46 = tpu.memref_slice %arg11[%mul3A_35, %dma_wait3A_45] : memref<10256x64xf32, #tpu.memory_space<vmem_shared>> -> memref<640x64xf32, #tpu.memory_space<vmem_shared>>
      tpu.wait_dma2 semaphore(%run_scoped3A : memref<!tpu.dma_semaphore, #tpu.memory_space<semaphore_mem>>) src(%dma_wait3A_46 : memref<640x64xf32, #tpu.memory_space<vmem_shared>>) dst(%dma_wait3A_44 : memref<640x64xf32, #tpu.memory_space<hbm>>)
      tpu.yield
    }) : () -> ()
    return
  }
}

#map = affine_map<(d0, d1) -> (0, 0, 0)>
#map1 = affine_map<(d0, d1) -> (0, 0)>
module attributes {stable_mosaic.version = 14 : i64} {
  func.func @body(%arg0: i32, %arg1: i32, %arg2: memref<16x158x128xi32, #tpu.memory_space<hbm>>, %arg3: memref<2x10240xf32, #tpu.memory_space<hbm>>, %arg4: memref<158x128xi32, #tpu.memory_space<vmem>>, %arg5: memref<128xf32, #tpu.memory_space<vmem>>, %arg6: memref<656xf32, #tpu.memory_space<vmem>>, %arg7: memref<10496xf32, #tpu.memory_space<vmem_shared>>) attributes {dimension_semantics = [#tpu.dimension_semantics<core_parallel>, #tpu.dimension_semantics<subcore_parallel>], iteration_bounds = array<i64: 2, 16>, scalar_prefetch = 0 : i64, scratch_operands = 4 : i64, tpu.core_type = #tpu.core_type<sc_vector_subcore>, window_params = [{transform_indices = #map}, {transform_indices = #map1}]} {
    "tpu.region"() ({
      %run_scoped3A = tpu.sem_alloc : memref<!tpu.dma_semaphore, #tpu.memory_space<semaphore_mem>>
      %dma_start3A = arith.constant 0 : i32
      %dma_start3A_70 = arith.constant 0 : i32
      %dma_start3A_71 = tpu.memref_slice %arg2[%arg1, %dma_start3A, %dma_start3A_70] : memref<16x158x128xi32, #tpu.memory_space<hbm>> -> memref<1x158x128xi32, #tpu.memory_space<hbm>>
      %dma_start3A_72 = tpu.memref_squeeze %dma_start3A_71 : memref<1x158x128xi32, #tpu.memory_space<hbm>> -> memref<158x128xi32, #tpu.memory_space<hbm>>
      %dma_start3A_73 = arith.constant 0 : i32
      %dma_start3A_74 = arith.constant 0 : i32
      %dma_start3A_75 = tpu.memref_slice %arg2[%arg1, %dma_start3A_73, %dma_start3A_74] : memref<16x158x128xi32, #tpu.memory_space<hbm>> -> memref<1x158x128xi32, #tpu.memory_space<hbm>>
      %dma_start3A_76 = tpu.memref_squeeze %dma_start3A_75 : memref<1x158x128xi32, #tpu.memory_space<hbm>> -> memref<158x128xi32, #tpu.memory_space<hbm>>
      tpu.enqueue_dma source(%dma_start3A_76 : memref<158x128xi32, #tpu.memory_space<hbm>>) target(%arg4 : memref<158x128xi32, #tpu.memory_space<vmem>>) target_semaphore(%run_scoped3A : memref<!tpu.dma_semaphore, #tpu.memory_space<semaphore_mem>>)
      %dma_wait3A = arith.constant 0 : i32
      %dma_wait3A_77 = arith.constant 0 : i32
      %dma_wait3A_78 = tpu.memref_slice %arg2[%arg1, %dma_wait3A, %dma_wait3A_77] : memref<16x158x128xi32, #tpu.memory_space<hbm>> -> memref<1x158x128xi32, #tpu.memory_space<hbm>>
      %dma_wait3A_79 = tpu.memref_squeeze %dma_wait3A_78 : memref<1x158x128xi32, #tpu.memory_space<hbm>> -> memref<158x128xi32, #tpu.memory_space<hbm>>
      %dma_wait3A_80 = arith.constant 0 : i32
      %dma_wait3A_81 = arith.constant 0 : i32
      %dma_wait3A_82 = tpu.memref_slice %arg2[%arg1, %dma_wait3A_80, %dma_wait3A_81] : memref<16x158x128xi32, #tpu.memory_space<hbm>> -> memref<1x158x128xi32, #tpu.memory_space<hbm>>
      %dma_wait3A_83 = tpu.memref_squeeze %dma_wait3A_82 : memref<1x158x128xi32, #tpu.memory_space<hbm>> -> memref<158x128xi32, #tpu.memory_space<hbm>>
      tpu.wait_dma2 semaphore(%run_scoped3A : memref<!tpu.dma_semaphore, #tpu.memory_space<semaphore_mem>>) src(%dma_wait3A_83 : memref<158x128xi32, #tpu.memory_space<hbm>>) dst(%arg4 : memref<158x128xi32, #tpu.memory_space<vmem>>)
      tpu.yield
    }) : () -> ()
    %broadcast_in_dim3A = arith.constant 1.000000e+00 : f32
    %broadcast_in_dim3A_0 = vector.broadcast %broadcast_in_dim3A : f32 to vector<16xf32>
    %swap3A = arith.constant 0 : index
    %swap3A_1 = tpu.vector_load %arg5[%swap3A] {strides = array<i32>} : memref<128xf32, #tpu.memory_space<vmem>>, vector<16xf32>,
    %swap3A_2 = vector.shape_cast %swap3A_1 : vector<16xf32> to vector<16xf32>
    %swap3A_3 = vector.shape_cast %broadcast_in_dim3A_0 : vector<16xf32> to vector<16xf32>
    tpu.vector_store %arg5[%swap3A], %swap3A_3 {strides = array<i32>} : memref<128xf32, #tpu.memory_space<vmem>>, vector<16xf32>,
    %broadcast_in_dim3A_4 = arith.constant 1.000000e+00 : f32
    %broadcast_in_dim3A_5 = vector.broadcast %broadcast_in_dim3A_4 : f32 to vector<16xf32>
    %swap3A_6 = arith.constant 16 : index
    %swap3A_7 = tpu.vector_load %arg5[%swap3A_6] {strides = array<i32>} : memref<128xf32, #tpu.memory_space<vmem>>, vector<16xf32>,
    %swap3A_8 = vector.shape_cast %swap3A_7 : vector<16xf32> to vector<16xf32>
    %swap3A_9 = vector.shape_cast %broadcast_in_dim3A_5 : vector<16xf32> to vector<16xf32>
    tpu.vector_store %arg5[%swap3A_6], %swap3A_9 {strides = array<i32>} : memref<128xf32, #tpu.memory_space<vmem>>, vector<16xf32>,
    %broadcast_in_dim3A_10 = arith.constant 1.000000e+00 : f32
    %broadcast_in_dim3A_11 = vector.broadcast %broadcast_in_dim3A_10 : f32 to vector<16xf32>
    %swap3A_12 = arith.constant 32 : index
    %swap3A_13 = tpu.vector_load %arg5[%swap3A_12] {strides = array<i32>} : memref<128xf32, #tpu.memory_space<vmem>>, vector<16xf32>,
    %swap3A_14 = vector.shape_cast %swap3A_13 : vector<16xf32> to vector<16xf32>
    %swap3A_15 = vector.shape_cast %broadcast_in_dim3A_11 : vector<16xf32> to vector<16xf32>
    tpu.vector_store %arg5[%swap3A_12], %swap3A_15 {strides = array<i32>} : memref<128xf32, #tpu.memory_space<vmem>>, vector<16xf32>,
    %broadcast_in_dim3A_16 = arith.constant 1.000000e+00 : f32
    %broadcast_in_dim3A_17 = vector.broadcast %broadcast_in_dim3A_16 : f32 to vector<16xf32>
    %swap3A_18 = arith.constant 48 : index
    %swap3A_19 = tpu.vector_load %arg5[%swap3A_18] {strides = array<i32>} : memref<128xf32, #tpu.memory_space<vmem>>, vector<16xf32>,
    %swap3A_20 = vector.shape_cast %swap3A_19 : vector<16xf32> to vector<16xf32>
    %swap3A_21 = vector.shape_cast %broadcast_in_dim3A_17 : vector<16xf32> to vector<16xf32>
    tpu.vector_store %arg5[%swap3A_18], %swap3A_21 {strides = array<i32>} : memref<128xf32, #tpu.memory_space<vmem>>, vector<16xf32>,
    %broadcast_in_dim3A_22 = arith.constant 1.000000e+00 : f32
    %broadcast_in_dim3A_23 = vector.broadcast %broadcast_in_dim3A_22 : f32 to vector<16xf32>
    %swap3A_24 = arith.constant 64 : index
    %swap3A_25 = tpu.vector_load %arg5[%swap3A_24] {strides = array<i32>} : memref<128xf32, #tpu.memory_space<vmem>>, vector<16xf32>,
    %swap3A_26 = vector.shape_cast %swap3A_25 : vector<16xf32> to vector<16xf32>
    %swap3A_27 = vector.shape_cast %broadcast_in_dim3A_23 : vector<16xf32> to vector<16xf32>
    tpu.vector_store %arg5[%swap3A_24], %swap3A_27 {strides = array<i32>} : memref<128xf32, #tpu.memory_space<vmem>>, vector<16xf32>,
    %broadcast_in_dim3A_28 = arith.constant 1.000000e+00 : f32
    %broadcast_in_dim3A_29 = vector.broadcast %broadcast_in_dim3A_28 : f32 to vector<16xf32>
    %swap3A_30 = arith.constant 80 : index
    %swap3A_31 = tpu.vector_load %arg5[%swap3A_30] {strides = array<i32>} : memref<128xf32, #tpu.memory_space<vmem>>, vector<16xf32>,
    %swap3A_32 = vector.shape_cast %swap3A_31 : vector<16xf32> to vector<16xf32>
    %swap3A_33 = vector.shape_cast %broadcast_in_dim3A_29 : vector<16xf32> to vector<16xf32>
    tpu.vector_store %arg5[%swap3A_30], %swap3A_33 {strides = array<i32>} : memref<128xf32, #tpu.memory_space<vmem>>, vector<16xf32>,
    %broadcast_in_dim3A_34 = arith.constant 1.000000e+00 : f32
    %broadcast_in_dim3A_35 = vector.broadcast %broadcast_in_dim3A_34 : f32 to vector<16xf32>
    %swap3A_36 = arith.constant 96 : index
    %swap3A_37 = tpu.vector_load %arg5[%swap3A_36] {strides = array<i32>} : memref<128xf32, #tpu.memory_space<vmem>>, vector<16xf32>,
    %swap3A_38 = vector.shape_cast %swap3A_37 : vector<16xf32> to vector<16xf32>
    %swap3A_39 = vector.shape_cast %broadcast_in_dim3A_35 : vector<16xf32> to vector<16xf32>
    tpu.vector_store %arg5[%swap3A_36], %swap3A_39 {strides = array<i32>} : memref<128xf32, #tpu.memory_space<vmem>>, vector<16xf32>,
    %broadcast_in_dim3A_40 = arith.constant 1.000000e+00 : f32
    %broadcast_in_dim3A_41 = vector.broadcast %broadcast_in_dim3A_40 : f32 to vector<16xf32>
    %swap3A_42 = arith.constant 112 : index
    %swap3A_43 = tpu.vector_load %arg5[%swap3A_42] {strides = array<i32>} : memref<128xf32, #tpu.memory_space<vmem>>, vector<16xf32>,
    %swap3A_44 = vector.shape_cast %swap3A_43 : vector<16xf32> to vector<16xf32>
    %swap3A_45 = vector.shape_cast %broadcast_in_dim3A_41 : vector<16xf32> to vector<16xf32>
    tpu.vector_store %arg5[%swap3A_42], %swap3A_45 {strides = array<i32>} : memref<128xf32, #tpu.memory_space<vmem>>, vector<16xf32>,
    %scan3A = arith.constant 0 : i32
    %scan3A_46 = arith.constant 0 : i32
    %scan3A_47 = arith.constant 41 : i32
    %scan3A_48 = arith.addi %scan3A_46, %scan3A_47 : i32
    %scan3A_49 = arith.constant 1 : i32
    scf.for %scan3A_70 = %scan3A_46 to %scan3A_48 step %scan3A_49  : i32 {
      %broadcast_in_dim3A_71 = arith.constant 0.000000e+00 : f32
      %broadcast_in_dim3A_72 = vector.broadcast %broadcast_in_dim3A_71 : f32 to vector<16xf32>
      %mul3A_73 = arith.constant 16 : i32
      %mul3A_74 = arith.muli %scan3A_70, %mul3A_73 : i32
      %swap3A_75 = arith.index_cast %mul3A_74 : i32 to index
      %swap3A_76 = tpu.vector_load %arg6[%swap3A_75] {strides = array<i32>} : memref<656xf32, #tpu.memory_space<vmem>>, vector<16xf32>,
      %swap3A_77 = vector.shape_cast %swap3A_76 : vector<16xf32> to vector<16xf32>
      %swap3A_78 = vector.shape_cast %broadcast_in_dim3A_72 : vector<16xf32> to vector<16xf32>
      tpu.vector_store %arg6[%swap3A_75], %swap3A_78 {strides = array<i32>} : memref<656xf32, #tpu.memory_space<vmem>>, vector<16xf32>,
    }
    %scan3A_50 = arith.constant 41 : i32
    %mul3A = arith.constant 656 : i32
    %mul3A_51 = arith.muli %arg1, %mul3A : i32
    "tpu.region"() ({
      %run_scoped3A = tpu.sem_alloc : memref<!tpu.dma_semaphore, #tpu.memory_space<semaphore_mem>>
      %dma_start3A = tpu.memref_slice %arg7[%mul3A_51] : memref<10496xf32, #tpu.memory_space<vmem_shared>> -> memref<656xf32, #tpu.memory_space<vmem_shared>>
      %dma_start3A_70 = tpu.memref_slice %arg7[%mul3A_51] : memref<10496xf32, #tpu.memory_space<vmem_shared>> -> memref<656xf32, #tpu.memory_space<vmem_shared>>
      tpu.enqueue_dma source(%arg6 : memref<656xf32, #tpu.memory_space<vmem>>) target(%dma_start3A_70 : memref<656xf32, #tpu.memory_space<vmem_shared>>) target_semaphore(%run_scoped3A : memref<!tpu.dma_semaphore, #tpu.memory_space<semaphore_mem>>)
      %dma_wait3A = tpu.memref_slice %arg7[%mul3A_51] : memref<10496xf32, #tpu.memory_space<vmem_shared>> -> memref<656xf32, #tpu.memory_space<vmem_shared>>
      %dma_wait3A_71 = tpu.memref_slice %arg7[%mul3A_51] : memref<10496xf32, #tpu.memory_space<vmem_shared>> -> memref<656xf32, #tpu.memory_space<vmem_shared>>
      tpu.wait_dma2 semaphore(%run_scoped3A : memref<!tpu.dma_semaphore, #tpu.memory_space<semaphore_mem>>) src(%arg6 : memref<656xf32, #tpu.memory_space<vmem>>) dst(%dma_wait3A_71 : memref<656xf32, #tpu.memory_space<vmem_shared>>)
      tpu.yield
    }) : () -> ()
    %barrier3A = arith.constant 0 : index
    tpu.barrier barrier_id(%barrier3A)
    %mul3A_52 = arith.constant 79 : i32
    %mul3A_53 = arith.muli %arg0, %mul3A_52 : i32
    %add3A = arith.constant 1 : i32
    %add3A_54 = arith.addi %arg0, %add3A : i32
    %mul3A_55 = arith.constant 79 : i32
    %mul3A_56 = arith.muli %add3A_54, %mul3A_55 : i32
    %while3A = arith.constant 0 : i32
    %while3A_57 = arith.subi %mul3A_56, %mul3A_53 : i32
    %while3A_58 = arith.addi %mul3A_53, %while3A_57 : i32
    %while3A_59 = arith.constant 1 : i32
    %while3A_60 = arith.divsi %while3A_57, %while3A_59 : i32
    %while3A_61 = arith.muli %while3A_60, %while3A_59 : i32
    %while3A_62 = arith.addi %mul3A_53, %while3A_61 : i32
    %while3A_63 = arith.constant 1 : i32
    scf.for %while3A_70 = %mul3A_53 to %while3A_62 step %while3A_63  : i32 {
      "tpu.region"() ({
        %run_scoped3A = tpu.sem_alloc : memref<!tpu.dma_semaphore, #tpu.memory_space<semaphore_mem>>
        %dma_start3A = arith.constant 0 : i32
        %dma_start3A_71 = tpu.memref_slice %arg4[%while3A_70, %dma_start3A] : memref<158x128xi32, #tpu.memory_space<vmem>> -> memref<1x128xi32, #tpu.memory_space<vmem>>
        %dma_start3A_72 = tpu.memref_squeeze %dma_start3A_71 : memref<1x128xi32, #tpu.memory_space<vmem>> -> memref<128xi32, #tpu.memory_space<vmem>>
        %dma_start3A_73 = arith.constant 0 : i32
        %dma_start3A_74 = tpu.memref_slice %arg7[%dma_start3A_73] : memref<10496xf32, #tpu.memory_space<vmem_shared>> -> memref<10496xf32, #tpu.memory_space<vmem_shared>>
        tpu.enqueue_indirect_dma source(%arg5 : memref<128xf32, #tpu.memory_space<vmem>>) target(%dma_start3A_74 : memref<10496xf32, #tpu.memory_space<vmem_shared>>) offsets(%dma_start3A_72 : memref<128xi32, #tpu.memory_space<vmem>>) semaphore(%run_scoped3A : memref<!tpu.dma_semaphore, #tpu.memory_space<semaphore_mem>>) {add = true}
        %dma_wait3A = arith.constant 0 : i32
        %dma_wait3A_75 = tpu.memref_slice %arg4[%while3A_70, %dma_wait3A] : memref<158x128xi32, #tpu.memory_space<vmem>> -> memref<1x128xi32, #tpu.memory_space<vmem>>
        %dma_wait3A_76 = tpu.memref_squeeze %dma_wait3A_75 : memref<1x128xi32, #tpu.memory_space<vmem>> -> memref<128xi32, #tpu.memory_space<vmem>>
        %dma_wait3A_77 = arith.constant 0 : i32
        %dma_wait3A_78 = tpu.memref_slice %arg7[%dma_wait3A_77] : memref<10496xf32, #tpu.memory_space<vmem_shared>> -> memref<10496xf32, #tpu.memory_space<vmem_shared>>
        tpu.wait_indirect_dma semaphore(%run_scoped3A : memref<!tpu.dma_semaphore, #tpu.memory_space<semaphore_mem>>) src(%arg5 : memref<128xf32, #tpu.memory_space<vmem>>) dst(%dma_wait3A_78 : memref<10496xf32, #tpu.memory_space<vmem_shared>>)
        tpu.yield
      }) : () -> ()
    }
    %while3A_64 = arith.constant 1 : i32
    scf.for %while3A_70 = %while3A_62 to %while3A_58 step %while3A_64  : i32 {
      "tpu.region"() ({
        %run_scoped3A = tpu.sem_alloc : memref<!tpu.dma_semaphore, #tpu.memory_space<semaphore_mem>>
        %dma_start3A = arith.constant 0 : i32
        %dma_start3A_71 = tpu.memref_slice %arg4[%while3A_70, %dma_start3A] : memref<158x128xi32, #tpu.memory_space<vmem>> -> memref<1x128xi32, #tpu.memory_space<vmem>>
        %dma_start3A_72 = tpu.memref_squeeze %dma_start3A_71 : memref<1x128xi32, #tpu.memory_space<vmem>> -> memref<128xi32, #tpu.memory_space<vmem>>
        %dma_start3A_73 = arith.constant 0 : i32
        %dma_start3A_74 = tpu.memref_slice %arg7[%dma_start3A_73] : memref<10496xf32, #tpu.memory_space<vmem_shared>> -> memref<10496xf32, #tpu.memory_space<vmem_shared>>
        tpu.enqueue_indirect_dma source(%arg5 : memref<128xf32, #tpu.memory_space<vmem>>) target(%dma_start3A_74 : memref<10496xf32, #tpu.memory_space<vmem_shared>>) offsets(%dma_start3A_72 : memref<128xi32, #tpu.memory_space<vmem>>) semaphore(%run_scoped3A : memref<!tpu.dma_semaphore, #tpu.memory_space<semaphore_mem>>) {add = true}
        %dma_wait3A = arith.constant 0 : i32
        %dma_wait3A_75 = tpu.memref_slice %arg4[%while3A_70, %dma_wait3A] : memref<158x128xi32, #tpu.memory_space<vmem>> -> memref<1x128xi32, #tpu.memory_space<vmem>>
        %dma_wait3A_76 = tpu.memref_squeeze %dma_wait3A_75 : memref<1x128xi32, #tpu.memory_space<vmem>> -> memref<128xi32, #tpu.memory_space<vmem>>
        %dma_wait3A_77 = arith.constant 0 : i32
        %dma_wait3A_78 = tpu.memref_slice %arg7[%dma_wait3A_77] : memref<10496xf32, #tpu.memory_space<vmem_shared>> -> memref<10496xf32, #tpu.memory_space<vmem_shared>>
        tpu.wait_indirect_dma semaphore(%run_scoped3A : memref<!tpu.dma_semaphore, #tpu.memory_space<semaphore_mem>>) src(%arg5 : memref<128xf32, #tpu.memory_space<vmem>>) dst(%dma_wait3A_78 : memref<10496xf32, #tpu.memory_space<vmem_shared>>)
        tpu.yield
      }) : () -> ()
    }
    %barrier3A_65 = arith.constant 0 : index
    tpu.barrier barrier_id(%barrier3A_65)
    %mul3A_66 = arith.constant 640 : i32
    %mul3A_67 = arith.muli %arg1, %mul3A_66 : i32
    %mul3A_68 = arith.constant 640 : i32
    %mul3A_69 = arith.muli %arg1, %mul3A_68 : i32
    "tpu.region"() ({
      %run_scoped3A = tpu.sem_alloc : memref<!tpu.dma_semaphore, #tpu.memory_space<semaphore_mem>>
      %dma_start3A = tpu.memref_slice %arg3[%arg0, %mul3A_69] : memref<2x10240xf32, #tpu.memory_space<hbm>> -> memref<1x640xf32, #tpu.memory_space<hbm>>
      %dma_start3A_70 = tpu.memref_squeeze %dma_start3A : memref<1x640xf32, #tpu.memory_space<hbm>> -> memref<640xf32, #tpu.memory_space<hbm>>
      %dma_start3A_71 = tpu.memref_slice %arg7[%mul3A_67] : memref<10496xf32, #tpu.memory_space<vmem_shared>> -> memref<640xf32, #tpu.memory_space<vmem_shared>>
      tpu.enqueue_dma source(%dma_start3A_71 : memref<640xf32, #tpu.memory_space<vmem_shared>>) target(%dma_start3A_70 : memref<640xf32, #tpu.memory_space<hbm>>) target_semaphore(%run_scoped3A : memref<!tpu.dma_semaphore, #tpu.memory_space<semaphore_mem>>)
      %dma_wait3A = tpu.memref_slice %arg3[%arg0, %mul3A_69] : memref<2x10240xf32, #tpu.memory_space<hbm>> -> memref<1x640xf32, #tpu.memory_space<hbm>>
      %dma_wait3A_72 = tpu.memref_squeeze %dma_wait3A : memref<1x640xf32, #tpu.memory_space<hbm>> -> memref<640xf32, #tpu.memory_space<hbm>>
      %dma_wait3A_73 = tpu.memref_slice %arg7[%mul3A_67] : memref<10496xf32, #tpu.memory_space<vmem_shared>> -> memref<640xf32, #tpu.memory_space<vmem_shared>>
      tpu.wait_dma2 semaphore(%run_scoped3A : memref<!tpu.dma_semaphore, #tpu.memory_space<semaphore_mem>>) src(%dma_wait3A_73 : memref<640xf32, #tpu.memory_space<vmem_shared>>) dst(%dma_wait3A_72 : memref<640xf32, #tpu.memory_space<hbm>>)
      tpu.yield
    }) : () -> ()
    return
  }
}

#map = affine_map<(d0, d1) -> (0, 0, 0)>
module attributes {stable_mosaic.version = 14 : i64} {
  func.func @body(%arg0: i32, %arg1: i32, %arg2: memref<2x10240x64xf32, #tpu.memory_space<hbm>>, %arg3: memref<16x158x128xi32, #tpu.memory_space<hbm>>, %arg4: memref<16x158x128xi32, #tpu.memory_space<hbm>>, %arg5: memref<2x10240x64xf32, #tpu.memory_space<hbm>>, %arg6: memref<158x128xi32, #tpu.memory_space<vmem>>, %arg7: memref<158x128xi32, #tpu.memory_space<vmem>>, %arg8: memref<128x64xf32, #tpu.memory_space<vmem>>, %arg9: memref<128x64xf32, #tpu.memory_space<vmem>>, %arg10: memref<128x64xf32, #tpu.memory_space<vmem>>, %arg11: memref<10256x64xf32, #tpu.memory_space<vmem_shared>>, %arg12: memref<!tpu.dma_semaphore, #tpu.memory_space<semaphore_mem>>, %arg13: memref<!tpu.dma_semaphore, #tpu.memory_space<semaphore_mem>>) attributes {dimension_semantics = [#tpu.dimension_semantics<core_parallel>, #tpu.dimension_semantics<subcore_parallel>], iteration_bounds = array<i64: 2, 16>, scalar_prefetch = 0 : i64, scratch_operands = 8 : i64, tpu.core_type = #tpu.core_type<sc_vector_subcore>, window_params = [{transform_indices = #map}, {transform_indices = #map}, {transform_indices = #map}, {transform_indices = #map}]} {
    "tpu.region"() ({
      %run_scoped3A = tpu.sem_alloc : memref<!tpu.dma_semaphore, #tpu.memory_space<semaphore_mem>>
      %dma_start3A_38 = arith.constant 0 : i32
      %dma_start3A_39 = arith.constant 0 : i32
      %dma_start3A_40 = tpu.memref_slice %arg3[%arg1, %dma_start3A_38, %dma_start3A_39] : memref<16x158x128xi32, #tpu.memory_space<hbm>> -> memref<1x158x128xi32, #tpu.memory_space<hbm>>
      %dma_start3A_41 = tpu.memref_squeeze %dma_start3A_40 : memref<1x158x128xi32, #tpu.memory_space<hbm>> -> memref<158x128xi32, #tpu.memory_space<hbm>>
      %dma_start3A_42 = arith.constant 0 : i32
      %dma_start3A_43 = arith.constant 0 : i32
      %dma_start3A_44 = tpu.memref_slice %arg3[%arg1, %dma_start3A_42, %dma_start3A_43] : memref<16x158x128xi32, #tpu.memory_space<hbm>> -> memref<1x158x128xi32, #tpu.memory_space<hbm>>
      %dma_start3A_45 = tpu.memref_squeeze %dma_start3A_44 : memref<1x158x128xi32, #tpu.memory_space<hbm>> -> memref<158x128xi32, #tpu.memory_space<hbm>>
      tpu.enqueue_dma source(%dma_start3A_45 : memref<158x128xi32, #tpu.memory_space<hbm>>) target(%arg6 : memref<158x128xi32, #tpu.memory_space<vmem>>) target_semaphore(%run_scoped3A : memref<!tpu.dma_semaphore, #tpu.memory_space<semaphore_mem>>)
      %dma_wait3A = arith.constant 0 : i32
      %dma_wait3A_46 = arith.constant 0 : i32
      %dma_wait3A_47 = tpu.memref_slice %arg3[%arg1, %dma_wait3A, %dma_wait3A_46] : memref<16x158x128xi32, #tpu.memory_space<hbm>> -> memref<1x158x128xi32, #tpu.memory_space<hbm>>
      %dma_wait3A_48 = tpu.memref_squeeze %dma_wait3A_47 : memref<1x158x128xi32, #tpu.memory_space<hbm>> -> memref<158x128xi32, #tpu.memory_space<hbm>>
      %dma_wait3A_49 = arith.constant 0 : i32
      %dma_wait3A_50 = arith.constant 0 : i32
      %dma_wait3A_51 = tpu.memref_slice %arg3[%arg1, %dma_wait3A_49, %dma_wait3A_50] : memref<16x158x128xi32, #tpu.memory_space<hbm>> -> memref<1x158x128xi32, #tpu.memory_space<hbm>>
      %dma_wait3A_52 = tpu.memref_squeeze %dma_wait3A_51 : memref<1x158x128xi32, #tpu.memory_space<hbm>> -> memref<158x128xi32, #tpu.memory_space<hbm>>
      tpu.wait_dma2 semaphore(%run_scoped3A : memref<!tpu.dma_semaphore, #tpu.memory_space<semaphore_mem>>) src(%dma_wait3A_52 : memref<158x128xi32, #tpu.memory_space<hbm>>) dst(%arg6 : memref<158x128xi32, #tpu.memory_space<vmem>>)
      tpu.yield
    }) : () -> ()
    "tpu.region"() ({
      %run_scoped3A = tpu.sem_alloc : memref<!tpu.dma_semaphore, #tpu.memory_space<semaphore_mem>>
      %dma_start3A_38 = arith.constant 0 : i32
      %dma_start3A_39 = arith.constant 0 : i32
      %dma_start3A_40 = tpu.memref_slice %arg4[%arg1, %dma_start3A_38, %dma_start3A_39] : memref<16x158x128xi32, #tpu.memory_space<hbm>> -> memref<1x158x128xi32, #tpu.memory_space<hbm>>
      %dma_start3A_41 = tpu.memref_squeeze %dma_start3A_40 : memref<1x158x128xi32, #tpu.memory_space<hbm>> -> memref<158x128xi32, #tpu.memory_space<hbm>>
      %dma_start3A_42 = arith.constant 0 : i32
      %dma_start3A_43 = arith.constant 0 : i32
      %dma_start3A_44 = tpu.memref_slice %arg4[%arg1, %dma_start3A_42, %dma_start3A_43] : memref<16x158x128xi32, #tpu.memory_space<hbm>> -> memref<1x158x128xi32, #tpu.memory_space<hbm>>
      %dma_start3A_45 = tpu.memref_squeeze %dma_start3A_44 : memref<1x158x128xi32, #tpu.memory_space<hbm>> -> memref<158x128xi32, #tpu.memory_space<hbm>>
      tpu.enqueue_dma source(%dma_start3A_45 : memref<158x128xi32, #tpu.memory_space<hbm>>) target(%arg7 : memref<158x128xi32, #tpu.memory_space<vmem>>) target_semaphore(%run_scoped3A : memref<!tpu.dma_semaphore, #tpu.memory_space<semaphore_mem>>)
      %dma_wait3A = arith.constant 0 : i32
      %dma_wait3A_46 = arith.constant 0 : i32
      %dma_wait3A_47 = tpu.memref_slice %arg4[%arg1, %dma_wait3A, %dma_wait3A_46] : memref<16x158x128xi32, #tpu.memory_space<hbm>> -> memref<1x158x128xi32, #tpu.memory_space<hbm>>
      %dma_wait3A_48 = tpu.memref_squeeze %dma_wait3A_47 : memref<1x158x128xi32, #tpu.memory_space<hbm>> -> memref<158x128xi32, #tpu.memory_space<hbm>>
      %dma_wait3A_49 = arith.constant 0 : i32
      %dma_wait3A_50 = arith.constant 0 : i32
      %dma_wait3A_51 = tpu.memref_slice %arg4[%arg1, %dma_wait3A_49, %dma_wait3A_50] : memref<16x158x128xi32, #tpu.memory_space<hbm>> -> memref<1x158x128xi32, #tpu.memory_space<hbm>>
      %dma_wait3A_52 = tpu.memref_squeeze %dma_wait3A_51 : memref<1x158x128xi32, #tpu.memory_space<hbm>> -> memref<158x128xi32, #tpu.memory_space<hbm>>
      tpu.wait_dma2 semaphore(%run_scoped3A : memref<!tpu.dma_semaphore, #tpu.memory_space<semaphore_mem>>) src(%dma_wait3A_52 : memref<158x128xi32, #tpu.memory_space<hbm>>) dst(%arg7 : memref<158x128xi32, #tpu.memory_space<vmem>>)
      tpu.yield
    }) : () -> ()
    %scan3A = arith.constant 0 : i32
    %scan3A_0 = arith.constant 0 : i32
    %scan3A_1 = arith.constant 128 : i32
    %scan3A_2 = arith.addi %scan3A_0, %scan3A_1 : i32
    %scan3A_3 = arith.constant 1 : i32
    scf.for %scan3A_38 = %scan3A_0 to %scan3A_2 step %scan3A_3  : i32 {
      %broadcast_in_dim3A = arith.constant 0.000000e+00 : f32
      %broadcast_in_dim3A_39 = vector.broadcast %broadcast_in_dim3A : f32 to vector<16xf32>
      %swap3A = arith.index_cast %scan3A_38 : i32 to index
      %swap3A_40 = arith.constant 0 : index
      %swap3A_41 = tpu.vector_load %arg10[%swap3A, %swap3A_40] {strides = array<i32>} : memref<128x64xf32, #tpu.memory_space<vmem>>, vector<1x16xf32>,
      %swap3A_42 = vector.shape_cast %swap3A_41 : vector<1x16xf32> to vector<16xf32>
      %swap3A_43 = vector.shape_cast %broadcast_in_dim3A_39 : vector<16xf32> to vector<1x16xf32>
      tpu.vector_store %arg10[%swap3A, %swap3A_40], %swap3A_43 {strides = array<i32>} : memref<128x64xf32, #tpu.memory_space<vmem>>, vector<1x16xf32>,
      %broadcast_in_dim3A_44 = arith.constant 0.000000e+00 : f32
      %broadcast_in_dim3A_45 = vector.broadcast %broadcast_in_dim3A_44 : f32 to vector<16xf32>
      %swap3A_46 = arith.index_cast %scan3A_38 : i32 to index
      %swap3A_47 = arith.constant 16 : index
      %swap3A_48 = tpu.vector_load %arg10[%swap3A_46, %swap3A_47] {strides = array<i32>} : memref<128x64xf32, #tpu.memory_space<vmem>>, vector<1x16xf32>,
      %swap3A_49 = vector.shape_cast %swap3A_48 : vector<1x16xf32> to vector<16xf32>
      %swap3A_50 = vector.shape_cast %broadcast_in_dim3A_45 : vector<16xf32> to vector<1x16xf32>
      tpu.vector_store %arg10[%swap3A_46, %swap3A_47], %swap3A_50 {strides = array<i32>} : memref<128x64xf32, #tpu.memory_space<vmem>>, vector<1x16xf32>,
      %broadcast_in_dim3A_51 = arith.constant 0.000000e+00 : f32
      %broadcast_in_dim3A_52 = vector.broadcast %broadcast_in_dim3A_51 : f32 to vector<16xf32>
      %swap3A_53 = arith.index_cast %scan3A_38 : i32 to index
      %swap3A_54 = arith.constant 32 : index
      %swap3A_55 = tpu.vector_load %arg10[%swap3A_53, %swap3A_54] {strides = array<i32>} : memref<128x64xf32, #tpu.memory_space<vmem>>, vector<1x16xf32>,
      %swap3A_56 = vector.shape_cast %swap3A_55 : vector<1x16xf32> to vector<16xf32>
      %swap3A_57 = vector.shape_cast %broadcast_in_dim3A_52 : vector<16xf32> to vector<1x16xf32>
      tpu.vector_store %arg10[%swap3A_53, %swap3A_54], %swap3A_57 {strides = array<i32>} : memref<128x64xf32, #tpu.memory_space<vmem>>, vector<1x16xf32>,
      %broadcast_in_dim3A_58 = arith.constant 0.000000e+00 : f32
      %broadcast_in_dim3A_59 = vector.broadcast %broadcast_in_dim3A_58 : f32 to vector<16xf32>
      %swap3A_60 = arith.index_cast %scan3A_38 : i32 to index
      %swap3A_61 = arith.constant 48 : index
      %swap3A_62 = tpu.vector_load %arg10[%swap3A_60, %swap3A_61] {strides = array<i32>} : memref<128x64xf32, #tpu.memory_space<vmem>>, vector<1x16xf32>,
      %swap3A_63 = vector.shape_cast %swap3A_62 : vector<1x16xf32> to vector<16xf32>
      %swap3A_64 = vector.shape_cast %broadcast_in_dim3A_59 : vector<16xf32> to vector<1x16xf32>
      tpu.vector_store %arg10[%swap3A_60, %swap3A_61], %swap3A_64 {strides = array<i32>} : memref<128x64xf32, #tpu.memory_space<vmem>>, vector<1x16xf32>,
    }
    %scan3A_4 = arith.constant 128 : i32
    %mul3A = arith.constant 641 : i32
    %mul3A_5 = arith.muli %arg1, %mul3A : i32
    %add3A = arith.constant 0 : i32
    %add3A_6 = arith.addi %mul3A_5, %add3A : i32
    "tpu.region"() ({
      %run_scoped3A = tpu.sem_alloc : memref<!tpu.dma_semaphore, #tpu.memory_space<semaphore_mem>>
      %dma_start3A_38 = arith.constant 0 : i32
      %dma_start3A_39 = tpu.memref_slice %arg11[%add3A_6, %dma_start3A_38] : memref<10256x64xf32, #tpu.memory_space<vmem_shared>> -> memref<128x64xf32, #tpu.memory_space<vmem_shared>>
      %dma_start3A_40 = arith.constant 0 : i32
      %dma_start3A_41 = tpu.memref_slice %arg11[%add3A_6, %dma_start3A_40] : memref<10256x64xf32, #tpu.memory_space<vmem_shared>> -> memref<128x64xf32, #tpu.memory_space<vmem_shared>>
      tpu.enqueue_dma source(%arg10 : memref<128x64xf32, #tpu.memory_space<vmem>>) target(%dma_start3A_41 : memref<128x64xf32, #tpu.memory_space<vmem_shared>>) target_semaphore(%run_scoped3A : memref<!tpu.dma_semaphore, #tpu.memory_space<semaphore_mem>>)
      %dma_wait3A = arith.constant 0 : i32
      %dma_wait3A_42 = tpu.memref_slice %arg11[%add3A_6, %dma_wait3A] : memref<10256x64xf32, #tpu.memory_space<vmem_shared>> -> memref<128x64xf32, #tpu.memory_space<vmem_shared>>
      %dma_wait3A_43 = arith.constant 0 : i32
      %dma_wait3A_44 = tpu.memref_slice %arg11[%add3A_6, %dma_wait3A_43] : memref<10256x64xf32, #tpu.memory_space<vmem_shared>> -> memref<128x64xf32, #tpu.memory_space<vmem_shared>>
      tpu.wait_dma2 semaphore(%run_scoped3A : memref<!tpu.dma_semaphore, #tpu.memory_space<semaphore_mem>>) src(%arg10 : memref<128x64xf32, #tpu.memory_space<vmem>>) dst(%dma_wait3A_44 : memref<128x64xf32, #tpu.memory_space<vmem_shared>>)
      tpu.yield
    }) : () -> ()
    %add3A_7 = arith.constant 128 : i32
    %add3A_8 = arith.addi %mul3A_5, %add3A_7 : i32
    "tpu.region"() ({
      %run_scoped3A = tpu.sem_alloc : memref<!tpu.dma_semaphore, #tpu.memory_space<semaphore_mem>>
      %dma_start3A_38 = arith.constant 0 : i32
      %dma_start3A_39 = tpu.memref_slice %arg11[%add3A_8, %dma_start3A_38] : memref<10256x64xf32, #tpu.memory_space<vmem_shared>> -> memref<128x64xf32, #tpu.memory_space<vmem_shared>>
      %dma_start3A_40 = arith.constant 0 : i32
      %dma_start3A_41 = tpu.memref_slice %arg11[%add3A_8, %dma_start3A_40] : memref<10256x64xf32, #tpu.memory_space<vmem_shared>> -> memref<128x64xf32, #tpu.memory_space<vmem_shared>>
      tpu.enqueue_dma source(%arg10 : memref<128x64xf32, #tpu.memory_space<vmem>>) target(%dma_start3A_41 : memref<128x64xf32, #tpu.memory_space<vmem_shared>>) target_semaphore(%run_scoped3A : memref<!tpu.dma_semaphore, #tpu.memory_space<semaphore_mem>>)
      %dma_wait3A = arith.constant 0 : i32
      %dma_wait3A_42 = tpu.memref_slice %arg11[%add3A_8, %dma_wait3A] : memref<10256x64xf32, #tpu.memory_space<vmem_shared>> -> memref<128x64xf32, #tpu.memory_space<vmem_shared>>
      %dma_wait3A_43 = arith.constant 0 : i32
      %dma_wait3A_44 = tpu.memref_slice %arg11[%add3A_8, %dma_wait3A_43] : memref<10256x64xf32, #tpu.memory_space<vmem_shared>> -> memref<128x64xf32, #tpu.memory_space<vmem_shared>>
      tpu.wait_dma2 semaphore(%run_scoped3A : memref<!tpu.dma_semaphore, #tpu.memory_space<semaphore_mem>>) src(%arg10 : memref<128x64xf32, #tpu.memory_space<vmem>>) dst(%dma_wait3A_44 : memref<128x64xf32, #tpu.memory_space<vmem_shared>>)
      tpu.yield
    }) : () -> ()
    %add3A_9 = arith.constant 256 : i32
    %add3A_10 = arith.addi %mul3A_5, %add3A_9 : i32
    "tpu.region"() ({
      %run_scoped3A = tpu.sem_alloc : memref<!tpu.dma_semaphore, #tpu.memory_space<semaphore_mem>>
      %dma_start3A_38 = arith.constant 0 : i32
      %dma_start3A_39 = tpu.memref_slice %arg11[%add3A_10, %dma_start3A_38] : memref<10256x64xf32, #tpu.memory_space<vmem_shared>> -> memref<128x64xf32, #tpu.memory_space<vmem_shared>>
      %dma_start3A_40 = arith.constant 0 : i32
      %dma_start3A_41 = tpu.memref_slice %arg11[%add3A_10, %dma_start3A_40] : memref<10256x64xf32, #tpu.memory_space<vmem_shared>> -> memref<128x64xf32, #tpu.memory_space<vmem_shared>>
      tpu.enqueue_dma source(%arg10 : memref<128x64xf32, #tpu.memory_space<vmem>>) target(%dma_start3A_41 : memref<128x64xf32, #tpu.memory_space<vmem_shared>>) target_semaphore(%run_scoped3A : memref<!tpu.dma_semaphore, #tpu.memory_space<semaphore_mem>>)
      %dma_wait3A = arith.constant 0 : i32
      %dma_wait3A_42 = tpu.memref_slice %arg11[%add3A_10, %dma_wait3A] : memref<10256x64xf32, #tpu.memory_space<vmem_shared>> -> memref<128x64xf32, #tpu.memory_space<vmem_shared>>
      %dma_wait3A_43 = arith.constant 0 : i32
      %dma_wait3A_44 = tpu.memref_slice %arg11[%add3A_10, %dma_wait3A_43] : memref<10256x64xf32, #tpu.memory_space<vmem_shared>> -> memref<128x64xf32, #tpu.memory_space<vmem_shared>>
      tpu.wait_dma2 semaphore(%run_scoped3A : memref<!tpu.dma_semaphore, #tpu.memory_space<semaphore_mem>>) src(%arg10 : memref<128x64xf32, #tpu.memory_space<vmem>>) dst(%dma_wait3A_44 : memref<128x64xf32, #tpu.memory_space<vmem_shared>>)
      tpu.yield
    }) : () -> ()
    %add3A_11 = arith.constant 384 : i32
    %add3A_12 = arith.addi %mul3A_5, %add3A_11 : i32
    "tpu.region"() ({
      %run_scoped3A = tpu.sem_alloc : memref<!tpu.dma_semaphore, #tpu.memory_space<semaphore_mem>>
      %dma_start3A_38 = arith.constant 0 : i32
      %dma_start3A_39 = tpu.memref_slice %arg11[%add3A_12, %dma_start3A_38] : memref<10256x64xf32, #tpu.memory_space<vmem_shared>> -> memref<128x64xf32, #tpu.memory_space<vmem_shared>>
      %dma_start3A_40 = arith.constant 0 : i32
      %dma_start3A_41 = tpu.memref_slice %arg11[%add3A_12, %dma_start3A_40] : memref<10256x64xf32, #tpu.memory_space<vmem_shared>> -> memref<128x64xf32, #tpu.memory_space<vmem_shared>>
      tpu.enqueue_dma source(%arg10 : memref<128x64xf32, #tpu.memory_space<vmem>>) target(%dma_start3A_41 : memref<128x64xf32, #tpu.memory_space<vmem_shared>>) target_semaphore(%run_scoped3A : memref<!tpu.dma_semaphore, #tpu.memory_space<semaphore_mem>>)
      %dma_wait3A = arith.constant 0 : i32
      %dma_wait3A_42 = tpu.memref_slice %arg11[%add3A_12, %dma_wait3A] : memref<10256x64xf32, #tpu.memory_space<vmem_shared>> -> memref<128x64xf32, #tpu.memory_space<vmem_shared>>
      %dma_wait3A_43 = arith.constant 0 : i32
      %dma_wait3A_44 = tpu.memref_slice %arg11[%add3A_12, %dma_wait3A_43] : memref<10256x64xf32, #tpu.memory_space<vmem_shared>> -> memref<128x64xf32, #tpu.memory_space<vmem_shared>>
      tpu.wait_dma2 semaphore(%run_scoped3A : memref<!tpu.dma_semaphore, #tpu.memory_space<semaphore_mem>>) src(%arg10 : memref<128x64xf32, #tpu.memory_space<vmem>>) dst(%dma_wait3A_44 : memref<128x64xf32, #tpu.memory_space<vmem_shared>>)
      tpu.yield
    }) : () -> ()
    %add3A_13 = arith.constant 512 : i32
    %add3A_14 = arith.addi %mul3A_5, %add3A_13 : i32
    "tpu.region"() ({
      %run_scoped3A = tpu.sem_alloc : memref<!tpu.dma_semaphore, #tpu.memory_space<semaphore_mem>>
      %dma_start3A_38 = arith.constant 0 : i32
      %dma_start3A_39 = tpu.memref_slice %arg11[%add3A_14, %dma_start3A_38] : memref<10256x64xf32, #tpu.memory_space<vmem_shared>> -> memref<128x64xf32, #tpu.memory_space<vmem_shared>>
      %dma_start3A_40 = arith.constant 0 : i32
      %dma_start3A_41 = tpu.memref_slice %arg11[%add3A_14, %dma_start3A_40] : memref<10256x64xf32, #tpu.memory_space<vmem_shared>> -> memref<128x64xf32, #tpu.memory_space<vmem_shared>>
      tpu.enqueue_dma source(%arg10 : memref<128x64xf32, #tpu.memory_space<vmem>>) target(%dma_start3A_41 : memref<128x64xf32, #tpu.memory_space<vmem_shared>>) target_semaphore(%run_scoped3A : memref<!tpu.dma_semaphore, #tpu.memory_space<semaphore_mem>>)
      %dma_wait3A = arith.constant 0 : i32
      %dma_wait3A_42 = tpu.memref_slice %arg11[%add3A_14, %dma_wait3A] : memref<10256x64xf32, #tpu.memory_space<vmem_shared>> -> memref<128x64xf32, #tpu.memory_space<vmem_shared>>
      %dma_wait3A_43 = arith.constant 0 : i32
      %dma_wait3A_44 = tpu.memref_slice %arg11[%add3A_14, %dma_wait3A_43] : memref<10256x64xf32, #tpu.memory_space<vmem_shared>> -> memref<128x64xf32, #tpu.memory_space<vmem_shared>>
      tpu.wait_dma2 semaphore(%run_scoped3A : memref<!tpu.dma_semaphore, #tpu.memory_space<semaphore_mem>>) src(%arg10 : memref<128x64xf32, #tpu.memory_space<vmem>>) dst(%dma_wait3A_44 : memref<128x64xf32, #tpu.memory_space<vmem_shared>>)
      tpu.yield
    }) : () -> ()
    %add3A_15 = arith.constant 640 : i32
    %add3A_16 = arith.addi %mul3A_5, %add3A_15 : i32
    "tpu.region"() ({
      %run_scoped3A = tpu.sem_alloc : memref<!tpu.dma_semaphore, #tpu.memory_space<semaphore_mem>>
      %dma_start3A_38 = arith.constant 0 : i32
      %dma_start3A_39 = arith.constant 0 : i32
      %dma_start3A_40 = tpu.memref_slice %arg10[%dma_start3A_38, %dma_start3A_39] : memref<128x64xf32, #tpu.memory_space<vmem>> -> memref<1x64xf32, #tpu.memory_space<vmem>>
      %dma_start3A_41 = arith.constant 0 : i32
      %dma_start3A_42 = tpu.memref_slice %arg11[%add3A_16, %dma_start3A_41] : memref<10256x64xf32, #tpu.memory_space<vmem_shared>> -> memref<1x64xf32, #tpu.memory_space<vmem_shared>>
      %dma_start3A_43 = arith.constant 0 : i32
      %dma_start3A_44 = tpu.memref_slice %arg11[%add3A_16, %dma_start3A_43] : memref<10256x64xf32, #tpu.memory_space<vmem_shared>> -> memref<1x64xf32, #tpu.memory_space<vmem_shared>>
      %dma_start3A_45 = arith.constant 0 : i32
      %dma_start3A_46 = arith.constant 0 : i32
      %dma_start3A_47 = tpu.memref_slice %arg10[%dma_start3A_45, %dma_start3A_46] : memref<128x64xf32, #tpu.memory_space<vmem>> -> memref<1x64xf32, #tpu.memory_space<vmem>>
      tpu.enqueue_dma source(%dma_start3A_47 : memref<1x64xf32, #tpu.memory_space<vmem>>) target(%dma_start3A_44 : memref<1x64xf32, #tpu.memory_space<vmem_shared>>) target_semaphore(%run_scoped3A : memref<!tpu.dma_semaphore, #tpu.memory_space<semaphore_mem>>)
      %dma_wait3A = arith.constant 0 : i32
      %dma_wait3A_48 = arith.constant 0 : i32
      %dma_wait3A_49 = tpu.memref_slice %arg10[%dma_wait3A, %dma_wait3A_48] : memref<128x64xf32, #tpu.memory_space<vmem>> -> memref<1x64xf32, #tpu.memory_space<vmem>>
      %dma_wait3A_50 = arith.constant 0 : i32
      %dma_wait3A_51 = tpu.memref_slice %arg11[%add3A_16, %dma_wait3A_50] : memref<10256x64xf32, #tpu.memory_space<vmem_shared>> -> memref<1x64xf32, #tpu.memory_space<vmem_shared>>
      %dma_wait3A_52 = arith.constant 0 : i32
      %dma_wait3A_53 = tpu.memref_slice %arg11[%add3A_16, %dma_wait3A_52] : memref<10256x64xf32, #tpu.memory_space<vmem_shared>> -> memref<1x64xf32, #tpu.memory_space<vmem_shared>>
      %dma_wait3A_54 = arith.constant 0 : i32
      %dma_wait3A_55 = arith.constant 0 : i32
      %dma_wait3A_56 = tpu.memref_slice %arg10[%dma_wait3A_54, %dma_wait3A_55] : memref<128x64xf32, #tpu.memory_space<vmem>> -> memref<1x64xf32, #tpu.memory_space<vmem>>
      tpu.wait_dma2 semaphore(%run_scoped3A : memref<!tpu.dma_semaphore, #tpu.memory_space<semaphore_mem>>) src(%dma_wait3A_56 : memref<1x64xf32, #tpu.memory_space<vmem>>) dst(%dma_wait3A_53 : memref<1x64xf32, #tpu.memory_space<vmem_shared>>)
      tpu.yield
    }) : () -> ()
    %barrier3A = arith.constant 0 : index
    tpu.barrier barrier_id(%barrier3A)
    %dma_start3A = arith.constant 0 : i32
    %dma_start3A_17 = arith.constant 0 : i32
    %dma_start3A_18 = tpu.memref_slice %arg6[%dma_start3A, %dma_start3A_17] : memref<158x128xi32, #tpu.memory_space<vmem>> -> memref<1x128xi32, #tpu.memory_space<vmem>>
    %dma_start3A_19 = tpu.memref_squeeze %dma_start3A_18 : memref<1x128xi32, #tpu.memory_space<vmem>> -> memref<128xi32, #tpu.memory_space<vmem>>
    %dma_start3A_20 = arith.constant 0 : i32
    %dma_start3A_21 = arith.constant 0 : i32
    %dma_start3A_22 = tpu.memref_slice %arg2[%arg0, %dma_start3A_20, %dma_start3A_21] : memref<2x10240x64xf32, #tpu.memory_space<hbm>> -> memref<1x10240x64xf32, #tpu.memory_space<hbm>>
    %dma_start3A_23 = tpu.memref_squeeze %dma_start3A_22 : memref<1x10240x64xf32, #tpu.memory_space<hbm>> -> memref<10240x64xf32, #tpu.memory_space<hbm>>
    %dma_start3A_24 = arith.constant 0 : i32
    %dma_start3A_25 = arith.constant 0 : i32
    %dma_start3A_26 = tpu.memref_slice %dma_start3A_23[%dma_start3A_24, %dma_start3A_25] : memref<10240x64xf32, #tpu.memory_space<hbm>> -> memref<10240x64xf32, #tpu.memory_space<hbm>>
    tpu.enqueue_indirect_dma source(%dma_start3A_26 : memref<10240x64xf32, #tpu.memory_space<hbm>>) target(%arg8 : memref<128x64xf32, #tpu.memory_space<vmem>>) offsets(%dma_start3A_19 : memref<128xi32, #tpu.memory_space<vmem>>) semaphore(%arg12 : memref<!tpu.dma_semaphore, #tpu.memory_space<semaphore_mem>>)
    %scan3A_27 = arith.constant 0 : i32
    %scan3A_28 = arith.constant 0 : i32
    %scan3A_29 = arith.constant 79 : i32
    %scan3A_30 = arith.addi %scan3A_28, %scan3A_29 : i32
    %scan3A_31 = arith.constant 1 : i32
    scf.for %scan3A_38 = %scan3A_28 to %scan3A_30 step %scan3A_31  : i32 {
      %mul3A_39 = arith.constant 2 : i32
      %mul3A_40 = arith.muli %scan3A_38, %mul3A_39 : i32
      %add3A_41 = arith.constant 1 : i32
      %add3A_42 = arith.addi %mul3A_40, %add3A_41 : i32
      %dma_start3A_43 = arith.constant 0 : i32
      %dma_start3A_44 = tpu.memref_slice %arg6[%add3A_42, %dma_start3A_43] : memref<158x128xi32, #tpu.memory_space<vmem>> -> memref<1x128xi32, #tpu.memory_space<vmem>>
      %dma_start3A_45 = tpu.memref_squeeze %dma_start3A_44 : memref<1x128xi32, #tpu.memory_space<vmem>> -> memref<128xi32, #tpu.memory_space<vmem>>
      %dma_start3A_46 = arith.constant 0 : i32
      %dma_start3A_47 = arith.constant 0 : i32
      %dma_start3A_48 = tpu.memref_slice %arg2[%arg0, %dma_start3A_46, %dma_start3A_47] : memref<2x10240x64xf32, #tpu.memory_space<hbm>> -> memref<1x10240x64xf32, #tpu.memory_space<hbm>>
      %dma_start3A_49 = tpu.memref_squeeze %dma_start3A_48 : memref<1x10240x64xf32, #tpu.memory_space<hbm>> -> memref<10240x64xf32, #tpu.memory_space<hbm>>
      %dma_start3A_50 = arith.constant 0 : i32
      %dma_start3A_51 = arith.constant 0 : i32
      %dma_start3A_52 = tpu.memref_slice %dma_start3A_49[%dma_start3A_50, %dma_start3A_51] : memref<10240x64xf32, #tpu.memory_space<hbm>> -> memref<10240x64xf32, #tpu.memory_space<hbm>>
      tpu.enqueue_indirect_dma source(%dma_start3A_52 : memref<10240x64xf32, #tpu.memory_space<hbm>>) target(%arg9 : memref<128x64xf32, #tpu.memory_space<vmem>>) offsets(%dma_start3A_45 : memref<128xi32, #tpu.memory_space<vmem>>) semaphore(%arg13 : memref<!tpu.dma_semaphore, #tpu.memory_space<semaphore_mem>>)
      %dma_wait3A = arith.constant 0 : i32
      %dma_wait3A_53 = arith.constant 0 : i32
      %dma_wait3A_54 = tpu.memref_slice %arg2[%arg0, %dma_wait3A, %dma_wait3A_53] : memref<2x10240x64xf32, #tpu.memory_space<hbm>> -> memref<1x10240x64xf32, #tpu.memory_space<hbm>>
      %dma_wait3A_55 = tpu.memref_squeeze %dma_wait3A_54 : memref<1x10240x64xf32, #tpu.memory_space<hbm>> -> memref<10240x64xf32, #tpu.memory_space<hbm>>
      %dma_wait3A_56 = arith.constant 0 : i32
      %dma_wait3A_57 = arith.constant 0 : i32
      %dma_wait3A_58 = tpu.memref_slice %dma_wait3A_55[%dma_wait3A_56, %dma_wait3A_57] : memref<10240x64xf32, #tpu.memory_space<hbm>> -> memref<128x64xf32, #tpu.memory_space<hbm>>
      %dma_wait3A_59 = arith.constant 0 : i32
      %dma_wait3A_60 = arith.constant 0 : i32
      %dma_wait3A_61 = tpu.memref_slice %arg2[%arg0, %dma_wait3A_59, %dma_wait3A_60] : memref<2x10240x64xf32, #tpu.memory_space<hbm>> -> memref<1x10240x64xf32, #tpu.memory_space<hbm>>
      %dma_wait3A_62 = tpu.memref_squeeze %dma_wait3A_61 : memref<1x10240x64xf32, #tpu.memory_space<hbm>> -> memref<10240x64xf32, #tpu.memory_space<hbm>>
      %dma_wait3A_63 = arith.constant 0 : i32
      %dma_wait3A_64 = arith.constant 0 : i32
      %dma_wait3A_65 = tpu.memref_slice %dma_wait3A_62[%dma_wait3A_63, %dma_wait3A_64] : memref<10240x64xf32, #tpu.memory_space<hbm>> -> memref<128x64xf32, #tpu.memory_space<hbm>>
      tpu.wait_dma2 semaphore(%arg12 : memref<!tpu.dma_semaphore, #tpu.memory_space<semaphore_mem>>) src(%dma_wait3A_65 : memref<128x64xf32, #tpu.memory_space<hbm>>) dst(%arg8 : memref<128x64xf32, #tpu.memory_space<vmem>>)
      "tpu.region"() ({
        %run_scoped3A = tpu.sem_alloc : memref<!tpu.dma_semaphore, #tpu.memory_space<semaphore_mem>>
        %dma_start3A_86 = arith.constant 0 : i32
        %dma_start3A_87 = tpu.memref_slice %arg7[%mul3A_40, %dma_start3A_86] : memref<158x128xi32, #tpu.memory_space<vmem>> -> memref<1x128xi32, #tpu.memory_space<vmem>>
        %dma_start3A_88 = tpu.memref_squeeze %dma_start3A_87 : memref<1x128xi32, #tpu.memory_space<vmem>> -> memref<128xi32, #tpu.memory_space<vmem>>
        %dma_start3A_89 = arith.constant 0 : i32
        %dma_start3A_90 = arith.constant 0 : i32
        %dma_start3A_91 = tpu.memref_slice %arg11[%dma_start3A_89, %dma_start3A_90] : memref<10256x64xf32, #tpu.memory_space<vmem_shared>> -> memref<10256x64xf32, #tpu.memory_space<vmem_shared>>
        tpu.enqueue_indirect_dma source(%arg8 : memref<128x64xf32, #tpu.memory_space<vmem>>) target(%dma_start3A_91 : memref<10256x64xf32, #tpu.memory_space<vmem_shared>>) offsets(%dma_start3A_88 : memref<128xi32, #tpu.memory_space<vmem>>) semaphore(%run_scoped3A : memref<!tpu.dma_semaphore, #tpu.memory_space<semaphore_mem>>) {add = true}
        %dma_wait3A_92 = arith.constant 0 : i32
        %dma_wait3A_93 = tpu.memref_slice %arg7[%mul3A_40, %dma_wait3A_92] : memref<158x128xi32, #tpu.memory_space<vmem>> -> memref<1x128xi32, #tpu.memory_space<vmem>>
        %dma_wait3A_94 = tpu.memref_squeeze %dma_wait3A_93 : memref<1x128xi32, #tpu.memory_space<vmem>> -> memref<128xi32, #tpu.memory_space<vmem>>
        %dma_wait3A_95 = arith.constant 0 : i32
        %dma_wait3A_96 = arith.constant 0 : i32
        %dma_wait3A_97 = tpu.memref_slice %arg11[%dma_wait3A_95, %dma_wait3A_96] : memref<10256x64xf32, #tpu.memory_space<vmem_shared>> -> memref<10256x64xf32, #tpu.memory_space<vmem_shared>>
        tpu.wait_indirect_dma semaphore(%run_scoped3A : memref<!tpu.dma_semaphore, #tpu.memory_space<semaphore_mem>>) src(%arg8 : memref<128x64xf32, #tpu.memory_space<vmem>>) dst(%dma_wait3A_97 : memref<10256x64xf32, #tpu.memory_space<vmem_shared>>)
        tpu.yield
      }) : () -> ()
      %add3A_66 = arith.constant 2 : i32
      %add3A_67 = arith.addi %mul3A_40, %add3A_66 : i32
      %lt3A = arith.constant 158 : i32
      %lt3A_68 = arith.cmpi slt, %add3A_67, %lt3A : i32
      %convert_element_type3A = arith.extui %lt3A_68 : i1 to i32
      %cond3A = arith.constant 0 : i32
      %cond3A_69 = arith.cmpi ne, %convert_element_type3A, %cond3A : i32
      scf.if %cond3A_69 {
        %add3A_86 = arith.constant 2 : i32
        %add3A_87 = arith.addi %mul3A_40, %add3A_86 : i32
        %dma_start3A_88 = arith.constant 0 : i32
        %dma_start3A_89 = tpu.memref_slice %arg6[%add3A_87, %dma_start3A_88] : memref<158x128xi32, #tpu.memory_space<vmem>> -> memref<1x128xi32, #tpu.memory_space<vmem>>
        %dma_start3A_90 = tpu.memref_squeeze %dma_start3A_89 : memref<1x128xi32, #tpu.memory_space<vmem>> -> memref<128xi32, #tpu.memory_space<vmem>>
        %dma_start3A_91 = arith.constant 0 : i32
        %dma_start3A_92 = arith.constant 0 : i32
        %dma_start3A_93 = tpu.memref_slice %arg2[%arg0, %dma_start3A_91, %dma_start3A_92] : memref<2x10240x64xf32, #tpu.memory_space<hbm>> -> memref<1x10240x64xf32, #tpu.memory_space<hbm>>
        %dma_start3A_94 = tpu.memref_squeeze %dma_start3A_93 : memref<1x10240x64xf32, #tpu.memory_space<hbm>> -> memref<10240x64xf32, #tpu.memory_space<hbm>>
        %dma_start3A_95 = arith.constant 0 : i32
        %dma_start3A_96 = arith.constant 0 : i32
        %dma_start3A_97 = tpu.memref_slice %dma_start3A_94[%dma_start3A_95, %dma_start3A_96] : memref<10240x64xf32, #tpu.memory_space<hbm>> -> memref<10240x64xf32, #tpu.memory_space<hbm>>
        tpu.enqueue_indirect_dma source(%dma_start3A_97 : memref<10240x64xf32, #tpu.memory_space<hbm>>) target(%arg8 : memref<128x64xf32, #tpu.memory_space<vmem>>) offsets(%dma_start3A_90 : memref<128xi32, #tpu.memory_space<vmem>>) semaphore(%arg12 : memref<!tpu.dma_semaphore, #tpu.memory_space<semaphore_mem>>)
      } else {
      }
      %dma_wait3A_70 = arith.constant 0 : i32
      %dma_wait3A_71 = arith.constant 0 : i32
      %dma_wait3A_72 = tpu.memref_slice %arg2[%arg0, %dma_wait3A_70, %dma_wait3A_71] : memref<2x10240x64xf32, #tpu.memory_space<hbm>> -> memref<1x10240x64xf32, #tpu.memory_space<hbm>>
      %dma_wait3A_73 = tpu.memref_squeeze %dma_wait3A_72 : memref<1x10240x64xf32, #tpu.memory_space<hbm>> -> memref<10240x64xf32, #tpu.memory_space<hbm>>
      %dma_wait3A_74 = arith.constant 0 : i32
      %dma_wait3A_75 = arith.constant 0 : i32
      %dma_wait3A_76 = tpu.memref_slice %dma_wait3A_73[%dma_wait3A_74, %dma_wait3A_75] : memref<10240x64xf32, #tpu.memory_space<hbm>> -> memref<128x64xf32, #tpu.memory_space<hbm>>
      %dma_wait3A_77 = arith.constant 0 : i32
      %dma_wait3A_78 = arith.constant 0 : i32
      %dma_wait3A_79 = tpu.memref_slice %arg2[%arg0, %dma_wait3A_77, %dma_wait3A_78] : memref<2x10240x64xf32, #tpu.memory_space<hbm>> -> memref<1x10240x64xf32, #tpu.memory_space<hbm>>
      %dma_wait3A_80 = tpu.memref_squeeze %dma_wait3A_79 : memref<1x10240x64xf32, #tpu.memory_space<hbm>> -> memref<10240x64xf32, #tpu.memory_space<hbm>>
      %dma_wait3A_81 = arith.constant 0 : i32
      %dma_wait3A_82 = arith.constant 0 : i32
      %dma_wait3A_83 = tpu.memref_slice %dma_wait3A_80[%dma_wait3A_81, %dma_wait3A_82] : memref<10240x64xf32, #tpu.memory_space<hbm>> -> memref<128x64xf32, #tpu.memory_space<hbm>>
      tpu.wait_dma2 semaphore(%arg13 : memref<!tpu.dma_semaphore, #tpu.memory_space<semaphore_mem>>) src(%dma_wait3A_83 : memref<128x64xf32, #tpu.memory_space<hbm>>) dst(%arg9 : memref<128x64xf32, #tpu.memory_space<vmem>>)
      %add3A_84 = arith.constant 1 : i32
      %add3A_85 = arith.addi %mul3A_40, %add3A_84 : i32
      "tpu.region"() ({
        %run_scoped3A = tpu.sem_alloc : memref<!tpu.dma_semaphore, #tpu.memory_space<semaphore_mem>>
        %dma_start3A_86 = arith.constant 0 : i32
        %dma_start3A_87 = tpu.memref_slice %arg7[%add3A_85, %dma_start3A_86] : memref<158x128xi32, #tpu.memory_space<vmem>> -> memref<1x128xi32, #tpu.memory_space<vmem>>
        %dma_start3A_88 = tpu.memref_squeeze %dma_start3A_87 : memref<1x128xi32, #tpu.memory_space<vmem>> -> memref<128xi32, #tpu.memory_space<vmem>>
        %dma_start3A_89 = arith.constant 0 : i32
        %dma_start3A_90 = arith.constant 0 : i32
        %dma_start3A_91 = tpu.memref_slice %arg11[%dma_start3A_89, %dma_start3A_90] : memref<10256x64xf32, #tpu.memory_space<vmem_shared>> -> memref<10256x64xf32, #tpu.memory_space<vmem_shared>>
        tpu.enqueue_indirect_dma source(%arg9 : memref<128x64xf32, #tpu.memory_space<vmem>>) target(%dma_start3A_91 : memref<10256x64xf32, #tpu.memory_space<vmem_shared>>) offsets(%dma_start3A_88 : memref<128xi32, #tpu.memory_space<vmem>>) semaphore(%run_scoped3A : memref<!tpu.dma_semaphore, #tpu.memory_space<semaphore_mem>>) {add = true}
        %dma_wait3A_92 = arith.constant 0 : i32
        %dma_wait3A_93 = tpu.memref_slice %arg7[%add3A_85, %dma_wait3A_92] : memref<158x128xi32, #tpu.memory_space<vmem>> -> memref<1x128xi32, #tpu.memory_space<vmem>>
        %dma_wait3A_94 = tpu.memref_squeeze %dma_wait3A_93 : memref<1x128xi32, #tpu.memory_space<vmem>> -> memref<128xi32, #tpu.memory_space<vmem>>
        %dma_wait3A_95 = arith.constant 0 : i32
        %dma_wait3A_96 = arith.constant 0 : i32
        %dma_wait3A_97 = tpu.memref_slice %arg11[%dma_wait3A_95, %dma_wait3A_96] : memref<10256x64xf32, #tpu.memory_space<vmem_shared>> -> memref<10256x64xf32, #tpu.memory_space<vmem_shared>>
        tpu.wait_indirect_dma semaphore(%run_scoped3A : memref<!tpu.dma_semaphore, #tpu.memory_space<semaphore_mem>>) src(%arg9 : memref<128x64xf32, #tpu.memory_space<vmem>>) dst(%dma_wait3A_97 : memref<10256x64xf32, #tpu.memory_space<vmem_shared>>)
        tpu.yield
      }) : () -> ()
    }
    %scan3A_32 = arith.constant 79 : i32
    %barrier3A_33 = arith.constant 0 : index
    tpu.barrier barrier_id(%barrier3A_33)
    %mul3A_34 = arith.constant 640 : i32
    %mul3A_35 = arith.muli %arg1, %mul3A_34 : i32
    %mul3A_36 = arith.constant 640 : i32
    %mul3A_37 = arith.muli %arg1, %mul3A_36 : i32
    "tpu.region"() ({
      %run_scoped3A = tpu.sem_alloc : memref<!tpu.dma_semaphore, #tpu.memory_space<semaphore_mem>>
      %dma_start3A_38 = arith.constant 0 : i32
      %dma_start3A_39 = tpu.memref_slice %arg5[%arg0, %mul3A_37, %dma_start3A_38] : memref<2x10240x64xf32, #tpu.memory_space<hbm>> -> memref<1x640x64xf32, #tpu.memory_space<hbm>>
      %dma_start3A_40 = tpu.memref_squeeze %dma_start3A_39 : memref<1x640x64xf32, #tpu.memory_space<hbm>> -> memref<640x64xf32, #tpu.memory_space<hbm>>
      %dma_start3A_41 = arith.constant 0 : i32
      %dma_start3A_42 = tpu.memref_slice %arg11[%mul3A_35, %dma_start3A_41] : memref<10256x64xf32, #tpu.memory_space<vmem_shared>> -> memref<640x64xf32, #tpu.memory_space<vmem_shared>>
      tpu.enqueue_dma source(%dma_start3A_42 : memref<640x64xf32, #tpu.memory_space<vmem_shared>>) target(%dma_start3A_40 : memref<640x64xf32, #tpu.memory_space<hbm>>) target_semaphore(%run_scoped3A : memref<!tpu.dma_semaphore, #tpu.memory_space<semaphore_mem>>)
      %dma_wait3A = arith.constant 0 : i32
      %dma_wait3A_43 = tpu.memref_slice %arg5[%arg0, %mul3A_37, %dma_wait3A] : memref<2x10240x64xf32, #tpu.memory_space<hbm>> -> memref<1x640x64xf32, #tpu.memory_space<hbm>>
      %dma_wait3A_44 = tpu.memref_squeeze %dma_wait3A_43 : memref<1x640x64xf32, #tpu.memory_space<hbm>> -> memref<640x64xf32, #tpu.memory_space<hbm>>
      %dma_wait3A_45 = arith.constant 0 : i32
      %dma_wait3A_46 = tpu.memref_slice %arg11[%mul3A_35, %dma_wait3A_45] : memref<10256x64xf32, #tpu.memory_space<vmem_shared>> -> memref<640x64xf32, #tpu.memory_space<vmem_shared>>
      tpu.wait_dma2 semaphore(%run_scoped3A : memref<!tpu.dma_semaphore, #tpu.memory_space<semaphore_mem>>) src(%dma_wait3A_46 : memref<640x64xf32, #tpu.memory_space<vmem_shared>>) dst(%dma_wait3A_44 : memref<640x64xf32, #tpu.memory_space<hbm>>)
      tpu.yield
    }) : () -> ()
    return
  }
}

#map = affine_map<(d0, d1) -> (0, 0, 0)>
module attributes {stable_mosaic.version = 14 : i64} {
  func.func @body(%arg0: i32, %arg1: i32, %arg2: memref<2x10240x64xf32, #tpu.memory_space<hbm>>, %arg3: memref<16x158x128xi32, #tpu.memory_space<hbm>>, %arg4: memref<16x158x128xi32, #tpu.memory_space<hbm>>, %arg5: memref<2x10240x64xf32, #tpu.memory_space<hbm>>, %arg6: memref<158x128xi32, #tpu.memory_space<vmem>>, %arg7: memref<158x128xi32, #tpu.memory_space<vmem>>, %arg8: memref<128x64xf32, #tpu.memory_space<vmem>>, %arg9: memref<128x64xf32, #tpu.memory_space<vmem>>, %arg10: memref<128x64xf32, #tpu.memory_space<vmem>>, %arg11: memref<10256x64xf32, #tpu.memory_space<vmem_shared>>, %arg12: memref<!tpu.dma_semaphore, #tpu.memory_space<semaphore_mem>>, %arg13: memref<!tpu.dma_semaphore, #tpu.memory_space<semaphore_mem>>) attributes {dimension_semantics = [#tpu.dimension_semantics<core_parallel>, #tpu.dimension_semantics<subcore_parallel>], iteration_bounds = array<i64: 2, 16>, scalar_prefetch = 0 : i64, scratch_operands = 8 : i64, tpu.core_type = #tpu.core_type<sc_vector_subcore>, window_params = [{transform_indices = #map}, {transform_indices = #map}, {transform_indices = #map}, {transform_indices = #map}]} {
    "tpu.region"() ({
      %run_scoped3A = tpu.sem_alloc : memref<!tpu.dma_semaphore, #tpu.memory_space<semaphore_mem>>
      %dma_start3A_38 = arith.constant 0 : i32
      %dma_start3A_39 = arith.constant 0 : i32
      %dma_start3A_40 = tpu.memref_slice %arg3[%arg1, %dma_start3A_38, %dma_start3A_39] : memref<16x158x128xi32, #tpu.memory_space<hbm>> -> memref<1x158x128xi32, #tpu.memory_space<hbm>>
      %dma_start3A_41 = tpu.memref_squeeze %dma_start3A_40 : memref<1x158x128xi32, #tpu.memory_space<hbm>> -> memref<158x128xi32, #tpu.memory_space<hbm>>
      %dma_start3A_42 = arith.constant 0 : i32
      %dma_start3A_43 = arith.constant 0 : i32
      %dma_start3A_44 = tpu.memref_slice %arg3[%arg1, %dma_start3A_42, %dma_start3A_43] : memref<16x158x128xi32, #tpu.memory_space<hbm>> -> memref<1x158x128xi32, #tpu.memory_space<hbm>>
      %dma_start3A_45 = tpu.memref_squeeze %dma_start3A_44 : memref<1x158x128xi32, #tpu.memory_space<hbm>> -> memref<158x128xi32, #tpu.memory_space<hbm>>
      tpu.enqueue_dma source(%dma_start3A_45 : memref<158x128xi32, #tpu.memory_space<hbm>>) target(%arg6 : memref<158x128xi32, #tpu.memory_space<vmem>>) target_semaphore(%run_scoped3A : memref<!tpu.dma_semaphore, #tpu.memory_space<semaphore_mem>>)
      %dma_wait3A = arith.constant 0 : i32
      %dma_wait3A_46 = arith.constant 0 : i32
      %dma_wait3A_47 = tpu.memref_slice %arg3[%arg1, %dma_wait3A, %dma_wait3A_46] : memref<16x158x128xi32, #tpu.memory_space<hbm>> -> memref<1x158x128xi32, #tpu.memory_space<hbm>>
      %dma_wait3A_48 = tpu.memref_squeeze %dma_wait3A_47 : memref<1x158x128xi32, #tpu.memory_space<hbm>> -> memref<158x128xi32, #tpu.memory_space<hbm>>
      %dma_wait3A_49 = arith.constant 0 : i32
      %dma_wait3A_50 = arith.constant 0 : i32
      %dma_wait3A_51 = tpu.memref_slice %arg3[%arg1, %dma_wait3A_49, %dma_wait3A_50] : memref<16x158x128xi32, #tpu.memory_space<hbm>> -> memref<1x158x128xi32, #tpu.memory_space<hbm>>
      %dma_wait3A_52 = tpu.memref_squeeze %dma_wait3A_51 : memref<1x158x128xi32, #tpu.memory_space<hbm>> -> memref<158x128xi32, #tpu.memory_space<hbm>>
      tpu.wait_dma2 semaphore(%run_scoped3A : memref<!tpu.dma_semaphore, #tpu.memory_space<semaphore_mem>>) src(%dma_wait3A_52 : memref<158x128xi32, #tpu.memory_space<hbm>>) dst(%arg6 : memref<158x128xi32, #tpu.memory_space<vmem>>)
      tpu.yield
    }) : () -> ()
    "tpu.region"() ({
      %run_scoped3A = tpu.sem_alloc : memref<!tpu.dma_semaphore, #tpu.memory_space<semaphore_mem>>
      %dma_start3A_38 = arith.constant 0 : i32
      %dma_start3A_39 = arith.constant 0 : i32
      %dma_start3A_40 = tpu.memref_slice %arg4[%arg1, %dma_start3A_38, %dma_start3A_39] : memref<16x158x128xi32, #tpu.memory_space<hbm>> -> memref<1x158x128xi32, #tpu.memory_space<hbm>>
      %dma_start3A_41 = tpu.memref_squeeze %dma_start3A_40 : memref<1x158x128xi32, #tpu.memory_space<hbm>> -> memref<158x128xi32, #tpu.memory_space<hbm>>
      %dma_start3A_42 = arith.constant 0 : i32
      %dma_start3A_43 = arith.constant 0 : i32
      %dma_start3A_44 = tpu.memref_slice %arg4[%arg1, %dma_start3A_42, %dma_start3A_43] : memref<16x158x128xi32, #tpu.memory_space<hbm>> -> memref<1x158x128xi32, #tpu.memory_space<hbm>>
      %dma_start3A_45 = tpu.memref_squeeze %dma_start3A_44 : memref<1x158x128xi32, #tpu.memory_space<hbm>> -> memref<158x128xi32, #tpu.memory_space<hbm>>
      tpu.enqueue_dma source(%dma_start3A_45 : memref<158x128xi32, #tpu.memory_space<hbm>>) target(%arg7 : memref<158x128xi32, #tpu.memory_space<vmem>>) target_semaphore(%run_scoped3A : memref<!tpu.dma_semaphore, #tpu.memory_space<semaphore_mem>>)
      %dma_wait3A = arith.constant 0 : i32
      %dma_wait3A_46 = arith.constant 0 : i32
      %dma_wait3A_47 = tpu.memref_slice %arg4[%arg1, %dma_wait3A, %dma_wait3A_46] : memref<16x158x128xi32, #tpu.memory_space<hbm>> -> memref<1x158x128xi32, #tpu.memory_space<hbm>>
      %dma_wait3A_48 = tpu.memref_squeeze %dma_wait3A_47 : memref<1x158x128xi32, #tpu.memory_space<hbm>> -> memref<158x128xi32, #tpu.memory_space<hbm>>
      %dma_wait3A_49 = arith.constant 0 : i32
      %dma_wait3A_50 = arith.constant 0 : i32
      %dma_wait3A_51 = tpu.memref_slice %arg4[%arg1, %dma_wait3A_49, %dma_wait3A_50] : memref<16x158x128xi32, #tpu.memory_space<hbm>> -> memref<1x158x128xi32, #tpu.memory_space<hbm>>
      %dma_wait3A_52 = tpu.memref_squeeze %dma_wait3A_51 : memref<1x158x128xi32, #tpu.memory_space<hbm>> -> memref<158x128xi32, #tpu.memory_space<hbm>>
      tpu.wait_dma2 semaphore(%run_scoped3A : memref<!tpu.dma_semaphore, #tpu.memory_space<semaphore_mem>>) src(%dma_wait3A_52 : memref<158x128xi32, #tpu.memory_space<hbm>>) dst(%arg7 : memref<158x128xi32, #tpu.memory_space<vmem>>)
      tpu.yield
    }) : () -> ()
    %scan3A = arith.constant 0 : i32
    %scan3A_0 = arith.constant 0 : i32
    %scan3A_1 = arith.constant 128 : i32
    %scan3A_2 = arith.addi %scan3A_0, %scan3A_1 : i32
    %scan3A_3 = arith.constant 1 : i32
    scf.for %scan3A_38 = %scan3A_0 to %scan3A_2 step %scan3A_3  : i32 {
      %broadcast_in_dim3A = arith.constant 0.000000e+00 : f32
      %broadcast_in_dim3A_39 = vector.broadcast %broadcast_in_dim3A : f32 to vector<16xf32>
      %swap3A = arith.index_cast %scan3A_38 : i32 to index
      %swap3A_40 = arith.constant 0 : index
      %swap3A_41 = tpu.vector_load %arg10[%swap3A, %swap3A_40] {strides = array<i32>} : memref<128x64xf32, #tpu.memory_space<vmem>>, vector<1x16xf32>,
      %swap3A_42 = vector.shape_cast %swap3A_41 : vector<1x16xf32> to vector<16xf32>
      %swap3A_43 = vector.shape_cast %broadcast_in_dim3A_39 : vector<16xf32> to vector<1x16xf32>
      tpu.vector_store %arg10[%swap3A, %swap3A_40], %swap3A_43 {strides = array<i32>} : memref<128x64xf32, #tpu.memory_space<vmem>>, vector<1x16xf32>,
      %broadcast_in_dim3A_44 = arith.constant 0.000000e+00 : f32
      %broadcast_in_dim3A_45 = vector.broadcast %broadcast_in_dim3A_44 : f32 to vector<16xf32>
      %swap3A_46 = arith.index_cast %scan3A_38 : i32 to index
      %swap3A_47 = arith.constant 16 : index
      %swap3A_48 = tpu.vector_load %arg10[%swap3A_46, %swap3A_47] {strides = array<i32>} : memref<128x64xf32, #tpu.memory_space<vmem>>, vector<1x16xf32>,
      %swap3A_49 = vector.shape_cast %swap3A_48 : vector<1x16xf32> to vector<16xf32>
      %swap3A_50 = vector.shape_cast %broadcast_in_dim3A_45 : vector<16xf32> to vector<1x16xf32>
      tpu.vector_store %arg10[%swap3A_46, %swap3A_47], %swap3A_50 {strides = array<i32>} : memref<128x64xf32, #tpu.memory_space<vmem>>, vector<1x16xf32>,
      %broadcast_in_dim3A_51 = arith.constant 0.000000e+00 : f32
      %broadcast_in_dim3A_52 = vector.broadcast %broadcast_in_dim3A_51 : f32 to vector<16xf32>
      %swap3A_53 = arith.index_cast %scan3A_38 : i32 to index
      %swap3A_54 = arith.constant 32 : index
      %swap3A_55 = tpu.vector_load %arg10[%swap3A_53, %swap3A_54] {strides = array<i32>} : memref<128x64xf32, #tpu.memory_space<vmem>>, vector<1x16xf32>,
      %swap3A_56 = vector.shape_cast %swap3A_55 : vector<1x16xf32> to vector<16xf32>
      %swap3A_57 = vector.shape_cast %broadcast_in_dim3A_52 : vector<16xf32> to vector<1x16xf32>
      tpu.vector_store %arg10[%swap3A_53, %swap3A_54], %swap3A_57 {strides = array<i32>} : memref<128x64xf32, #tpu.memory_space<vmem>>, vector<1x16xf32>,
      %broadcast_in_dim3A_58 = arith.constant 0.000000e+00 : f32
      %broadcast_in_dim3A_59 = vector.broadcast %broadcast_in_dim3A_58 : f32 to vector<16xf32>
      %swap3A_60 = arith.index_cast %scan3A_38 : i32 to index
      %swap3A_61 = arith.constant 48 : index
      %swap3A_62 = tpu.vector_load %arg10[%swap3A_60, %swap3A_61] {strides = array<i32>} : memref<128x64xf32, #tpu.memory_space<vmem>>, vector<1x16xf32>,
      %swap3A_63 = vector.shape_cast %swap3A_62 : vector<1x16xf32> to vector<16xf32>
      %swap3A_64 = vector.shape_cast %broadcast_in_dim3A_59 : vector<16xf32> to vector<1x16xf32>
      tpu.vector_store %arg10[%swap3A_60, %swap3A_61], %swap3A_64 {strides = array<i32>} : memref<128x64xf32, #tpu.memory_space<vmem>>, vector<1x16xf32>,
    }
    %scan3A_4 = arith.constant 128 : i32
    %mul3A = arith.constant 641 : i32
    %mul3A_5 = arith.muli %arg1, %mul3A : i32
    %add3A = arith.constant 0 : i32
    %add3A_6 = arith.addi %mul3A_5, %add3A : i32
    "tpu.region"() ({
      %run_scoped3A = tpu.sem_alloc : memref<!tpu.dma_semaphore, #tpu.memory_space<semaphore_mem>>
      %dma_start3A_38 = arith.constant 0 : i32
      %dma_start3A_39 = tpu.memref_slice %arg11[%add3A_6, %dma_start3A_38] : memref<10256x64xf32, #tpu.memory_space<vmem_shared>> -> memref<128x64xf32, #tpu.memory_space<vmem_shared>>
      %dma_start3A_40 = arith.constant 0 : i32
      %dma_start3A_41 = tpu.memref_slice %arg11[%add3A_6, %dma_start3A_40] : memref<10256x64xf32, #tpu.memory_space<vmem_shared>> -> memref<128x64xf32, #tpu.memory_space<vmem_shared>>
      tpu.enqueue_dma source(%arg10 : memref<128x64xf32, #tpu.memory_space<vmem>>) target(%dma_start3A_41 : memref<128x64xf32, #tpu.memory_space<vmem_shared>>) target_semaphore(%run_scoped3A : memref<!tpu.dma_semaphore, #tpu.memory_space<semaphore_mem>>)
      %dma_wait3A = arith.constant 0 : i32
      %dma_wait3A_42 = tpu.memref_slice %arg11[%add3A_6, %dma_wait3A] : memref<10256x64xf32, #tpu.memory_space<vmem_shared>> -> memref<128x64xf32, #tpu.memory_space<vmem_shared>>
      %dma_wait3A_43 = arith.constant 0 : i32
      %dma_wait3A_44 = tpu.memref_slice %arg11[%add3A_6, %dma_wait3A_43] : memref<10256x64xf32, #tpu.memory_space<vmem_shared>> -> memref<128x64xf32, #tpu.memory_space<vmem_shared>>
      tpu.wait_dma2 semaphore(%run_scoped3A : memref<!tpu.dma_semaphore, #tpu.memory_space<semaphore_mem>>) src(%arg10 : memref<128x64xf32, #tpu.memory_space<vmem>>) dst(%dma_wait3A_44 : memref<128x64xf32, #tpu.memory_space<vmem_shared>>)
      tpu.yield
    }) : () -> ()
    %add3A_7 = arith.constant 128 : i32
    %add3A_8 = arith.addi %mul3A_5, %add3A_7 : i32
    "tpu.region"() ({
      %run_scoped3A = tpu.sem_alloc : memref<!tpu.dma_semaphore, #tpu.memory_space<semaphore_mem>>
      %dma_start3A_38 = arith.constant 0 : i32
      %dma_start3A_39 = tpu.memref_slice %arg11[%add3A_8, %dma_start3A_38] : memref<10256x64xf32, #tpu.memory_space<vmem_shared>> -> memref<128x64xf32, #tpu.memory_space<vmem_shared>>
      %dma_start3A_40 = arith.constant 0 : i32
      %dma_start3A_41 = tpu.memref_slice %arg11[%add3A_8, %dma_start3A_40] : memref<10256x64xf32, #tpu.memory_space<vmem_shared>> -> memref<128x64xf32, #tpu.memory_space<vmem_shared>>
      tpu.enqueue_dma source(%arg10 : memref<128x64xf32, #tpu.memory_space<vmem>>) target(%dma_start3A_41 : memref<128x64xf32, #tpu.memory_space<vmem_shared>>) target_semaphore(%run_scoped3A : memref<!tpu.dma_semaphore, #tpu.memory_space<semaphore_mem>>)
      %dma_wait3A = arith.constant 0 : i32
      %dma_wait3A_42 = tpu.memref_slice %arg11[%add3A_8, %dma_wait3A] : memref<10256x64xf32, #tpu.memory_space<vmem_shared>> -> memref<128x64xf32, #tpu.memory_space<vmem_shared>>
      %dma_wait3A_43 = arith.constant 0 : i32
      %dma_wait3A_44 = tpu.memref_slice %arg11[%add3A_8, %dma_wait3A_43] : memref<10256x64xf32, #tpu.memory_space<vmem_shared>> -> memref<128x64xf32, #tpu.memory_space<vmem_shared>>
      tpu.wait_dma2 semaphore(%run_scoped3A : memref<!tpu.dma_semaphore, #tpu.memory_space<semaphore_mem>>) src(%arg10 : memref<128x64xf32, #tpu.memory_space<vmem>>) dst(%dma_wait3A_44 : memref<128x64xf32, #tpu.memory_space<vmem_shared>>)
      tpu.yield
    }) : () -> ()
    %add3A_9 = arith.constant 256 : i32
    %add3A_10 = arith.addi %mul3A_5, %add3A_9 : i32
    "tpu.region"() ({
      %run_scoped3A = tpu.sem_alloc : memref<!tpu.dma_semaphore, #tpu.memory_space<semaphore_mem>>
      %dma_start3A_38 = arith.constant 0 : i32
      %dma_start3A_39 = tpu.memref_slice %arg11[%add3A_10, %dma_start3A_38] : memref<10256x64xf32, #tpu.memory_space<vmem_shared>> -> memref<128x64xf32, #tpu.memory_space<vmem_shared>>
      %dma_start3A_40 = arith.constant 0 : i32
      %dma_start3A_41 = tpu.memref_slice %arg11[%add3A_10, %dma_start3A_40] : memref<10256x64xf32, #tpu.memory_space<vmem_shared>> -> memref<128x64xf32, #tpu.memory_space<vmem_shared>>
      tpu.enqueue_dma source(%arg10 : memref<128x64xf32, #tpu.memory_space<vmem>>) target(%dma_start3A_41 : memref<128x64xf32, #tpu.memory_space<vmem_shared>>) target_semaphore(%run_scoped3A : memref<!tpu.dma_semaphore, #tpu.memory_space<semaphore_mem>>)
      %dma_wait3A = arith.constant 0 : i32
      %dma_wait3A_42 = tpu.memref_slice %arg11[%add3A_10, %dma_wait3A] : memref<10256x64xf32, #tpu.memory_space<vmem_shared>> -> memref<128x64xf32, #tpu.memory_space<vmem_shared>>
      %dma_wait3A_43 = arith.constant 0 : i32
      %dma_wait3A_44 = tpu.memref_slice %arg11[%add3A_10, %dma_wait3A_43] : memref<10256x64xf32, #tpu.memory_space<vmem_shared>> -> memref<128x64xf32, #tpu.memory_space<vmem_shared>>
      tpu.wait_dma2 semaphore(%run_scoped3A : memref<!tpu.dma_semaphore, #tpu.memory_space<semaphore_mem>>) src(%arg10 : memref<128x64xf32, #tpu.memory_space<vmem>>) dst(%dma_wait3A_44 : memref<128x64xf32, #tpu.memory_space<vmem_shared>>)
      tpu.yield
    }) : () -> ()
    %add3A_11 = arith.constant 384 : i32
    %add3A_12 = arith.addi %mul3A_5, %add3A_11 : i32
    "tpu.region"() ({
      %run_scoped3A = tpu.sem_alloc : memref<!tpu.dma_semaphore, #tpu.memory_space<semaphore_mem>>
      %dma_start3A_38 = arith.constant 0 : i32
      %dma_start3A_39 = tpu.memref_slice %arg11[%add3A_12, %dma_start3A_38] : memref<10256x64xf32, #tpu.memory_space<vmem_shared>> -> memref<128x64xf32, #tpu.memory_space<vmem_shared>>
      %dma_start3A_40 = arith.constant 0 : i32
      %dma_start3A_41 = tpu.memref_slice %arg11[%add3A_12, %dma_start3A_40] : memref<10256x64xf32, #tpu.memory_space<vmem_shared>> -> memref<128x64xf32, #tpu.memory_space<vmem_shared>>
      tpu.enqueue_dma source(%arg10 : memref<128x64xf32, #tpu.memory_space<vmem>>) target(%dma_start3A_41 : memref<128x64xf32, #tpu.memory_space<vmem_shared>>) target_semaphore(%run_scoped3A : memref<!tpu.dma_semaphore, #tpu.memory_space<semaphore_mem>>)
      %dma_wait3A = arith.constant 0 : i32
      %dma_wait3A_42 = tpu.memref_slice %arg11[%add3A_12, %dma_wait3A] : memref<10256x64xf32, #tpu.memory_space<vmem_shared>> -> memref<128x64xf32, #tpu.memory_space<vmem_shared>>
      %dma_wait3A_43 = arith.constant 0 : i32
      %dma_wait3A_44 = tpu.memref_slice %arg11[%add3A_12, %dma_wait3A_43] : memref<10256x64xf32, #tpu.memory_space<vmem_shared>> -> memref<128x64xf32, #tpu.memory_space<vmem_shared>>
      tpu.wait_dma2 semaphore(%run_scoped3A : memref<!tpu.dma_semaphore, #tpu.memory_space<semaphore_mem>>) src(%arg10 : memref<128x64xf32, #tpu.memory_space<vmem>>) dst(%dma_wait3A_44 : memref<128x64xf32, #tpu.memory_space<vmem_shared>>)
      tpu.yield
    }) : () -> ()
    %add3A_13 = arith.constant 512 : i32
    %add3A_14 = arith.addi %mul3A_5, %add3A_13 : i32
    "tpu.region"() ({
      %run_scoped3A = tpu.sem_alloc : memref<!tpu.dma_semaphore, #tpu.memory_space<semaphore_mem>>
      %dma_start3A_38 = arith.constant 0 : i32
      %dma_start3A_39 = tpu.memref_slice %arg11[%add3A_14, %dma_start3A_38] : memref<10256x64xf32, #tpu.memory_space<vmem_shared>> -> memref<128x64xf32, #tpu.memory_space<vmem_shared>>
      %dma_start3A_40 = arith.constant 0 : i32
      %dma_start3A_41 = tpu.memref_slice %arg11[%add3A_14, %dma_start3A_40] : memref<10256x64xf32, #tpu.memory_space<vmem_shared>> -> memref<128x64xf32, #tpu.memory_space<vmem_shared>>
      tpu.enqueue_dma source(%arg10 : memref<128x64xf32, #tpu.memory_space<vmem>>) target(%dma_start3A_41 : memref<128x64xf32, #tpu.memory_space<vmem_shared>>) target_semaphore(%run_scoped3A : memref<!tpu.dma_semaphore, #tpu.memory_space<semaphore_mem>>)
      %dma_wait3A = arith.constant 0 : i32
      %dma_wait3A_42 = tpu.memref_slice %arg11[%add3A_14, %dma_wait3A] : memref<10256x64xf32, #tpu.memory_space<vmem_shared>> -> memref<128x64xf32, #tpu.memory_space<vmem_shared>>
      %dma_wait3A_43 = arith.constant 0 : i32
      %dma_wait3A_44 = tpu.memref_slice %arg11[%add3A_14, %dma_wait3A_43] : memref<10256x64xf32, #tpu.memory_space<vmem_shared>> -> memref<128x64xf32, #tpu.memory_space<vmem_shared>>
      tpu.wait_dma2 semaphore(%run_scoped3A : memref<!tpu.dma_semaphore, #tpu.memory_space<semaphore_mem>>) src(%arg10 : memref<128x64xf32, #tpu.memory_space<vmem>>) dst(%dma_wait3A_44 : memref<128x64xf32, #tpu.memory_space<vmem_shared>>)
      tpu.yield
    }) : () -> ()
    %add3A_15 = arith.constant 640 : i32
    %add3A_16 = arith.addi %mul3A_5, %add3A_15 : i32
    "tpu.region"() ({
      %run_scoped3A = tpu.sem_alloc : memref<!tpu.dma_semaphore, #tpu.memory_space<semaphore_mem>>
      %dma_start3A_38 = arith.constant 0 : i32
      %dma_start3A_39 = arith.constant 0 : i32
      %dma_start3A_40 = tpu.memref_slice %arg10[%dma_start3A_38, %dma_start3A_39] : memref<128x64xf32, #tpu.memory_space<vmem>> -> memref<1x64xf32, #tpu.memory_space<vmem>>
      %dma_start3A_41 = arith.constant 0 : i32
      %dma_start3A_42 = tpu.memref_slice %arg11[%add3A_16, %dma_start3A_41] : memref<10256x64xf32, #tpu.memory_space<vmem_shared>> -> memref<1x64xf32, #tpu.memory_space<vmem_shared>>
      %dma_start3A_43 = arith.constant 0 : i32
      %dma_start3A_44 = tpu.memref_slice %arg11[%add3A_16, %dma_start3A_43] : memref<10256x64xf32, #tpu.memory_space<vmem_shared>> -> memref<1x64xf32, #tpu.memory_space<vmem_shared>>
      %dma_start3A_45 = arith.constant 0 : i32
      %dma_start3A_46 = arith.constant 0 : i32
      %dma_start3A_47 = tpu.memref_slice %arg10[%dma_start3A_45, %dma_start3A_46] : memref<128x64xf32, #tpu.memory_space<vmem>> -> memref<1x64xf32, #tpu.memory_space<vmem>>
      tpu.enqueue_dma source(%dma_start3A_47 : memref<1x64xf32, #tpu.memory_space<vmem>>) target(%dma_start3A_44 : memref<1x64xf32, #tpu.memory_space<vmem_shared>>) target_semaphore(%run_scoped3A : memref<!tpu.dma_semaphore, #tpu.memory_space<semaphore_mem>>)
      %dma_wait3A = arith.constant 0 : i32
      %dma_wait3A_48 = arith.constant 0 : i32
      %dma_wait3A_49 = tpu.memref_slice %arg10[%dma_wait3A, %dma_wait3A_48] : memref<128x64xf32, #tpu.memory_space<vmem>> -> memref<1x64xf32, #tpu.memory_space<vmem>>
      %dma_wait3A_50 = arith.constant 0 : i32
      %dma_wait3A_51 = tpu.memref_slice %arg11[%add3A_16, %dma_wait3A_50] : memref<10256x64xf32, #tpu.memory_space<vmem_shared>> -> memref<1x64xf32, #tpu.memory_space<vmem_shared>>
      %dma_wait3A_52 = arith.constant 0 : i32
      %dma_wait3A_53 = tpu.memref_slice %arg11[%add3A_16, %dma_wait3A_52] : memref<10256x64xf32, #tpu.memory_space<vmem_shared>> -> memref<1x64xf32, #tpu.memory_space<vmem_shared>>
      %dma_wait3A_54 = arith.constant 0 : i32
      %dma_wait3A_55 = arith.constant 0 : i32
      %dma_wait3A_56 = tpu.memref_slice %arg10[%dma_wait3A_54, %dma_wait3A_55] : memref<128x64xf32, #tpu.memory_space<vmem>> -> memref<1x64xf32, #tpu.memory_space<vmem>>
      tpu.wait_dma2 semaphore(%run_scoped3A : memref<!tpu.dma_semaphore, #tpu.memory_space<semaphore_mem>>) src(%dma_wait3A_56 : memref<1x64xf32, #tpu.memory_space<vmem>>) dst(%dma_wait3A_53 : memref<1x64xf32, #tpu.memory_space<vmem_shared>>)
      tpu.yield
    }) : () -> ()
    %barrier3A = arith.constant 0 : index
    tpu.barrier barrier_id(%barrier3A)
    %dma_start3A = arith.constant 0 : i32
    %dma_start3A_17 = arith.constant 0 : i32
    %dma_start3A_18 = tpu.memref_slice %arg6[%dma_start3A, %dma_start3A_17] : memref<158x128xi32, #tpu.memory_space<vmem>> -> memref<1x128xi32, #tpu.memory_space<vmem>>
    %dma_start3A_19 = tpu.memref_squeeze %dma_start3A_18 : memref<1x128xi32, #tpu.memory_space<vmem>> -> memref<128xi32, #tpu.memory_space<vmem>>
    %dma_start3A_20 = arith.constant 0 : i32
    %dma_start3A_21 = arith.constant 0 : i32
    %dma_start3A_22 = tpu.memref_slice %arg2[%arg0, %dma_start3A_20, %dma_start3A_21] : memref<2x10240x64xf32, #tpu.memory_space<hbm>> -> memref<1x10240x64xf32, #tpu.memory_space<hbm>>
    %dma_start3A_23 = tpu.memref_squeeze %dma_start3A_22 : memref<1x10240x64xf32, #tpu.memory_space<hbm>> -> memref<10240x64xf32, #tpu.memory_space<hbm>>
    %dma_start3A_24 = arith.constant 0 : i32
    %dma_start3A_25 = arith.constant 0 : i32
    %dma_start3A_26 = tpu.memref_slice %dma_start3A_23[%dma_start3A_24, %dma_start3A_25] : memref<10240x64xf32, #tpu.memory_space<hbm>> -> memref<10240x64xf32, #tpu.memory_space<hbm>>
    tpu.enqueue_indirect_dma source(%dma_start3A_26 : memref<10240x64xf32, #tpu.memory_space<hbm>>) target(%arg8 : memref<128x64xf32, #tpu.memory_space<vmem>>) offsets(%dma_start3A_19 : memref<128xi32, #tpu.memory_space<vmem>>) semaphore(%arg12 : memref<!tpu.dma_semaphore, #tpu.memory_space<semaphore_mem>>)
    %scan3A_27 = arith.constant 0 : i32
    %scan3A_28 = arith.constant 0 : i32
    %scan3A_29 = arith.constant 79 : i32
    %scan3A_30 = arith.addi %scan3A_28, %scan3A_29 : i32
    %scan3A_31 = arith.constant 1 : i32
    scf.for %scan3A_38 = %scan3A_28 to %scan3A_30 step %scan3A_31  : i32 {
      %mul3A_39 = arith.constant 2 : i32
      %mul3A_40 = arith.muli %scan3A_38, %mul3A_39 : i32
      %add3A_41 = arith.constant 1 : i32
      %add3A_42 = arith.addi %mul3A_40, %add3A_41 : i32
      %dma_start3A_43 = arith.constant 0 : i32
      %dma_start3A_44 = tpu.memref_slice %arg6[%add3A_42, %dma_start3A_43] : memref<158x128xi32, #tpu.memory_space<vmem>> -> memref<1x128xi32, #tpu.memory_space<vmem>>
      %dma_start3A_45 = tpu.memref_squeeze %dma_start3A_44 : memref<1x128xi32, #tpu.memory_space<vmem>> -> memref<128xi32, #tpu.memory_space<vmem>>
      %dma_start3A_46 = arith.constant 0 : i32
      %dma_start3A_47 = arith.constant 0 : i32
      %dma_start3A_48 = tpu.memref_slice %arg2[%arg0, %dma_start3A_46, %dma_start3A_47] : memref<2x10240x64xf32, #tpu.memory_space<hbm>> -> memref<1x10240x64xf32, #tpu.memory_space<hbm>>
      %dma_start3A_49 = tpu.memref_squeeze %dma_start3A_48 : memref<1x10240x64xf32, #tpu.memory_space<hbm>> -> memref<10240x64xf32, #tpu.memory_space<hbm>>
      %dma_start3A_50 = arith.constant 0 : i32
      %dma_start3A_51 = arith.constant 0 : i32
      %dma_start3A_52 = tpu.memref_slice %dma_start3A_49[%dma_start3A_50, %dma_start3A_51] : memref<10240x64xf32, #tpu.memory_space<hbm>> -> memref<10240x64xf32, #tpu.memory_space<hbm>>
      tpu.enqueue_indirect_dma source(%dma_start3A_52 : memref<10240x64xf32, #tpu.memory_space<hbm>>) target(%arg9 : memref<128x64xf32, #tpu.memory_space<vmem>>) offsets(%dma_start3A_45 : memref<128xi32, #tpu.memory_space<vmem>>) semaphore(%arg13 : memref<!tpu.dma_semaphore, #tpu.memory_space<semaphore_mem>>)
      %dma_wait3A = arith.constant 0 : i32
      %dma_wait3A_53 = arith.constant 0 : i32
      %dma_wait3A_54 = tpu.memref_slice %arg2[%arg0, %dma_wait3A, %dma_wait3A_53] : memref<2x10240x64xf32, #tpu.memory_space<hbm>> -> memref<1x10240x64xf32, #tpu.memory_space<hbm>>
      %dma_wait3A_55 = tpu.memref_squeeze %dma_wait3A_54 : memref<1x10240x64xf32, #tpu.memory_space<hbm>> -> memref<10240x64xf32, #tpu.memory_space<hbm>>
      %dma_wait3A_56 = arith.constant 0 : i32
      %dma_wait3A_57 = arith.constant 0 : i32
      %dma_wait3A_58 = tpu.memref_slice %dma_wait3A_55[%dma_wait3A_56, %dma_wait3A_57] : memref<10240x64xf32, #tpu.memory_space<hbm>> -> memref<128x64xf32, #tpu.memory_space<hbm>>
      %dma_wait3A_59 = arith.constant 0 : i32
      %dma_wait3A_60 = arith.constant 0 : i32
      %dma_wait3A_61 = tpu.memref_slice %arg2[%arg0, %dma_wait3A_59, %dma_wait3A_60] : memref<2x10240x64xf32, #tpu.memory_space<hbm>> -> memref<1x10240x64xf32, #tpu.memory_space<hbm>>
      %dma_wait3A_62 = tpu.memref_squeeze %dma_wait3A_61 : memref<1x10240x64xf32, #tpu.memory_space<hbm>> -> memref<10240x64xf32, #tpu.memory_space<hbm>>
      %dma_wait3A_63 = arith.constant 0 : i32
      %dma_wait3A_64 = arith.constant 0 : i32
      %dma_wait3A_65 = tpu.memref_slice %dma_wait3A_62[%dma_wait3A_63, %dma_wait3A_64] : memref<10240x64xf32, #tpu.memory_space<hbm>> -> memref<128x64xf32, #tpu.memory_space<hbm>>
      tpu.wait_dma2 semaphore(%arg12 : memref<!tpu.dma_semaphore, #tpu.memory_space<semaphore_mem>>) src(%dma_wait3A_65 : memref<128x64xf32, #tpu.memory_space<hbm>>) dst(%arg8 : memref<128x64xf32, #tpu.memory_space<vmem>>)
      "tpu.region"() ({
        %run_scoped3A = tpu.sem_alloc : memref<!tpu.dma_semaphore, #tpu.memory_space<semaphore_mem>>
        %dma_start3A_86 = arith.constant 0 : i32
        %dma_start3A_87 = tpu.memref_slice %arg7[%mul3A_40, %dma_start3A_86] : memref<158x128xi32, #tpu.memory_space<vmem>> -> memref<1x128xi32, #tpu.memory_space<vmem>>
        %dma_start3A_88 = tpu.memref_squeeze %dma_start3A_87 : memref<1x128xi32, #tpu.memory_space<vmem>> -> memref<128xi32, #tpu.memory_space<vmem>>
        %dma_start3A_89 = arith.constant 0 : i32
        %dma_start3A_90 = arith.constant 0 : i32
        %dma_start3A_91 = tpu.memref_slice %arg11[%dma_start3A_89, %dma_start3A_90] : memref<10256x64xf32, #tpu.memory_space<vmem_shared>> -> memref<10256x64xf32, #tpu.memory_space<vmem_shared>>
        tpu.enqueue_indirect_dma source(%arg8 : memref<128x64xf32, #tpu.memory_space<vmem>>) target(%dma_start3A_91 : memref<10256x64xf32, #tpu.memory_space<vmem_shared>>) offsets(%dma_start3A_88 : memref<128xi32, #tpu.memory_space<vmem>>) semaphore(%run_scoped3A : memref<!tpu.dma_semaphore, #tpu.memory_space<semaphore_mem>>) {add = true}
        %dma_wait3A_92 = arith.constant 0 : i32
        %dma_wait3A_93 = tpu.memref_slice %arg7[%mul3A_40, %dma_wait3A_92] : memref<158x128xi32, #tpu.memory_space<vmem>> -> memref<1x128xi32, #tpu.memory_space<vmem>>
        %dma_wait3A_94 = tpu.memref_squeeze %dma_wait3A_93 : memref<1x128xi32, #tpu.memory_space<vmem>> -> memref<128xi32, #tpu.memory_space<vmem>>
        %dma_wait3A_95 = arith.constant 0 : i32
        %dma_wait3A_96 = arith.constant 0 : i32
        %dma_wait3A_97 = tpu.memref_slice %arg11[%dma_wait3A_95, %dma_wait3A_96] : memref<10256x64xf32, #tpu.memory_space<vmem_shared>> -> memref<10256x64xf32, #tpu.memory_space<vmem_shared>>
        tpu.wait_indirect_dma semaphore(%run_scoped3A : memref<!tpu.dma_semaphore, #tpu.memory_space<semaphore_mem>>) src(%arg8 : memref<128x64xf32, #tpu.memory_space<vmem>>) dst(%dma_wait3A_97 : memref<10256x64xf32, #tpu.memory_space<vmem_shared>>)
        tpu.yield
      }) : () -> ()
      %add3A_66 = arith.constant 2 : i32
      %add3A_67 = arith.addi %mul3A_40, %add3A_66 : i32
      %lt3A = arith.constant 158 : i32
      %lt3A_68 = arith.cmpi slt, %add3A_67, %lt3A : i32
      %convert_element_type3A = arith.extui %lt3A_68 : i1 to i32
      %cond3A = arith.constant 0 : i32
      %cond3A_69 = arith.cmpi ne, %convert_element_type3A, %cond3A : i32
      scf.if %cond3A_69 {
        %add3A_86 = arith.constant 2 : i32
        %add3A_87 = arith.addi %mul3A_40, %add3A_86 : i32
        %dma_start3A_88 = arith.constant 0 : i32
        %dma_start3A_89 = tpu.memref_slice %arg6[%add3A_87, %dma_start3A_88] : memref<158x128xi32, #tpu.memory_space<vmem>> -> memref<1x128xi32, #tpu.memory_space<vmem>>
        %dma_start3A_90 = tpu.memref_squeeze %dma_start3A_89 : memref<1x128xi32, #tpu.memory_space<vmem>> -> memref<128xi32, #tpu.memory_space<vmem>>
        %dma_start3A_91 = arith.constant 0 : i32
        %dma_start3A_92 = arith.constant 0 : i32
        %dma_start3A_93 = tpu.memref_slice %arg2[%arg0, %dma_start3A_91, %dma_start3A_92] : memref<2x10240x64xf32, #tpu.memory_space<hbm>> -> memref<1x10240x64xf32, #tpu.memory_space<hbm>>
        %dma_start3A_94 = tpu.memref_squeeze %dma_start3A_93 : memref<1x10240x64xf32, #tpu.memory_space<hbm>> -> memref<10240x64xf32, #tpu.memory_space<hbm>>
        %dma_start3A_95 = arith.constant 0 : i32
        %dma_start3A_96 = arith.constant 0 : i32
        %dma_start3A_97 = tpu.memref_slice %dma_start3A_94[%dma_start3A_95, %dma_start3A_96] : memref<10240x64xf32, #tpu.memory_space<hbm>> -> memref<10240x64xf32, #tpu.memory_space<hbm>>
        tpu.enqueue_indirect_dma source(%dma_start3A_97 : memref<10240x64xf32, #tpu.memory_space<hbm>>) target(%arg8 : memref<128x64xf32, #tpu.memory_space<vmem>>) offsets(%dma_start3A_90 : memref<128xi32, #tpu.memory_space<vmem>>) semaphore(%arg12 : memref<!tpu.dma_semaphore, #tpu.memory_space<semaphore_mem>>)
      } else {
      }
      %dma_wait3A_70 = arith.constant 0 : i32
      %dma_wait3A_71 = arith.constant 0 : i32
      %dma_wait3A_72 = tpu.memref_slice %arg2[%arg0, %dma_wait3A_70, %dma_wait3A_71] : memref<2x10240x64xf32, #tpu.memory_space<hbm>> -> memref<1x10240x64xf32, #tpu.memory_space<hbm>>
      %dma_wait3A_73 = tpu.memref_squeeze %dma_wait3A_72 : memref<1x10240x64xf32, #tpu.memory_space<hbm>> -> memref<10240x64xf32, #tpu.memory_space<hbm>>
      %dma_wait3A_74 = arith.constant 0 : i32
      %dma_wait3A_75 = arith.constant 0 : i32
      %dma_wait3A_76 = tpu.memref_slice %dma_wait3A_73[%dma_wait3A_74, %dma_wait3A_75] : memref<10240x64xf32, #tpu.memory_space<hbm>> -> memref<128x64xf32, #tpu.memory_space<hbm>>
      %dma_wait3A_77 = arith.constant 0 : i32
      %dma_wait3A_78 = arith.constant 0 : i32
      %dma_wait3A_79 = tpu.memref_slice %arg2[%arg0, %dma_wait3A_77, %dma_wait3A_78] : memref<2x10240x64xf32, #tpu.memory_space<hbm>> -> memref<1x10240x64xf32, #tpu.memory_space<hbm>>
      %dma_wait3A_80 = tpu.memref_squeeze %dma_wait3A_79 : memref<1x10240x64xf32, #tpu.memory_space<hbm>> -> memref<10240x64xf32, #tpu.memory_space<hbm>>
      %dma_wait3A_81 = arith.constant 0 : i32
      %dma_wait3A_82 = arith.constant 0 : i32
      %dma_wait3A_83 = tpu.memref_slice %dma_wait3A_80[%dma_wait3A_81, %dma_wait3A_82] : memref<10240x64xf32, #tpu.memory_space<hbm>> -> memref<128x64xf32, #tpu.memory_space<hbm>>
      tpu.wait_dma2 semaphore(%arg13 : memref<!tpu.dma_semaphore, #tpu.memory_space<semaphore_mem>>) src(%dma_wait3A_83 : memref<128x64xf32, #tpu.memory_space<hbm>>) dst(%arg9 : memref<128x64xf32, #tpu.memory_space<vmem>>)
      %add3A_84 = arith.constant 1 : i32
      %add3A_85 = arith.addi %mul3A_40, %add3A_84 : i32
      "tpu.region"() ({
        %run_scoped3A = tpu.sem_alloc : memref<!tpu.dma_semaphore, #tpu.memory_space<semaphore_mem>>
        %dma_start3A_86 = arith.constant 0 : i32
        %dma_start3A_87 = tpu.memref_slice %arg7[%add3A_85, %dma_start3A_86] : memref<158x128xi32, #tpu.memory_space<vmem>> -> memref<1x128xi32, #tpu.memory_space<vmem>>
        %dma_start3A_88 = tpu.memref_squeeze %dma_start3A_87 : memref<1x128xi32, #tpu.memory_space<vmem>> -> memref<128xi32, #tpu.memory_space<vmem>>
        %dma_start3A_89 = arith.constant 0 : i32
        %dma_start3A_90 = arith.constant 0 : i32
        %dma_start3A_91 = tpu.memref_slice %arg11[%dma_start3A_89, %dma_start3A_90] : memref<10256x64xf32, #tpu.memory_space<vmem_shared>> -> memref<10256x64xf32, #tpu.memory_space<vmem_shared>>
        tpu.enqueue_indirect_dma source(%arg9 : memref<128x64xf32, #tpu.memory_space<vmem>>) target(%dma_start3A_91 : memref<10256x64xf32, #tpu.memory_space<vmem_shared>>) offsets(%dma_start3A_88 : memref<128xi32, #tpu.memory_space<vmem>>) semaphore(%run_scoped3A : memref<!tpu.dma_semaphore, #tpu.memory_space<semaphore_mem>>) {add = true}
        %dma_wait3A_92 = arith.constant 0 : i32
        %dma_wait3A_93 = tpu.memref_slice %arg7[%add3A_85, %dma_wait3A_92] : memref<158x128xi32, #tpu.memory_space<vmem>> -> memref<1x128xi32, #tpu.memory_space<vmem>>
        %dma_wait3A_94 = tpu.memref_squeeze %dma_wait3A_93 : memref<1x128xi32, #tpu.memory_space<vmem>> -> memref<128xi32, #tpu.memory_space<vmem>>
        %dma_wait3A_95 = arith.constant 0 : i32
        %dma_wait3A_96 = arith.constant 0 : i32
        %dma_wait3A_97 = tpu.memref_slice %arg11[%dma_wait3A_95, %dma_wait3A_96] : memref<10256x64xf32, #tpu.memory_space<vmem_shared>> -> memref<10256x64xf32, #tpu.memory_space<vmem_shared>>
        tpu.wait_indirect_dma semaphore(%run_scoped3A : memref<!tpu.dma_semaphore, #tpu.memory_space<semaphore_mem>>) src(%arg9 : memref<128x64xf32, #tpu.memory_space<vmem>>) dst(%dma_wait3A_97 : memref<10256x64xf32, #tpu.memory_space<vmem_shared>>)
        tpu.yield
      }) : () -> ()
    }
    %scan3A_32 = arith.constant 79 : i32
    %barrier3A_33 = arith.constant 0 : index
    tpu.barrier barrier_id(%barrier3A_33)
    %mul3A_34 = arith.constant 640 : i32
    %mul3A_35 = arith.muli %arg1, %mul3A_34 : i32
    %mul3A_36 = arith.constant 640 : i32
    %mul3A_37 = arith.muli %arg1, %mul3A_36 : i32
    "tpu.region"() ({
      %run_scoped3A = tpu.sem_alloc : memref<!tpu.dma_semaphore, #tpu.memory_space<semaphore_mem>>
      %dma_start3A_38 = arith.constant 0 : i32
      %dma_start3A_39 = tpu.memref_slice %arg5[%arg0, %mul3A_37, %dma_start3A_38] : memref<2x10240x64xf32, #tpu.memory_space<hbm>> -> memref<1x640x64xf32, #tpu.memory_space<hbm>>
      %dma_start3A_40 = tpu.memref_squeeze %dma_start3A_39 : memref<1x640x64xf32, #tpu.memory_space<hbm>> -> memref<640x64xf32, #tpu.memory_space<hbm>>
      %dma_start3A_41 = arith.constant 0 : i32
      %dma_start3A_42 = tpu.memref_slice %arg11[%mul3A_35, %dma_start3A_41] : memref<10256x64xf32, #tpu.memory_space<vmem_shared>> -> memref<640x64xf32, #tpu.memory_space<vmem_shared>>
      tpu.enqueue_dma source(%dma_start3A_42 : memref<640x64xf32, #tpu.memory_space<vmem_shared>>) target(%dma_start3A_40 : memref<640x64xf32, #tpu.memory_space<hbm>>) target_semaphore(%run_scoped3A : memref<!tpu.dma_semaphore, #tpu.memory_space<semaphore_mem>>)
      %dma_wait3A = arith.constant 0 : i32
      %dma_wait3A_43 = tpu.memref_slice %arg5[%arg0, %mul3A_37, %dma_wait3A] : memref<2x10240x64xf32, #tpu.memory_space<hbm>> -> memref<1x640x64xf32, #tpu.memory_space<hbm>>
      %dma_wait3A_44 = tpu.memref_squeeze %dma_wait3A_43 : memref<1x640x64xf32, #tpu.memory_space<hbm>> -> memref<640x64xf32, #tpu.memory_space<hbm>>
      %dma_wait3A_45 = arith.constant 0 : i32
      %dma_wait3A_46 = tpu.memref_slice %arg11[%mul3A_35, %dma_wait3A_45] : memref<10256x64xf32, #tpu.memory_space<vmem_shared>> -> memref<640x64xf32, #tpu.memory_space<vmem_shared>>
      tpu.wait_dma2 semaphore(%run_scoped3A : memref<!tpu.dma_semaphore, #tpu.memory_space<semaphore_mem>>) src(%dma_wait3A_46 : memref<640x64xf32, #tpu.memory_space<vmem_shared>>) dst(%dma_wait3A_44 : memref<640x64xf32, #tpu.memory_space<hbm>>)
      tpu.yield
    }) : () -> ()
    return
  }
}

module attributes {stable_mosaic.version = 14 : i64} {
  func.func @_t0_body(%arg0: i32, %arg1: memref<2048x128xf32, #tpu.memory_space<vmem>>, %arg2: memref<128x128xf32, #tpu.memory_space<vmem>>, %arg3: memref<2x16x128xf32, #tpu.memory_space<vmem>>, %arg4: memref<2x2048x64xf32, #tpu.memory_space<vmem>>, %arg5: memref<16x128xf32, #tpu.memory_space<vmem>>) attributes {dimension_semantics = [#tpu.dimension_semantics<arbitrary>], iteration_bounds = array<i64: 5>, scalar_prefetch = 0 : i64, scratch_operands = 0 : i64, tpu.core_type = #tpu.core_type<tc>, window_params = [{transform_indices = @transform_0, window_bounds = array<i64: 2048, 128>}, {pipeline_mode = #tpu.pipeline_mode<synchronous>, transform_indices = @transform_1, window_bounds = array<i64: 128, 128>}, {transform_indices = @transform_2, window_bounds = array<i64: 2, 16, 128>}, {transform_indices = @transform_3, window_bounds = array<i64: 2, 2048, 64>}, {transform_indices = @transform_4, window_bounds = array<i64: 16, 128>}]} {
    %get3A = arith.constant 0 : index
    %get3A_0 = arith.constant 0 : index
    %get3A_1 = arith.constant 0 : index
    %get3A_2 = vector.load %arg3[%get3A, %get3A_0, %get3A_1] : memref<2x16x128xf32, #tpu.memory_space<vmem>>, vector<1x16x128xf32>
    %get3A_3 = vector.shape_cast %get3A_2 : vector<1x16x128xf32> to vector<16x128xf32>
    %get3A_4 = arith.constant 1 : index
    %get3A_5 = arith.constant 0 : index
    %get3A_6 = arith.constant 0 : index
    %get3A_7 = vector.load %arg3[%get3A_4, %get3A_5, %get3A_6] : memref<2x16x128xf32, #tpu.memory_space<vmem>>, vector<1x16x128xf32>
    %get3A_8 = vector.shape_cast %get3A_7 : vector<1x16x128xf32> to vector<16x128xf32>
    %add3A = arith.addf %get3A_3, %get3A_8 : vector<16x128xf32>
    %add3A_9 = arith.constant 1.000000e+00 : f32
    %add3A_10 = vector.broadcast %add3A_9 : f32 to vector<16x128xf32>
    %add3A_11 = arith.addf %add3A, %add3A_10 : vector<16x128xf32>
    %rsqrt3A = math.rsqrt %add3A_11 : vector<16x128xf32>
    %swap3A = arith.constant 0 : index
    %swap3A_12 = arith.constant 0 : index
    %swap3A_13 = vector.load %arg5[%swap3A, %swap3A_12] : memref<16x128xf32, #tpu.memory_space<vmem>>, vector<16x128xf32>
    tpu.vector_store %arg5[%swap3A, %swap3A_12], %rsqrt3A {strides = array<i32>} : memref<16x128xf32, #tpu.memory_space<vmem>>, vector<16x128xf32>,
    %get3A_14 = arith.constant 0 : index
    %get3A_15 = arith.constant 0 : index
    %get3A_16 = vector.load %arg1[%get3A_14, %get3A_15] : memref<2048x128xf32, #tpu.memory_space<vmem>>, vector<2048x128xf32>
    %get3A_17 = arith.constant 0 : index
    %get3A_18 = arith.constant 0 : index
    %get3A_19 = vector.load %arg2[%get3A_17, %get3A_18] : memref<128x128xf32, #tpu.memory_space<vmem>>, vector<128x128xf32>
    %dot_general3A = arith.constant dense<0.000000e+00> : vector<2048x128xf32>
    %dot_general3A_20 = tpu.matmul %get3A_16, %get3A_19, %dot_general3A {dimension_numbers = #tpu.dot_dimension_numbers<[1], [0], [0], [1], [0, 0, 1, 1], [], []>, transpose_lhs_hint = false} : vector<2048x128xf32>, vector<128x128xf32>, vector<2048x128xf32> -> vector<2048x128xf32>
    %slice3A = vector.extract_strided_slice %rsqrt3A {offsets = [0, 0], sizes = [1, 128], strides = [1, 1]} : vector<16x128xf32> to vector<1x128xf32>
    %transpose3A = tpu.transpose %slice3A, [1, 0] : vector<1x128xf32> -> vector<128x1xf32>
    %slice3A_21 = vector.extract_strided_slice %rsqrt3A {offsets = [1, 0], sizes = [1, 128], strides = [1, 1]} : vector<16x128xf32> to vector<1x128xf32>
    %transpose3A_22 = tpu.transpose %slice3A_21, [1, 0] : vector<1x128xf32> -> vector<128x1xf32>
    %slice3A_23 = vector.extract_strided_slice %rsqrt3A {offsets = [2, 0], sizes = [1, 128], strides = [1, 1]} : vector<16x128xf32> to vector<1x128xf32>
    %transpose3A_24 = tpu.transpose %slice3A_23, [1, 0] : vector<1x128xf32> -> vector<128x1xf32>
    %slice3A_25 = vector.extract_strided_slice %rsqrt3A {offsets = [3, 0], sizes = [1, 128], strides = [1, 1]} : vector<16x128xf32> to vector<1x128xf32>
    %transpose3A_26 = tpu.transpose %slice3A_25, [1, 0] : vector<1x128xf32> -> vector<128x1xf32>
    %slice3A_27 = vector.extract_strided_slice %rsqrt3A {offsets = [4, 0], sizes = [1, 128], strides = [1, 1]} : vector<16x128xf32> to vector<1x128xf32>
    %transpose3A_28 = tpu.transpose %slice3A_27, [1, 0] : vector<1x128xf32> -> vector<128x1xf32>
    %slice3A_29 = vector.extract_strided_slice %rsqrt3A {offsets = [5, 0], sizes = [1, 128], strides = [1, 1]} : vector<16x128xf32> to vector<1x128xf32>
    %transpose3A_30 = tpu.transpose %slice3A_29, [1, 0] : vector<1x128xf32> -> vector<128x1xf32>
    %slice3A_31 = vector.extract_strided_slice %rsqrt3A {offsets = [6, 0], sizes = [1, 128], strides = [1, 1]} : vector<16x128xf32> to vector<1x128xf32>
    %transpose3A_32 = tpu.transpose %slice3A_31, [1, 0] : vector<1x128xf32> -> vector<128x1xf32>
    %slice3A_33 = vector.extract_strided_slice %rsqrt3A {offsets = [7, 0], sizes = [1, 128], strides = [1, 1]} : vector<16x128xf32> to vector<1x128xf32>
    %transpose3A_34 = tpu.transpose %slice3A_33, [1, 0] : vector<1x128xf32> -> vector<128x1xf32>
    %slice3A_35 = vector.extract_strided_slice %rsqrt3A {offsets = [8, 0], sizes = [1, 128], strides = [1, 1]} : vector<16x128xf32> to vector<1x128xf32>
    %transpose3A_36 = tpu.transpose %slice3A_35, [1, 0] : vector<1x128xf32> -> vector<128x1xf32>
    %slice3A_37 = vector.extract_strided_slice %rsqrt3A {offsets = [9, 0], sizes = [1, 128], strides = [1, 1]} : vector<16x128xf32> to vector<1x128xf32>
    %transpose3A_38 = tpu.transpose %slice3A_37, [1, 0] : vector<1x128xf32> -> vector<128x1xf32>
    %slice3A_39 = vector.extract_strided_slice %rsqrt3A {offsets = [10, 0], sizes = [1, 128], strides = [1, 1]} : vector<16x128xf32> to vector<1x128xf32>
    %transpose3A_40 = tpu.transpose %slice3A_39, [1, 0] : vector<1x128xf32> -> vector<128x1xf32>
    %slice3A_41 = vector.extract_strided_slice %rsqrt3A {offsets = [11, 0], sizes = [1, 128], strides = [1, 1]} : vector<16x128xf32> to vector<1x128xf32>
    %transpose3A_42 = tpu.transpose %slice3A_41, [1, 0] : vector<1x128xf32> -> vector<128x1xf32>
    %slice3A_43 = vector.extract_strided_slice %rsqrt3A {offsets = [12, 0], sizes = [1, 128], strides = [1, 1]} : vector<16x128xf32> to vector<1x128xf32>
    %transpose3A_44 = tpu.transpose %slice3A_43, [1, 0] : vector<1x128xf32> -> vector<128x1xf32>
    %slice3A_45 = vector.extract_strided_slice %rsqrt3A {offsets = [13, 0], sizes = [1, 128], strides = [1, 1]} : vector<16x128xf32> to vector<1x128xf32>
    %transpose3A_46 = tpu.transpose %slice3A_45, [1, 0] : vector<1x128xf32> -> vector<128x1xf32>
    %slice3A_47 = vector.extract_strided_slice %rsqrt3A {offsets = [14, 0], sizes = [1, 128], strides = [1, 1]} : vector<16x128xf32> to vector<1x128xf32>
    %transpose3A_48 = tpu.transpose %slice3A_47, [1, 0] : vector<1x128xf32> -> vector<128x1xf32>
    %slice3A_49 = vector.extract_strided_slice %rsqrt3A {offsets = [15, 0], sizes = [1, 128], strides = [1, 1]} : vector<16x128xf32> to vector<1x128xf32>
    %transpose3A_50 = tpu.transpose %slice3A_49, [1, 0] : vector<1x128xf32> -> vector<128x1xf32>
    %concatenate3A = tpu.concatenate %transpose3A, %transpose3A_22, %transpose3A_24, %transpose3A_26, %transpose3A_28, %transpose3A_30, %transpose3A_32, %transpose3A_34, %transpose3A_36, %transpose3A_38, %transpose3A_40, %transpose3A_42, %transpose3A_44, %transpose3A_46, %transpose3A_48, %transpose3A_50 in 0 : vector<128x1xf32>, vector<128x1xf32>, vector<128x1xf32>, vector<128x1xf32>, vector<128x1xf32>, vector<128x1xf32>, vector<128x1xf32>, vector<128x1xf32>, vector<128x1xf32>, vector<128x1xf32>, vector<128x1xf32>, vector<128x1xf32>, vector<128x1xf32>, vector<128x1xf32>, vector<128x1xf32>, vector<128x1xf32> -> vector<2048x1xf32>
    %mul3A = vector.broadcast %concatenate3A : vector<2048x1xf32> to vector<2048x128xf32>
    %mul3A_51 = arith.mulf %dot_general3A_20, %mul3A : vector<2048x128xf32>
    %slice3A_52 = vector.extract_strided_slice %mul3A_51 {offsets = [0, 0], sizes = [2048, 64], strides = [1, 1]} : vector<2048x128xf32> to vector<2048x64xf32>
    %slice3A_53 = vector.extract_strided_slice %mul3A_51 {offsets = [0, 64], sizes = [2048, 64], strides = [1, 1]} : vector<2048x128xf32> to vector<2048x64xf32>
    %swap3A_54 = arith.constant 0 : index
    %swap3A_55 = arith.constant 0 : index
    %swap3A_56 = arith.constant 0 : index
    %swap3A_57 = vector.load %arg4[%swap3A_54, %swap3A_55, %swap3A_56] : memref<2x2048x64xf32, #tpu.memory_space<vmem>>, vector<1x2048x64xf32>
    %swap3A_58 = vector.shape_cast %swap3A_57 : vector<1x2048x64xf32> to vector<2048x64xf32>
    %swap3A_59 = vector.shape_cast %slice3A_52 : vector<2048x64xf32> to vector<1x2048x64xf32>
    tpu.vector_store %arg4[%swap3A_54, %swap3A_55, %swap3A_56], %swap3A_59 {strides = array<i32>} : memref<2x2048x64xf32, #tpu.memory_space<vmem>>, vector<1x2048x64xf32>,
    %swap3A_60 = arith.constant 1 : index
    %swap3A_61 = arith.constant 0 : index
    %swap3A_62 = arith.constant 0 : index
    %swap3A_63 = vector.load %arg4[%swap3A_60, %swap3A_61, %swap3A_62] : memref<2x2048x64xf32, #tpu.memory_space<vmem>>, vector<1x2048x64xf32>
    %swap3A_64 = vector.shape_cast %swap3A_63 : vector<1x2048x64xf32> to vector<2048x64xf32>
    %swap3A_65 = vector.shape_cast %slice3A_53 : vector<2048x64xf32> to vector<1x2048x64xf32>
    tpu.vector_store %arg4[%swap3A_60, %swap3A_61, %swap3A_62], %swap3A_65 {strides = array<i32>} : memref<2x2048x64xf32, #tpu.memory_space<vmem>>, vector<1x2048x64xf32>,
    return
  }
  func.func @transform_0(%arg0: i32) -> (i32, i32) {
    %c0_i32 = arith.constant 0 : i32
    %c0_i32_0 = arith.constant 0 : i32
    return %arg0, %c0_i32 : i32, i32
  }
  func.func @transform_1(%arg0: i32) -> (i32, i32) {
    %c0_i32 = arith.constant 0 : i32
    %c0_i32_0 = arith.constant 0 : i32
    %c0_i32_1 = arith.constant 0 : i32
    return %c0_i32, %c0_i32_0 : i32, i32
  }
  func.func @transform_2(%arg0: i32) -> (i32, i32, i32) {
    %c0_i32 = arith.constant 0 : i32
    %c0_i32_0 = arith.constant 0 : i32
    %c0_i32_1 = arith.constant 0 : i32
    return %c0_i32, %arg0, %c0_i32_0 : i32, i32, i32
  }
  func.func @transform_3(%arg0: i32) -> (i32, i32, i32) {
    %c0_i32 = arith.constant 0 : i32
    %c0_i32_0 = arith.constant 0 : i32
    %c0_i32_1 = arith.constant 0 : i32
    return %c0_i32, %arg0, %c0_i32_0 : i32, i32, i32
  }
  func.func @transform_4(%arg0: i32) -> (i32, i32) {
    %c0_i32 = arith.constant 0 : i32
    %c0_i32_0 = arith.constant 0 : i32
    return %arg0, %c0_i32 : i32, i32
  }
}

module attributes {stable_mosaic.version = 14 : i64} {
  func.func @_t1_body(%arg0: i32, %arg1: memref<2x2048x64xf32, #tpu.memory_space<vmem>>, %arg2: memref<2x2048x64xf32, #tpu.memory_space<vmem>>, %arg3: memref<16x128xf32, #tpu.memory_space<vmem>>, %arg4: memref<1x128xf32, #tpu.memory_space<vmem>>, %arg5: memref<1x128xf32, #tpu.memory_space<vmem>>, %arg6: memref<1x128xf32, #tpu.memory_space<vmem>>, %arg7: memref<1x128xf32, #tpu.memory_space<vmem>>, %arg8: memref<1x128xf32, #tpu.memory_space<vmem>>, %arg9: memref<128x128xf32, #tpu.memory_space<vmem>>, %arg10: memref<2x2048x64xf32, #tpu.memory_space<vmem>>) attributes {dimension_semantics = [#tpu.dimension_semantics<arbitrary>], iteration_bounds = array<i64: 5>, scalar_prefetch = 0 : i64, scratch_operands = 0 : i64, tpu.core_type = #tpu.core_type<tc>, window_params = [{transform_indices = @transform_0, window_bounds = array<i64: 2, 2048, 64>}, {transform_indices = @transform_1, window_bounds = array<i64: 2, 2048, 64>}, {transform_indices = @transform_2, window_bounds = array<i64: 16, 128>}, {pipeline_mode = #tpu.pipeline_mode<synchronous>, transform_indices = @transform_3, window_bounds = array<i64: 1, 128>}, {pipeline_mode = #tpu.pipeline_mode<synchronous>, transform_indices = @transform_4, window_bounds = array<i64: 1, 128>}, {pipeline_mode = #tpu.pipeline_mode<synchronous>, transform_indices = @transform_5, window_bounds = array<i64: 1, 128>}, {pipeline_mode = #tpu.pipeline_mode<synchronous>, transform_indices = @transform_6, window_bounds = array<i64: 1, 128>}, {pipeline_mode = #tpu.pipeline_mode<synchronous>, transform_indices = @transform_7, window_bounds = array<i64: 1, 128>}, {pipeline_mode = #tpu.pipeline_mode<synchronous>, transform_indices = @transform_8, window_bounds = array<i64: 128, 128>}, {transform_indices = @transform_9, window_bounds = array<i64: 2, 2048, 64>}]} {
    %get3A = arith.constant 0 : index
    %get3A_0 = arith.constant 0 : index
    %get3A_1 = vector.load %arg3[%get3A, %get3A_0] : memref<16x128xf32, #tpu.memory_space<vmem>>, vector<16x128xf32>
    %slice3A = vector.extract_strided_slice %get3A_1 {offsets = [0, 0], sizes = [1, 128], strides = [1, 1]} : vector<16x128xf32> to vector<1x128xf32>
    %transpose3A = tpu.transpose %slice3A, [1, 0] : vector<1x128xf32> -> vector<128x1xf32>
    %slice3A_2 = vector.extract_strided_slice %get3A_1 {offsets = [1, 0], sizes = [1, 128], strides = [1, 1]} : vector<16x128xf32> to vector<1x128xf32>
    %transpose3A_3 = tpu.transpose %slice3A_2, [1, 0] : vector<1x128xf32> -> vector<128x1xf32>
    %slice3A_4 = vector.extract_strided_slice %get3A_1 {offsets = [2, 0], sizes = [1, 128], strides = [1, 1]} : vector<16x128xf32> to vector<1x128xf32>
    %transpose3A_5 = tpu.transpose %slice3A_4, [1, 0] : vector<1x128xf32> -> vector<128x1xf32>
    %slice3A_6 = vector.extract_strided_slice %get3A_1 {offsets = [3, 0], sizes = [1, 128], strides = [1, 1]} : vector<16x128xf32> to vector<1x128xf32>
    %transpose3A_7 = tpu.transpose %slice3A_6, [1, 0] : vector<1x128xf32> -> vector<128x1xf32>
    %slice3A_8 = vector.extract_strided_slice %get3A_1 {offsets = [4, 0], sizes = [1, 128], strides = [1, 1]} : vector<16x128xf32> to vector<1x128xf32>
    %transpose3A_9 = tpu.transpose %slice3A_8, [1, 0] : vector<1x128xf32> -> vector<128x1xf32>
    %slice3A_10 = vector.extract_strided_slice %get3A_1 {offsets = [5, 0], sizes = [1, 128], strides = [1, 1]} : vector<16x128xf32> to vector<1x128xf32>
    %transpose3A_11 = tpu.transpose %slice3A_10, [1, 0] : vector<1x128xf32> -> vector<128x1xf32>
    %slice3A_12 = vector.extract_strided_slice %get3A_1 {offsets = [6, 0], sizes = [1, 128], strides = [1, 1]} : vector<16x128xf32> to vector<1x128xf32>
    %transpose3A_13 = tpu.transpose %slice3A_12, [1, 0] : vector<1x128xf32> -> vector<128x1xf32>
    %slice3A_14 = vector.extract_strided_slice %get3A_1 {offsets = [7, 0], sizes = [1, 128], strides = [1, 1]} : vector<16x128xf32> to vector<1x128xf32>
    %transpose3A_15 = tpu.transpose %slice3A_14, [1, 0] : vector<1x128xf32> -> vector<128x1xf32>
    %slice3A_16 = vector.extract_strided_slice %get3A_1 {offsets = [8, 0], sizes = [1, 128], strides = [1, 1]} : vector<16x128xf32> to vector<1x128xf32>
    %transpose3A_17 = tpu.transpose %slice3A_16, [1, 0] : vector<1x128xf32> -> vector<128x1xf32>
    %slice3A_18 = vector.extract_strided_slice %get3A_1 {offsets = [9, 0], sizes = [1, 128], strides = [1, 1]} : vector<16x128xf32> to vector<1x128xf32>
    %transpose3A_19 = tpu.transpose %slice3A_18, [1, 0] : vector<1x128xf32> -> vector<128x1xf32>
    %slice3A_20 = vector.extract_strided_slice %get3A_1 {offsets = [10, 0], sizes = [1, 128], strides = [1, 1]} : vector<16x128xf32> to vector<1x128xf32>
    %transpose3A_21 = tpu.transpose %slice3A_20, [1, 0] : vector<1x128xf32> -> vector<128x1xf32>
    %slice3A_22 = vector.extract_strided_slice %get3A_1 {offsets = [11, 0], sizes = [1, 128], strides = [1, 1]} : vector<16x128xf32> to vector<1x128xf32>
    %transpose3A_23 = tpu.transpose %slice3A_22, [1, 0] : vector<1x128xf32> -> vector<128x1xf32>
    %slice3A_24 = vector.extract_strided_slice %get3A_1 {offsets = [12, 0], sizes = [1, 128], strides = [1, 1]} : vector<16x128xf32> to vector<1x128xf32>
    %transpose3A_25 = tpu.transpose %slice3A_24, [1, 0] : vector<1x128xf32> -> vector<128x1xf32>
    %slice3A_26 = vector.extract_strided_slice %get3A_1 {offsets = [13, 0], sizes = [1, 128], strides = [1, 1]} : vector<16x128xf32> to vector<1x128xf32>
    %transpose3A_27 = tpu.transpose %slice3A_26, [1, 0] : vector<1x128xf32> -> vector<128x1xf32>
    %slice3A_28 = vector.extract_strided_slice %get3A_1 {offsets = [14, 0], sizes = [1, 128], strides = [1, 1]} : vector<16x128xf32> to vector<1x128xf32>
    %transpose3A_29 = tpu.transpose %slice3A_28, [1, 0] : vector<1x128xf32> -> vector<128x1xf32>
    %slice3A_30 = vector.extract_strided_slice %get3A_1 {offsets = [15, 0], sizes = [1, 128], strides = [1, 1]} : vector<16x128xf32> to vector<1x128xf32>
    %transpose3A_31 = tpu.transpose %slice3A_30, [1, 0] : vector<1x128xf32> -> vector<128x1xf32>
    %concatenate3A = tpu.concatenate %transpose3A, %transpose3A_3, %transpose3A_5, %transpose3A_7, %transpose3A_9, %transpose3A_11, %transpose3A_13, %transpose3A_15, %transpose3A_17, %transpose3A_19, %transpose3A_21, %transpose3A_23, %transpose3A_25, %transpose3A_27, %transpose3A_29, %transpose3A_31 in 0 : vector<128x1xf32>, vector<128x1xf32>, vector<128x1xf32>, vector<128x1xf32>, vector<128x1xf32>, vector<128x1xf32>, vector<128x1xf32>, vector<128x1xf32>, vector<128x1xf32>, vector<128x1xf32>, vector<128x1xf32>, vector<128x1xf32>, vector<128x1xf32>, vector<128x1xf32>, vector<128x1xf32>, vector<128x1xf32> -> vector<2048x1xf32>
    %get3A_32 = arith.constant 0 : index
    %get3A_33 = arith.constant 0 : index
    %get3A_34 = vector.load %arg4[%get3A_32, %get3A_33] : memref<1x128xf32, #tpu.memory_space<vmem>>, vector<1x128xf32>
    %slice3A_35 = vector.extract_strided_slice %get3A_34 {offsets = [0, 0], sizes = [1, 64], strides = [1, 1]} : vector<1x128xf32> to vector<1x64xf32>
    %slice3A_36 = vector.extract_strided_slice %get3A_34 {offsets = [0, 64], sizes = [1, 64], strides = [1, 1]} : vector<1x128xf32> to vector<1x64xf32>
    %get3A_37 = arith.constant 0 : index
    %get3A_38 = arith.constant 0 : index
    %get3A_39 = arith.constant 0 : index
    %get3A_40 = vector.load %arg1[%get3A_37, %get3A_38, %get3A_39] : memref<2x2048x64xf32, #tpu.memory_space<vmem>>, vector<1x2048x64xf32>
    %get3A_41 = vector.shape_cast %get3A_40 : vector<1x2048x64xf32> to vector<2048x64xf32>
    %get3A_42 = arith.constant 0 : index
    %get3A_43 = arith.constant 0 : index
    %get3A_44 = arith.constant 0 : index
    %get3A_45 = vector.load %arg2[%get3A_42, %get3A_43, %get3A_44] : memref<2x2048x64xf32, #tpu.memory_space<vmem>>, vector<1x2048x64xf32>
    %get3A_46 = vector.shape_cast %get3A_45 : vector<1x2048x64xf32> to vector<2048x64xf32>
    %add3A = arith.addf %get3A_41, %get3A_46 : vector<2048x64xf32>
    %mul3A = vector.broadcast %concatenate3A : vector<2048x1xf32> to vector<2048x64xf32>
    %mul3A_47 = arith.mulf %mul3A, %add3A : vector<2048x64xf32>
    %add3A_48 = vector.broadcast %slice3A_35 : vector<1x64xf32> to vector<2048x64xf32>
    %add3A_49 = arith.addf %mul3A_47, %add3A_48 : vector<2048x64xf32>
    %max3A = arith.constant 0.000000e+00 : f32
    %max3A_50 = vector.broadcast %max3A : f32 to vector<2048x64xf32>
    %max3A_51 = arith.maximumf %add3A_49, %max3A_50 : vector<2048x64xf32>
    %get3A_52 = arith.constant 1 : index
    %get3A_53 = arith.constant 0 : index
    %get3A_54 = arith.constant 0 : index
    %get3A_55 = vector.load %arg1[%get3A_52, %get3A_53, %get3A_54] : memref<2x2048x64xf32, #tpu.memory_space<vmem>>, vector<1x2048x64xf32>
    %get3A_56 = vector.shape_cast %get3A_55 : vector<1x2048x64xf32> to vector<2048x64xf32>
    %get3A_57 = arith.constant 1 : index
    %get3A_58 = arith.constant 0 : index
    %get3A_59 = arith.constant 0 : index
    %get3A_60 = vector.load %arg2[%get3A_57, %get3A_58, %get3A_59] : memref<2x2048x64xf32, #tpu.memory_space<vmem>>, vector<1x2048x64xf32>
    %get3A_61 = vector.shape_cast %get3A_60 : vector<1x2048x64xf32> to vector<2048x64xf32>
    %add3A_62 = arith.addf %get3A_56, %get3A_61 : vector<2048x64xf32>
    %mul3A_63 = vector.broadcast %concatenate3A : vector<2048x1xf32> to vector<2048x64xf32>
    %mul3A_64 = arith.mulf %mul3A_63, %add3A_62 : vector<2048x64xf32>
    %add3A_65 = vector.broadcast %slice3A_36 : vector<1x64xf32> to vector<2048x64xf32>
    %add3A_66 = arith.addf %mul3A_64, %add3A_65 : vector<2048x64xf32>
    %max3A_67 = arith.constant 0.000000e+00 : f32
    %max3A_68 = vector.broadcast %max3A_67 : f32 to vector<2048x64xf32>
    %max3A_69 = arith.maximumf %add3A_66, %max3A_68 : vector<2048x64xf32>
    %reduce_sum3A = arith.constant dense<0.000000e+00> : vector<2048xf32>
    %reduce_sum3A_70 = vector.multi_reduction <add>, %max3A_51, %reduce_sum3A [1] : vector<2048x64xf32> to vector<2048xf32>
    %broadcast_in_dim3A = vector.shape_cast %reduce_sum3A_70 : vector<2048xf32> to vector<2048x1xf32>
    %reduce_sum3A_71 = arith.constant dense<0.000000e+00> : vector<2048xf32>
    %reduce_sum3A_72 = vector.multi_reduction <add>, %max3A_69, %reduce_sum3A_71 [1] : vector<2048x64xf32> to vector<2048xf32>
    %broadcast_in_dim3A_73 = vector.shape_cast %reduce_sum3A_72 : vector<2048xf32> to vector<2048x1xf32>
    %add3A_74 = arith.addf %broadcast_in_dim3A, %broadcast_in_dim3A_73 : vector<2048x1xf32>
    %div3A = arith.constant 1.280000e+02 : f32
    %div3A_75 = vector.broadcast %div3A : f32 to vector<2048x1xf32>
    %div3A_76 = arith.divf %add3A_74, %div3A_75 : vector<2048x1xf32>
    %sub3A = vector.broadcast %div3A_76 : vector<2048x1xf32> to vector<2048x64xf32>
    %sub3A_77 = arith.subf %max3A_51, %sub3A : vector<2048x64xf32>
    %sub3A_78 = vector.broadcast %div3A_76 : vector<2048x1xf32> to vector<2048x64xf32>
    %sub3A_79 = arith.subf %max3A_69, %sub3A_78 : vector<2048x64xf32>
    %mul3A_80 = arith.mulf %sub3A_77, %sub3A_77 : vector<2048x64xf32>
    %reduce_sum3A_81 = arith.constant dense<0.000000e+00> : vector<2048xf32>
    %reduce_sum3A_82 = vector.multi_reduction <add>, %mul3A_80, %reduce_sum3A_81 [1] : vector<2048x64xf32> to vector<2048xf32>
    %broadcast_in_dim3A_83 = vector.shape_cast %reduce_sum3A_82 : vector<2048xf32> to vector<2048x1xf32>
    %mul3A_84 = arith.mulf %sub3A_79, %sub3A_79 : vector<2048x64xf32>
    %reduce_sum3A_85 = arith.constant dense<0.000000e+00> : vector<2048xf32>
    %reduce_sum3A_86 = vector.multi_reduction <add>, %mul3A_84, %reduce_sum3A_85 [1] : vector<2048x64xf32> to vector<2048xf32>
    %broadcast_in_dim3A_87 = vector.shape_cast %reduce_sum3A_86 : vector<2048xf32> to vector<2048x1xf32>
    %add3A_88 = arith.addf %broadcast_in_dim3A_83, %broadcast_in_dim3A_87 : vector<2048x1xf32>
    %div3A_89 = arith.constant 1.280000e+02 : f32
    %div3A_90 = vector.broadcast %div3A_89 : f32 to vector<2048x1xf32>
    %div3A_91 = arith.divf %add3A_88, %div3A_90 : vector<2048x1xf32>
    %add3A_92 = arith.constant 9.99999974E-6 : f32
    %add3A_93 = vector.broadcast %add3A_92 : f32 to vector<2048x1xf32>
    %add3A_94 = arith.addf %div3A_91, %add3A_93 : vector<2048x1xf32>
    %rsqrt3A = math.rsqrt %add3A_94 : vector<2048x1xf32>
    %get3A_95 = arith.constant 0 : index
    %get3A_96 = arith.constant 0 : index
    %get3A_97 = vector.load %arg5[%get3A_95, %get3A_96] : memref<1x128xf32, #tpu.memory_space<vmem>>, vector<1x128xf32>
    %slice3A_98 = vector.extract_strided_slice %get3A_97 {offsets = [0, 0], sizes = [1, 64], strides = [1, 1]} : vector<1x128xf32> to vector<1x64xf32>
    %slice3A_99 = vector.extract_strided_slice %get3A_97 {offsets = [0, 64], sizes = [1, 64], strides = [1, 1]} : vector<1x128xf32> to vector<1x64xf32>
    %get3A_100 = arith.constant 0 : index
    %get3A_101 = arith.constant 0 : index
    %get3A_102 = vector.load %arg6[%get3A_100, %get3A_101] : memref<1x128xf32, #tpu.memory_space<vmem>>, vector<1x128xf32>
    %slice3A_103 = vector.extract_strided_slice %get3A_102 {offsets = [0, 0], sizes = [1, 64], strides = [1, 1]} : vector<1x128xf32> to vector<1x64xf32>
    %slice3A_104 = vector.extract_strided_slice %get3A_102 {offsets = [0, 64], sizes = [1, 64], strides = [1, 1]} : vector<1x128xf32> to vector<1x64xf32>
    %mul3A_105 = vector.broadcast %rsqrt3A : vector<2048x1xf32> to vector<2048x64xf32>
    %mul3A_106 = arith.mulf %sub3A_77, %mul3A_105 : vector<2048x64xf32>
    %mul3A_107 = vector.broadcast %slice3A_98 : vector<1x64xf32> to vector<2048x64xf32>
    %mul3A_108 = arith.mulf %mul3A_106, %mul3A_107 : vector<2048x64xf32>
    %add3A_109 = vector.broadcast %slice3A_103 : vector<1x64xf32> to vector<2048x64xf32>
    %add3A_110 = arith.addf %mul3A_108, %add3A_109 : vector<2048x64xf32>
    %mul3A_111 = vector.broadcast %rsqrt3A : vector<2048x1xf32> to vector<2048x64xf32>
    %mul3A_112 = arith.mulf %sub3A_79, %mul3A_111 : vector<2048x64xf32>
    %mul3A_113 = vector.broadcast %slice3A_99 : vector<1x64xf32> to vector<2048x64xf32>
    %mul3A_114 = arith.mulf %mul3A_112, %mul3A_113 : vector<2048x64xf32>
    %add3A_115 = vector.broadcast %slice3A_104 : vector<1x64xf32> to vector<2048x64xf32>
    %add3A_116 = arith.addf %mul3A_114, %add3A_115 : vector<2048x64xf32>
    %reduce_sum3A_117 = arith.constant dense<0.000000e+00> : vector<2048xf32>
    %reduce_sum3A_118 = vector.multi_reduction <add>, %add3A_110, %reduce_sum3A_117 [1] : vector<2048x64xf32> to vector<2048xf32>
    %broadcast_in_dim3A_119 = vector.shape_cast %reduce_sum3A_118 : vector<2048xf32> to vector<2048x1xf32>
    %reduce_sum3A_120 = arith.constant dense<0.000000e+00> : vector<2048xf32>
    %reduce_sum3A_121 = vector.multi_reduction <add>, %add3A_116, %reduce_sum3A_120 [1] : vector<2048x64xf32> to vector<2048xf32>
    %broadcast_in_dim3A_122 = vector.shape_cast %reduce_sum3A_121 : vector<2048xf32> to vector<2048x1xf32>
    %add3A_123 = arith.addf %broadcast_in_dim3A_119, %broadcast_in_dim3A_122 : vector<2048x1xf32>
    %div3A_124 = arith.constant 1.280000e+02 : f32
    %div3A_125 = vector.broadcast %div3A_124 : f32 to vector<2048x1xf32>
    %div3A_126 = arith.divf %add3A_123, %div3A_125 : vector<2048x1xf32>
    %sub3A_127 = vector.broadcast %div3A_126 : vector<2048x1xf32> to vector<2048x64xf32>
    %sub3A_128 = arith.subf %add3A_110, %sub3A_127 : vector<2048x64xf32>
    %sub3A_129 = vector.broadcast %div3A_126 : vector<2048x1xf32> to vector<2048x64xf32>
    %sub3A_130 = arith.subf %add3A_116, %sub3A_129 : vector<2048x64xf32>
    %mul3A_131 = arith.mulf %sub3A_128, %sub3A_128 : vector<2048x64xf32>
    %reduce_sum3A_132 = arith.constant dense<0.000000e+00> : vector<2048xf32>
    %reduce_sum3A_133 = vector.multi_reduction <add>, %mul3A_131, %reduce_sum3A_132 [1] : vector<2048x64xf32> to vector<2048xf32>
    %broadcast_in_dim3A_134 = vector.shape_cast %reduce_sum3A_133 : vector<2048xf32> to vector<2048x1xf32>
    %mul3A_135 = arith.mulf %sub3A_130, %sub3A_130 : vector<2048x64xf32>
    %reduce_sum3A_136 = arith.constant dense<0.000000e+00> : vector<2048xf32>
    %reduce_sum3A_137 = vector.multi_reduction <add>, %mul3A_135, %reduce_sum3A_136 [1] : vector<2048x64xf32> to vector<2048xf32>
    %broadcast_in_dim3A_138 = vector.shape_cast %reduce_sum3A_137 : vector<2048xf32> to vector<2048x1xf32>
    %add3A_139 = arith.addf %broadcast_in_dim3A_134, %broadcast_in_dim3A_138 : vector<2048x1xf32>
    %div3A_140 = arith.constant 1.280000e+02 : f32
    %div3A_141 = vector.broadcast %div3A_140 : f32 to vector<2048x1xf32>
    %div3A_142 = arith.divf %add3A_139, %div3A_141 : vector<2048x1xf32>
    %add3A_143 = arith.constant 9.99999974E-6 : f32
    %add3A_144 = vector.broadcast %add3A_143 : f32 to vector<2048x1xf32>
    %add3A_145 = arith.addf %div3A_142, %add3A_144 : vector<2048x1xf32>
    %rsqrt3A_146 = math.rsqrt %add3A_145 : vector<2048x1xf32>
    %get3A_147 = arith.constant 0 : index
    %get3A_148 = arith.constant 0 : index
    %get3A_149 = vector.load %arg7[%get3A_147, %get3A_148] : memref<1x128xf32, #tpu.memory_space<vmem>>, vector<1x128xf32>
    %slice3A_150 = vector.extract_strided_slice %get3A_149 {offsets = [0, 0], sizes = [1, 64], strides = [1, 1]} : vector<1x128xf32> to vector<1x64xf32>
    %slice3A_151 = vector.extract_strided_slice %get3A_149 {offsets = [0, 64], sizes = [1, 64], strides = [1, 1]} : vector<1x128xf32> to vector<1x64xf32>
    %get3A_152 = arith.constant 0 : index
    %get3A_153 = arith.constant 0 : index
    %get3A_154 = vector.load %arg8[%get3A_152, %get3A_153] : memref<1x128xf32, #tpu.memory_space<vmem>>, vector<1x128xf32>
    %slice3A_155 = vector.extract_strided_slice %get3A_154 {offsets = [0, 0], sizes = [1, 64], strides = [1, 1]} : vector<1x128xf32> to vector<1x64xf32>
    %slice3A_156 = vector.extract_strided_slice %get3A_154 {offsets = [0, 64], sizes = [1, 64], strides = [1, 1]} : vector<1x128xf32> to vector<1x64xf32>
    %mul3A_157 = vector.broadcast %rsqrt3A_146 : vector<2048x1xf32> to vector<2048x64xf32>
    %mul3A_158 = arith.mulf %sub3A_128, %mul3A_157 : vector<2048x64xf32>
    %mul3A_159 = vector.broadcast %slice3A_150 : vector<1x64xf32> to vector<2048x64xf32>
    %mul3A_160 = arith.mulf %mul3A_158, %mul3A_159 : vector<2048x64xf32>
    %add3A_161 = vector.broadcast %slice3A_155 : vector<1x64xf32> to vector<2048x64xf32>
    %add3A_162 = arith.addf %mul3A_160, %add3A_161 : vector<2048x64xf32>
    %mul3A_163 = vector.broadcast %rsqrt3A_146 : vector<2048x1xf32> to vector<2048x64xf32>
    %mul3A_164 = arith.mulf %sub3A_130, %mul3A_163 : vector<2048x64xf32>
    %mul3A_165 = vector.broadcast %slice3A_151 : vector<1x64xf32> to vector<2048x64xf32>
    %mul3A_166 = arith.mulf %mul3A_164, %mul3A_165 : vector<2048x64xf32>
    %add3A_167 = vector.broadcast %slice3A_156 : vector<1x64xf32> to vector<2048x64xf32>
    %add3A_168 = arith.addf %mul3A_166, %add3A_167 : vector<2048x64xf32>
    %get3A_169 = arith.constant 0 : index
    %get3A_170 = arith.constant 0 : index
    %get3A_171 = vector.load %arg9[%get3A_169, %get3A_170] : memref<128x128xf32, #tpu.memory_space<vmem>>, vector<128x128xf32>
    %slice3A_172 = vector.extract_strided_slice %get3A_171 {offsets = [0, 0], sizes = [64, 128], strides = [1, 1]} : vector<128x128xf32> to vector<64x128xf32>
    %dot_general3A = arith.constant dense<0.000000e+00> : vector<2048x128xf32>
    %dot_general3A_173 = tpu.matmul %add3A_162, %slice3A_172, %dot_general3A {dimension_numbers = #tpu.dot_dimension_numbers<[1], [0], [0], [1], [0, 0, 1, 1], [], []>, transpose_lhs_hint = false} : vector<2048x64xf32>, vector<64x128xf32>, vector<2048x128xf32> -> vector<2048x128xf32>
    %slice3A_174 = vector.extract_strided_slice %get3A_171 {offsets = [64, 0], sizes = [64, 128], strides = [1, 1]} : vector<128x128xf32> to vector<64x128xf32>
    %dot_general3A_175 = arith.constant dense<0.000000e+00> : vector<2048x128xf32>
    %dot_general3A_176 = tpu.matmul %add3A_168, %slice3A_174, %dot_general3A_175 {dimension_numbers = #tpu.dot_dimension_numbers<[1], [0], [0], [1], [0, 0, 1, 1], [], []>, transpose_lhs_hint = false} : vector<2048x64xf32>, vector<64x128xf32>, vector<2048x128xf32> -> vector<2048x128xf32>
    %add3A_177 = arith.addf %dot_general3A_173, %dot_general3A_176 : vector<2048x128xf32>
    %mul3A_178 = vector.broadcast %concatenate3A : vector<2048x1xf32> to vector<2048x128xf32>
    %mul3A_179 = arith.mulf %add3A_177, %mul3A_178 : vector<2048x128xf32>
    %slice3A_180 = vector.extract_strided_slice %mul3A_179 {offsets = [0, 0], sizes = [2048, 64], strides = [1, 1]} : vector<2048x128xf32> to vector<2048x64xf32>
    %slice3A_181 = vector.extract_strided_slice %mul3A_179 {offsets = [0, 64], sizes = [2048, 64], strides = [1, 1]} : vector<2048x128xf32> to vector<2048x64xf32>
    %swap3A = arith.constant 0 : index
    %swap3A_182 = arith.constant 0 : index
    %swap3A_183 = arith.constant 0 : index
    %swap3A_184 = vector.load %arg10[%swap3A, %swap3A_182, %swap3A_183] : memref<2x2048x64xf32, #tpu.memory_space<vmem>>, vector<1x2048x64xf32>
    %swap3A_185 = vector.shape_cast %swap3A_184 : vector<1x2048x64xf32> to vector<2048x64xf32>
    %swap3A_186 = vector.shape_cast %slice3A_180 : vector<2048x64xf32> to vector<1x2048x64xf32>
    tpu.vector_store %arg10[%swap3A, %swap3A_182, %swap3A_183], %swap3A_186 {strides = array<i32>} : memref<2x2048x64xf32, #tpu.memory_space<vmem>>, vector<1x2048x64xf32>,
    %swap3A_187 = arith.constant 1 : index
    %swap3A_188 = arith.constant 0 : index
    %swap3A_189 = arith.constant 0 : index
    %swap3A_190 = vector.load %arg10[%swap3A_187, %swap3A_188, %swap3A_189] : memref<2x2048x64xf32, #tpu.memory_space<vmem>>, vector<1x2048x64xf32>
    %swap3A_191 = vector.shape_cast %swap3A_190 : vector<1x2048x64xf32> to vector<2048x64xf32>
    %swap3A_192 = vector.shape_cast %slice3A_181 : vector<2048x64xf32> to vector<1x2048x64xf32>
    tpu.vector_store %arg10[%swap3A_187, %swap3A_188, %swap3A_189], %swap3A_192 {strides = array<i32>} : memref<2x2048x64xf32, #tpu.memory_space<vmem>>, vector<1x2048x64xf32>,
    return
  }
  func.func @transform_0(%arg0: i32) -> (i32, i32, i32) {
    %c0_i32 = arith.constant 0 : i32
    %c0_i32_0 = arith.constant 0 : i32
    %c0_i32_1 = arith.constant 0 : i32
    return %c0_i32, %arg0, %c0_i32_0 : i32, i32, i32
  }
  func.func @transform_1(%arg0: i32) -> (i32, i32, i32) {
    %c0_i32 = arith.constant 0 : i32
    %c0_i32_0 = arith.constant 0 : i32
    %c0_i32_1 = arith.constant 0 : i32
    return %c0_i32, %arg0, %c0_i32_0 : i32, i32, i32
  }
  func.func @transform_2(%arg0: i32) -> (i32, i32) {
    %c0_i32 = arith.constant 0 : i32
    %c0_i32_0 = arith.constant 0 : i32
    return %arg0, %c0_i32 : i32, i32
  }
  func.func @transform_3(%arg0: i32) -> (i32, i32) {
    %c0_i32 = arith.constant 0 : i32
    %c0_i32_0 = arith.constant 0 : i32
    %c0_i32_1 = arith.constant 0 : i32
    return %c0_i32, %c0_i32_0 : i32, i32
  }
  func.func @transform_4(%arg0: i32) -> (i32, i32) {
    %c0_i32 = arith.constant 0 : i32
    %c0_i32_0 = arith.constant 0 : i32
    %c0_i32_1 = arith.constant 0 : i32
    return %c0_i32, %c0_i32_0 : i32, i32
  }
  func.func @transform_5(%arg0: i32) -> (i32, i32) {
    %c0_i32 = arith.constant 0 : i32
    %c0_i32_0 = arith.constant 0 : i32
    %c0_i32_1 = arith.constant 0 : i32
    return %c0_i32, %c0_i32_0 : i32, i32
  }
  func.func @transform_6(%arg0: i32) -> (i32, i32) {
    %c0_i32 = arith.constant 0 : i32
    %c0_i32_0 = arith.constant 0 : i32
    %c0_i32_1 = arith.constant 0 : i32
    return %c0_i32, %c0_i32_0 : i32, i32
  }
  func.func @transform_7(%arg0: i32) -> (i32, i32) {
    %c0_i32 = arith.constant 0 : i32
    %c0_i32_0 = arith.constant 0 : i32
    %c0_i32_1 = arith.constant 0 : i32
    return %c0_i32, %c0_i32_0 : i32, i32
  }
  func.func @transform_8(%arg0: i32) -> (i32, i32) {
    %c0_i32 = arith.constant 0 : i32
    %c0_i32_0 = arith.constant 0 : i32
    %c0_i32_1 = arith.constant 0 : i32
    return %c0_i32, %c0_i32_0 : i32, i32
  }
  func.func @transform_9(%arg0: i32) -> (i32, i32, i32) {
    %c0_i32 = arith.constant 0 : i32
    %c0_i32_0 = arith.constant 0 : i32
    %c0_i32_1 = arith.constant 0 : i32
    return %c0_i32, %arg0, %c0_i32_0 : i32, i32, i32
  }
}

module attributes {stable_mosaic.version = 14 : i64} {
  func.func @_t2_body(%arg0: i32, %arg1: memref<2x2048x64xf32, #tpu.memory_space<vmem>>, %arg2: memref<2x2048x64xf32, #tpu.memory_space<vmem>>, %arg3: memref<16x128xf32, #tpu.memory_space<vmem>>, %arg4: memref<1x128xf32, #tpu.memory_space<vmem>>, %arg5: memref<128x128xf32, #tpu.memory_space<vmem>>, %arg6: memref<2x2048x64xf32, #tpu.memory_space<vmem>>) attributes {dimension_semantics = [#tpu.dimension_semantics<arbitrary>], iteration_bounds = array<i64: 5>, scalar_prefetch = 0 : i64, scratch_operands = 0 : i64, tpu.core_type = #tpu.core_type<tc>, window_params = [{transform_indices = @transform_0, window_bounds = array<i64: 2, 2048, 64>}, {transform_indices = @transform_1, window_bounds = array<i64: 2, 2048, 64>}, {transform_indices = @transform_2, window_bounds = array<i64: 16, 128>}, {pipeline_mode = #tpu.pipeline_mode<synchronous>, transform_indices = @transform_3, window_bounds = array<i64: 1, 128>}, {pipeline_mode = #tpu.pipeline_mode<synchronous>, transform_indices = @transform_4, window_bounds = array<i64: 128, 128>}, {transform_indices = @transform_5, window_bounds = array<i64: 2, 2048, 64>}]} {
    %get3A = arith.constant 0 : index
    %get3A_0 = arith.constant 0 : index
    %get3A_1 = vector.load %arg3[%get3A, %get3A_0] : memref<16x128xf32, #tpu.memory_space<vmem>>, vector<16x128xf32>
    %slice3A = vector.extract_strided_slice %get3A_1 {offsets = [0, 0], sizes = [1, 128], strides = [1, 1]} : vector<16x128xf32> to vector<1x128xf32>
    %transpose3A = tpu.transpose %slice3A, [1, 0] : vector<1x128xf32> -> vector<128x1xf32>
    %slice3A_2 = vector.extract_strided_slice %get3A_1 {offsets = [1, 0], sizes = [1, 128], strides = [1, 1]} : vector<16x128xf32> to vector<1x128xf32>
    %transpose3A_3 = tpu.transpose %slice3A_2, [1, 0] : vector<1x128xf32> -> vector<128x1xf32>
    %slice3A_4 = vector.extract_strided_slice %get3A_1 {offsets = [2, 0], sizes = [1, 128], strides = [1, 1]} : vector<16x128xf32> to vector<1x128xf32>
    %transpose3A_5 = tpu.transpose %slice3A_4, [1, 0] : vector<1x128xf32> -> vector<128x1xf32>
    %slice3A_6 = vector.extract_strided_slice %get3A_1 {offsets = [3, 0], sizes = [1, 128], strides = [1, 1]} : vector<16x128xf32> to vector<1x128xf32>
    %transpose3A_7 = tpu.transpose %slice3A_6, [1, 0] : vector<1x128xf32> -> vector<128x1xf32>
    %slice3A_8 = vector.extract_strided_slice %get3A_1 {offsets = [4, 0], sizes = [1, 128], strides = [1, 1]} : vector<16x128xf32> to vector<1x128xf32>
    %transpose3A_9 = tpu.transpose %slice3A_8, [1, 0] : vector<1x128xf32> -> vector<128x1xf32>
    %slice3A_10 = vector.extract_strided_slice %get3A_1 {offsets = [5, 0], sizes = [1, 128], strides = [1, 1]} : vector<16x128xf32> to vector<1x128xf32>
    %transpose3A_11 = tpu.transpose %slice3A_10, [1, 0] : vector<1x128xf32> -> vector<128x1xf32>
    %slice3A_12 = vector.extract_strided_slice %get3A_1 {offsets = [6, 0], sizes = [1, 128], strides = [1, 1]} : vector<16x128xf32> to vector<1x128xf32>
    %transpose3A_13 = tpu.transpose %slice3A_12, [1, 0] : vector<1x128xf32> -> vector<128x1xf32>
    %slice3A_14 = vector.extract_strided_slice %get3A_1 {offsets = [7, 0], sizes = [1, 128], strides = [1, 1]} : vector<16x128xf32> to vector<1x128xf32>
    %transpose3A_15 = tpu.transpose %slice3A_14, [1, 0] : vector<1x128xf32> -> vector<128x1xf32>
    %slice3A_16 = vector.extract_strided_slice %get3A_1 {offsets = [8, 0], sizes = [1, 128], strides = [1, 1]} : vector<16x128xf32> to vector<1x128xf32>
    %transpose3A_17 = tpu.transpose %slice3A_16, [1, 0] : vector<1x128xf32> -> vector<128x1xf32>
    %slice3A_18 = vector.extract_strided_slice %get3A_1 {offsets = [9, 0], sizes = [1, 128], strides = [1, 1]} : vector<16x128xf32> to vector<1x128xf32>
    %transpose3A_19 = tpu.transpose %slice3A_18, [1, 0] : vector<1x128xf32> -> vector<128x1xf32>
    %slice3A_20 = vector.extract_strided_slice %get3A_1 {offsets = [10, 0], sizes = [1, 128], strides = [1, 1]} : vector<16x128xf32> to vector<1x128xf32>
    %transpose3A_21 = tpu.transpose %slice3A_20, [1, 0] : vector<1x128xf32> -> vector<128x1xf32>
    %slice3A_22 = vector.extract_strided_slice %get3A_1 {offsets = [11, 0], sizes = [1, 128], strides = [1, 1]} : vector<16x128xf32> to vector<1x128xf32>
    %transpose3A_23 = tpu.transpose %slice3A_22, [1, 0] : vector<1x128xf32> -> vector<128x1xf32>
    %slice3A_24 = vector.extract_strided_slice %get3A_1 {offsets = [12, 0], sizes = [1, 128], strides = [1, 1]} : vector<16x128xf32> to vector<1x128xf32>
    %transpose3A_25 = tpu.transpose %slice3A_24, [1, 0] : vector<1x128xf32> -> vector<128x1xf32>
    %slice3A_26 = vector.extract_strided_slice %get3A_1 {offsets = [13, 0], sizes = [1, 128], strides = [1, 1]} : vector<16x128xf32> to vector<1x128xf32>
    %transpose3A_27 = tpu.transpose %slice3A_26, [1, 0] : vector<1x128xf32> -> vector<128x1xf32>
    %slice3A_28 = vector.extract_strided_slice %get3A_1 {offsets = [14, 0], sizes = [1, 128], strides = [1, 1]} : vector<16x128xf32> to vector<1x128xf32>
    %transpose3A_29 = tpu.transpose %slice3A_28, [1, 0] : vector<1x128xf32> -> vector<128x1xf32>
    %slice3A_30 = vector.extract_strided_slice %get3A_1 {offsets = [15, 0], sizes = [1, 128], strides = [1, 1]} : vector<16x128xf32> to vector<1x128xf32>
    %transpose3A_31 = tpu.transpose %slice3A_30, [1, 0] : vector<1x128xf32> -> vector<128x1xf32>
    %concatenate3A = tpu.concatenate %transpose3A, %transpose3A_3, %transpose3A_5, %transpose3A_7, %transpose3A_9, %transpose3A_11, %transpose3A_13, %transpose3A_15, %transpose3A_17, %transpose3A_19, %transpose3A_21, %transpose3A_23, %transpose3A_25, %transpose3A_27, %transpose3A_29, %transpose3A_31 in 0 : vector<128x1xf32>, vector<128x1xf32>, vector<128x1xf32>, vector<128x1xf32>, vector<128x1xf32>, vector<128x1xf32>, vector<128x1xf32>, vector<128x1xf32>, vector<128x1xf32>, vector<128x1xf32>, vector<128x1xf32>, vector<128x1xf32>, vector<128x1xf32>, vector<128x1xf32>, vector<128x1xf32>, vector<128x1xf32> -> vector<2048x1xf32>
    %get3A_32 = arith.constant 0 : index
    %get3A_33 = arith.constant 0 : index
    %get3A_34 = vector.load %arg4[%get3A_32, %get3A_33] : memref<1x128xf32, #tpu.memory_space<vmem>>, vector<1x128xf32>
    %slice3A_35 = vector.extract_strided_slice %get3A_34 {offsets = [0, 0], sizes = [1, 64], strides = [1, 1]} : vector<1x128xf32> to vector<1x64xf32>
    %slice3A_36 = vector.extract_strided_slice %get3A_34 {offsets = [0, 64], sizes = [1, 64], strides = [1, 1]} : vector<1x128xf32> to vector<1x64xf32>
    %get3A_37 = arith.constant 0 : index
    %get3A_38 = arith.constant 0 : index
    %get3A_39 = arith.constant 0 : index
    %get3A_40 = vector.load %arg1[%get3A_37, %get3A_38, %get3A_39] : memref<2x2048x64xf32, #tpu.memory_space<vmem>>, vector<1x2048x64xf32>
    %get3A_41 = vector.shape_cast %get3A_40 : vector<1x2048x64xf32> to vector<2048x64xf32>
    %get3A_42 = arith.constant 0 : index
    %get3A_43 = arith.constant 0 : index
    %get3A_44 = arith.constant 0 : index
    %get3A_45 = vector.load %arg2[%get3A_42, %get3A_43, %get3A_44] : memref<2x2048x64xf32, #tpu.memory_space<vmem>>, vector<1x2048x64xf32>
    %get3A_46 = vector.shape_cast %get3A_45 : vector<1x2048x64xf32> to vector<2048x64xf32>
    %add3A = arith.addf %get3A_41, %get3A_46 : vector<2048x64xf32>
    %mul3A = vector.broadcast %concatenate3A : vector<2048x1xf32> to vector<2048x64xf32>
    %mul3A_47 = arith.mulf %mul3A, %add3A : vector<2048x64xf32>
    %add3A_48 = vector.broadcast %slice3A_35 : vector<1x64xf32> to vector<2048x64xf32>
    %add3A_49 = arith.addf %mul3A_47, %add3A_48 : vector<2048x64xf32>
    %get3A_50 = arith.constant 1 : index
    %get3A_51 = arith.constant 0 : index
    %get3A_52 = arith.constant 0 : index
    %get3A_53 = vector.load %arg1[%get3A_50, %get3A_51, %get3A_52] : memref<2x2048x64xf32, #tpu.memory_space<vmem>>, vector<1x2048x64xf32>
    %get3A_54 = vector.shape_cast %get3A_53 : vector<1x2048x64xf32> to vector<2048x64xf32>
    %get3A_55 = arith.constant 1 : index
    %get3A_56 = arith.constant 0 : index
    %get3A_57 = arith.constant 0 : index
    %get3A_58 = vector.load %arg2[%get3A_55, %get3A_56, %get3A_57] : memref<2x2048x64xf32, #tpu.memory_space<vmem>>, vector<1x2048x64xf32>
    %get3A_59 = vector.shape_cast %get3A_58 : vector<1x2048x64xf32> to vector<2048x64xf32>
    %add3A_60 = arith.addf %get3A_54, %get3A_59 : vector<2048x64xf32>
    %mul3A_61 = vector.broadcast %concatenate3A : vector<2048x1xf32> to vector<2048x64xf32>
    %mul3A_62 = arith.mulf %mul3A_61, %add3A_60 : vector<2048x64xf32>
    %add3A_63 = vector.broadcast %slice3A_36 : vector<1x64xf32> to vector<2048x64xf32>
    %add3A_64 = arith.addf %mul3A_62, %add3A_63 : vector<2048x64xf32>
    %get3A_65 = arith.constant 0 : index
    %get3A_66 = arith.constant 0 : index
    %get3A_67 = vector.load %arg5[%get3A_65, %get3A_66] : memref<128x128xf32, #tpu.memory_space<vmem>>, vector<128x128xf32>
    %slice3A_68 = vector.extract_strided_slice %get3A_67 {offsets = [0, 0], sizes = [64, 128], strides = [1, 1]} : vector<128x128xf32> to vector<64x128xf32>
    %dot_general3A = arith.constant dense<0.000000e+00> : vector<2048x128xf32>
    %dot_general3A_69 = tpu.matmul %add3A_49, %slice3A_68, %dot_general3A {dimension_numbers = #tpu.dot_dimension_numbers<[1], [0], [0], [1], [0, 0, 1, 1], [], []>, transpose_lhs_hint = false} : vector<2048x64xf32>, vector<64x128xf32>, vector<2048x128xf32> -> vector<2048x128xf32>
    %slice3A_70 = vector.extract_strided_slice %get3A_67 {offsets = [64, 0], sizes = [64, 128], strides = [1, 1]} : vector<128x128xf32> to vector<64x128xf32>
    %dot_general3A_71 = arith.constant dense<0.000000e+00> : vector<2048x128xf32>
    %dot_general3A_72 = tpu.matmul %add3A_64, %slice3A_70, %dot_general3A_71 {dimension_numbers = #tpu.dot_dimension_numbers<[1], [0], [0], [1], [0, 0, 1, 1], [], []>, transpose_lhs_hint = false} : vector<2048x64xf32>, vector<64x128xf32>, vector<2048x128xf32> -> vector<2048x128xf32>
    %add3A_73 = arith.addf %dot_general3A_69, %dot_general3A_72 : vector<2048x128xf32>
    %mul3A_74 = vector.broadcast %concatenate3A : vector<2048x1xf32> to vector<2048x128xf32>
    %mul3A_75 = arith.mulf %add3A_73, %mul3A_74 : vector<2048x128xf32>
    %slice3A_76 = vector.extract_strided_slice %mul3A_75 {offsets = [0, 0], sizes = [2048, 64], strides = [1, 1]} : vector<2048x128xf32> to vector<2048x64xf32>
    %slice3A_77 = vector.extract_strided_slice %mul3A_75 {offsets = [0, 64], sizes = [2048, 64], strides = [1, 1]} : vector<2048x128xf32> to vector<2048x64xf32>
    %swap3A = arith.constant 0 : index
    %swap3A_78 = arith.constant 0 : index
    %swap3A_79 = arith.constant 0 : index
    %swap3A_80 = vector.load %arg6[%swap3A, %swap3A_78, %swap3A_79] : memref<2x2048x64xf32, #tpu.memory_space<vmem>>, vector<1x2048x64xf32>
    %swap3A_81 = vector.shape_cast %swap3A_80 : vector<1x2048x64xf32> to vector<2048x64xf32>
    %swap3A_82 = vector.shape_cast %slice3A_76 : vector<2048x64xf32> to vector<1x2048x64xf32>
    tpu.vector_store %arg6[%swap3A, %swap3A_78, %swap3A_79], %swap3A_82 {strides = array<i32>} : memref<2x2048x64xf32, #tpu.memory_space<vmem>>, vector<1x2048x64xf32>,
    %swap3A_83 = arith.constant 1 : index
    %swap3A_84 = arith.constant 0 : index
    %swap3A_85 = arith.constant 0 : index
    %swap3A_86 = vector.load %arg6[%swap3A_83, %swap3A_84, %swap3A_85] : memref<2x2048x64xf32, #tpu.memory_space<vmem>>, vector<1x2048x64xf32>
    %swap3A_87 = vector.shape_cast %swap3A_86 : vector<1x2048x64xf32> to vector<2048x64xf32>
    %swap3A_88 = vector.shape_cast %slice3A_77 : vector<2048x64xf32> to vector<1x2048x64xf32>
    tpu.vector_store %arg6[%swap3A_83, %swap3A_84, %swap3A_85], %swap3A_88 {strides = array<i32>} : memref<2x2048x64xf32, #tpu.memory_space<vmem>>, vector<1x2048x64xf32>,
    return
  }
  func.func @transform_0(%arg0: i32) -> (i32, i32, i32) {
    %c0_i32 = arith.constant 0 : i32
    %c0_i32_0 = arith.constant 0 : i32
    %c0_i32_1 = arith.constant 0 : i32
    return %c0_i32, %arg0, %c0_i32_0 : i32, i32, i32
  }
  func.func @transform_1(%arg0: i32) -> (i32, i32, i32) {
    %c0_i32 = arith.constant 0 : i32
    %c0_i32_0 = arith.constant 0 : i32
    %c0_i32_1 = arith.constant 0 : i32
    return %c0_i32, %arg0, %c0_i32_0 : i32, i32, i32
  }
  func.func @transform_2(%arg0: i32) -> (i32, i32) {
    %c0_i32 = arith.constant 0 : i32
    %c0_i32_0 = arith.constant 0 : i32
    return %arg0, %c0_i32 : i32, i32
  }
  func.func @transform_3(%arg0: i32) -> (i32, i32) {
    %c0_i32 = arith.constant 0 : i32
    %c0_i32_0 = arith.constant 0 : i32
    %c0_i32_1 = arith.constant 0 : i32
    return %c0_i32, %c0_i32_0 : i32, i32
  }
  func.func @transform_4(%arg0: i32) -> (i32, i32) {
    %c0_i32 = arith.constant 0 : i32
    %c0_i32_0 = arith.constant 0 : i32
    %c0_i32_1 = arith.constant 0 : i32
    return %c0_i32, %c0_i32_0 : i32, i32
  }
  func.func @transform_5(%arg0: i32) -> (i32, i32, i32) {
    %c0_i32 = arith.constant 0 : i32
    %c0_i32_0 = arith.constant 0 : i32
    %c0_i32_1 = arith.constant 0 : i32
    return %c0_i32, %arg0, %c0_i32_0 : i32, i32, i32
  }
}

module attributes {stable_mosaic.version = 14 : i64} {
  func.func @body(%arg0: i32, %arg1: memref<2x2048x64xf32, #tpu.memory_space<vmem>>, %arg2: memref<2x2048x64xf32, #tpu.memory_space<vmem>>, %arg3: memref<16x128xf32, #tpu.memory_space<vmem>>, %arg4: memref<1x128xf32, #tpu.memory_space<vmem>>, %arg5: memref<128x128xf32, #tpu.memory_space<vmem>>, %arg6: memref<1x128xf32, #tpu.memory_space<vmem>>, %arg7: memref<128x64xf32, #tpu.memory_space<vmem>>, %arg8: memref<1x64xf32, #tpu.memory_space<vmem>>, %arg9: memref<16x128xi32, #tpu.memory_space<vmem>>, %arg10: memref<64x128xf32, #tpu.memory_space<vmem>>, %arg11: memref<64x64xf32, #tpu.memory_space<vmem>>, %arg12: memref<64x64xf32, #tpu.memory_space<vmem>>, %arg13: memref<64x1xf32, #tpu.memory_space<vmem>>) attributes {dimension_semantics = [#tpu.dimension_semantics<arbitrary>], iteration_bounds = array<i64: 5>, scalar_prefetch = 0 : i64, scratch_operands = 3 : i64, tpu.core_type = #tpu.core_type<tc>, window_params = [{transform_indices = @transform_0, window_bounds = array<i64: 2, 2048, 64>}, {transform_indices = @transform_1, window_bounds = array<i64: 2, 2048, 64>}, {transform_indices = @transform_2, window_bounds = array<i64: 16, 128>}, {pipeline_mode = #tpu.pipeline_mode<synchronous>, transform_indices = @transform_3, window_bounds = array<i64: 1, 128>}, {pipeline_mode = #tpu.pipeline_mode<synchronous>, transform_indices = @transform_4, window_bounds = array<i64: 128, 128>}, {pipeline_mode = #tpu.pipeline_mode<synchronous>, transform_indices = @transform_5, window_bounds = array<i64: 1, 128>}, {pipeline_mode = #tpu.pipeline_mode<synchronous>, transform_indices = @transform_6, window_bounds = array<i64: 128, 64>}, {pipeline_mode = #tpu.pipeline_mode<synchronous>, transform_indices = @transform_7, window_bounds = array<i64: 1, 64>}, {transform_indices = @transform_8, window_bounds = array<i64: 16, 128>}, {pipeline_mode = #tpu.pipeline_mode<synchronous>, transform_indices = @transform_9, window_bounds = array<i64: 64, 128>}]} {
    %eq3A = arith.constant 0 : i32
    %eq3A_0 = arith.cmpi eq, %arg0, %eq3A : i32
    %convert_element_type3A = arith.extui %eq3A_0 : i1 to i32
    %cond3A = arith.constant 0 : i32
    %cond3A_1 = arith.cmpi ne, %convert_element_type3A, %cond3A : i32
    scf.if %cond3A_1 {
      %broadcast_in_dim3A_342 = arith.constant 0xFF800000 : f32
      %broadcast_in_dim3A_343 = vector.broadcast %broadcast_in_dim3A_342 : f32 to vector<64x64xf32>
      %swap3A_344 = arith.constant 0 : index
      %swap3A_345 = arith.constant 0 : index
      %swap3A_346 = vector.load %arg11[%swap3A_344, %swap3A_345] : memref<64x64xf32, #tpu.memory_space<vmem>>, vector<64x64xf32>
      tpu.vector_store %arg11[%swap3A_344, %swap3A_345], %broadcast_in_dim3A_343 {strides = array<i32>} : memref<64x64xf32, #tpu.memory_space<vmem>>, vector<64x64xf32>,
      %broadcast_in_dim3A_347 = arith.constant 0.000000e+00 : f32
      %broadcast_in_dim3A_348 = vector.broadcast %broadcast_in_dim3A_347 : f32 to vector<64x64xf32>
      %swap3A_349 = arith.constant 0 : index
      %swap3A_350 = arith.constant 0 : index
      %swap3A_351 = vector.load %arg12[%swap3A_349, %swap3A_350] : memref<64x64xf32, #tpu.memory_space<vmem>>, vector<64x64xf32>
      tpu.vector_store %arg12[%swap3A_349, %swap3A_350], %broadcast_in_dim3A_348 {strides = array<i32>} : memref<64x64xf32, #tpu.memory_space<vmem>>, vector<64x64xf32>,
      %broadcast_in_dim3A_352 = arith.constant 0.000000e+00 : f32
      %broadcast_in_dim3A_353 = vector.broadcast %broadcast_in_dim3A_352 : f32 to vector<64x1xf32>
      %swap3A_354 = arith.constant 0 : index
      %swap3A_355 = arith.constant 0 : index
      %swap3A_356 = vector.load %arg13[%swap3A_354, %swap3A_355] : memref<64x1xf32, #tpu.memory_space<vmem>>, vector<64x1xf32>
      tpu.vector_store %arg13[%swap3A_354, %swap3A_355], %broadcast_in_dim3A_353 {strides = array<i32>} : memref<64x1xf32, #tpu.memory_space<vmem>>, vector<64x1xf32>,
    } else {
    }
    %get3A = arith.constant 0 : index
    %get3A_2 = arith.constant 0 : index
    %get3A_3 = vector.load %arg3[%get3A, %get3A_2] : memref<16x128xf32, #tpu.memory_space<vmem>>, vector<16x128xf32>
    %slice3A = vector.extract_strided_slice %get3A_3 {offsets = [0, 0], sizes = [1, 128], strides = [1, 1]} : vector<16x128xf32> to vector<1x128xf32>
    %transpose3A = tpu.transpose %slice3A, [1, 0] : vector<1x128xf32> -> vector<128x1xf32>
    %slice3A_4 = vector.extract_strided_slice %get3A_3 {offsets = [1, 0], sizes = [1, 128], strides = [1, 1]} : vector<16x128xf32> to vector<1x128xf32>
    %transpose3A_5 = tpu.transpose %slice3A_4, [1, 0] : vector<1x128xf32> -> vector<128x1xf32>
    %slice3A_6 = vector.extract_strided_slice %get3A_3 {offsets = [2, 0], sizes = [1, 128], strides = [1, 1]} : vector<16x128xf32> to vector<1x128xf32>
    %transpose3A_7 = tpu.transpose %slice3A_6, [1, 0] : vector<1x128xf32> -> vector<128x1xf32>
    %slice3A_8 = vector.extract_strided_slice %get3A_3 {offsets = [3, 0], sizes = [1, 128], strides = [1, 1]} : vector<16x128xf32> to vector<1x128xf32>
    %transpose3A_9 = tpu.transpose %slice3A_8, [1, 0] : vector<1x128xf32> -> vector<128x1xf32>
    %slice3A_10 = vector.extract_strided_slice %get3A_3 {offsets = [4, 0], sizes = [1, 128], strides = [1, 1]} : vector<16x128xf32> to vector<1x128xf32>
    %transpose3A_11 = tpu.transpose %slice3A_10, [1, 0] : vector<1x128xf32> -> vector<128x1xf32>
    %slice3A_12 = vector.extract_strided_slice %get3A_3 {offsets = [5, 0], sizes = [1, 128], strides = [1, 1]} : vector<16x128xf32> to vector<1x128xf32>
    %transpose3A_13 = tpu.transpose %slice3A_12, [1, 0] : vector<1x128xf32> -> vector<128x1xf32>
    %slice3A_14 = vector.extract_strided_slice %get3A_3 {offsets = [6, 0], sizes = [1, 128], strides = [1, 1]} : vector<16x128xf32> to vector<1x128xf32>
    %transpose3A_15 = tpu.transpose %slice3A_14, [1, 0] : vector<1x128xf32> -> vector<128x1xf32>
    %slice3A_16 = vector.extract_strided_slice %get3A_3 {offsets = [7, 0], sizes = [1, 128], strides = [1, 1]} : vector<16x128xf32> to vector<1x128xf32>
    %transpose3A_17 = tpu.transpose %slice3A_16, [1, 0] : vector<1x128xf32> -> vector<128x1xf32>
    %slice3A_18 = vector.extract_strided_slice %get3A_3 {offsets = [8, 0], sizes = [1, 128], strides = [1, 1]} : vector<16x128xf32> to vector<1x128xf32>
    %transpose3A_19 = tpu.transpose %slice3A_18, [1, 0] : vector<1x128xf32> -> vector<128x1xf32>
    %slice3A_20 = vector.extract_strided_slice %get3A_3 {offsets = [9, 0], sizes = [1, 128], strides = [1, 1]} : vector<16x128xf32> to vector<1x128xf32>
    %transpose3A_21 = tpu.transpose %slice3A_20, [1, 0] : vector<1x128xf32> -> vector<128x1xf32>
    %slice3A_22 = vector.extract_strided_slice %get3A_3 {offsets = [10, 0], sizes = [1, 128], strides = [1, 1]} : vector<16x128xf32> to vector<1x128xf32>
    %transpose3A_23 = tpu.transpose %slice3A_22, [1, 0] : vector<1x128xf32> -> vector<128x1xf32>
    %slice3A_24 = vector.extract_strided_slice %get3A_3 {offsets = [11, 0], sizes = [1, 128], strides = [1, 1]} : vector<16x128xf32> to vector<1x128xf32>
    %transpose3A_25 = tpu.transpose %slice3A_24, [1, 0] : vector<1x128xf32> -> vector<128x1xf32>
    %slice3A_26 = vector.extract_strided_slice %get3A_3 {offsets = [12, 0], sizes = [1, 128], strides = [1, 1]} : vector<16x128xf32> to vector<1x128xf32>
    %transpose3A_27 = tpu.transpose %slice3A_26, [1, 0] : vector<1x128xf32> -> vector<128x1xf32>
    %slice3A_28 = vector.extract_strided_slice %get3A_3 {offsets = [13, 0], sizes = [1, 128], strides = [1, 1]} : vector<16x128xf32> to vector<1x128xf32>
    %transpose3A_29 = tpu.transpose %slice3A_28, [1, 0] : vector<1x128xf32> -> vector<128x1xf32>
    %slice3A_30 = vector.extract_strided_slice %get3A_3 {offsets = [14, 0], sizes = [1, 128], strides = [1, 1]} : vector<16x128xf32> to vector<1x128xf32>
    %transpose3A_31 = tpu.transpose %slice3A_30, [1, 0] : vector<1x128xf32> -> vector<128x1xf32>
    %slice3A_32 = vector.extract_strided_slice %get3A_3 {offsets = [15, 0], sizes = [1, 128], strides = [1, 1]} : vector<16x128xf32> to vector<1x128xf32>
    %transpose3A_33 = tpu.transpose %slice3A_32, [1, 0] : vector<1x128xf32> -> vector<128x1xf32>
    %concatenate3A = tpu.concatenate %transpose3A, %transpose3A_5, %transpose3A_7, %transpose3A_9, %transpose3A_11, %transpose3A_13, %transpose3A_15, %transpose3A_17, %transpose3A_19, %transpose3A_21, %transpose3A_23, %transpose3A_25, %transpose3A_27, %transpose3A_29, %transpose3A_31, %transpose3A_33 in 0 : vector<128x1xf32>, vector<128x1xf32>, vector<128x1xf32>, vector<128x1xf32>, vector<128x1xf32>, vector<128x1xf32>, vector<128x1xf32>, vector<128x1xf32>, vector<128x1xf32>, vector<128x1xf32>, vector<128x1xf32>, vector<128x1xf32>, vector<128x1xf32>, vector<128x1xf32>, vector<128x1xf32>, vector<128x1xf32> -> vector<2048x1xf32>
    %get3A_34 = arith.constant 0 : index
    %get3A_35 = arith.constant 0 : index
    %get3A_36 = vector.load %arg4[%get3A_34, %get3A_35] : memref<1x128xf32, #tpu.memory_space<vmem>>, vector<1x128xf32>
    %slice3A_37 = vector.extract_strided_slice %get3A_36 {offsets = [0, 0], sizes = [1, 64], strides = [1, 1]} : vector<1x128xf32> to vector<1x64xf32>
    %slice3A_38 = vector.extract_strided_slice %get3A_36 {offsets = [0, 64], sizes = [1, 64], strides = [1, 1]} : vector<1x128xf32> to vector<1x64xf32>
    %get3A_39 = arith.constant 0 : index
    %get3A_40 = arith.constant 0 : index
    %get3A_41 = arith.constant 0 : index
    %get3A_42 = vector.load %arg1[%get3A_39, %get3A_40, %get3A_41] : memref<2x2048x64xf32, #tpu.memory_space<vmem>>, vector<1x2048x64xf32>
    %get3A_43 = vector.shape_cast %get3A_42 : vector<1x2048x64xf32> to vector<2048x64xf32>
    %get3A_44 = arith.constant 0 : index
    %get3A_45 = arith.constant 0 : index
    %get3A_46 = arith.constant 0 : index
    %get3A_47 = vector.load %arg2[%get3A_44, %get3A_45, %get3A_46] : memref<2x2048x64xf32, #tpu.memory_space<vmem>>, vector<1x2048x64xf32>
    %get3A_48 = vector.shape_cast %get3A_47 : vector<1x2048x64xf32> to vector<2048x64xf32>
    %add3A = arith.addf %get3A_43, %get3A_48 : vector<2048x64xf32>
    %mul3A = vector.broadcast %concatenate3A : vector<2048x1xf32> to vector<2048x64xf32>
    %mul3A_49 = arith.mulf %mul3A, %add3A : vector<2048x64xf32>
    %add3A_50 = vector.broadcast %slice3A_37 : vector<1x64xf32> to vector<2048x64xf32>
    %add3A_51 = arith.addf %mul3A_49, %add3A_50 : vector<2048x64xf32>
    %get3A_52 = arith.constant 1 : index
    %get3A_53 = arith.constant 0 : index
    %get3A_54 = arith.constant 0 : index
    %get3A_55 = vector.load %arg1[%get3A_52, %get3A_53, %get3A_54] : memref<2x2048x64xf32, #tpu.memory_space<vmem>>, vector<1x2048x64xf32>
    %get3A_56 = vector.shape_cast %get3A_55 : vector<1x2048x64xf32> to vector<2048x64xf32>
    %get3A_57 = arith.constant 1 : index
    %get3A_58 = arith.constant 0 : index
    %get3A_59 = arith.constant 0 : index
    %get3A_60 = vector.load %arg2[%get3A_57, %get3A_58, %get3A_59] : memref<2x2048x64xf32, #tpu.memory_space<vmem>>, vector<1x2048x64xf32>
    %get3A_61 = vector.shape_cast %get3A_60 : vector<1x2048x64xf32> to vector<2048x64xf32>
    %add3A_62 = arith.addf %get3A_56, %get3A_61 : vector<2048x64xf32>
    %mul3A_63 = vector.broadcast %concatenate3A : vector<2048x1xf32> to vector<2048x64xf32>
    %mul3A_64 = arith.mulf %mul3A_63, %add3A_62 : vector<2048x64xf32>
    %add3A_65 = vector.broadcast %slice3A_38 : vector<1x64xf32> to vector<2048x64xf32>
    %add3A_66 = arith.addf %mul3A_64, %add3A_65 : vector<2048x64xf32>
    %get3A_67 = arith.constant 0 : index
    %get3A_68 = arith.constant 0 : index
    %get3A_69 = vector.load %arg5[%get3A_67, %get3A_68] : memref<128x128xf32, #tpu.memory_space<vmem>>, vector<128x128xf32>
    %slice3A_70 = vector.extract_strided_slice %get3A_69 {offsets = [0, 0], sizes = [64, 128], strides = [1, 1]} : vector<128x128xf32> to vector<64x128xf32>
    %dot_general3A = arith.constant dense<0.000000e+00> : vector<2048x128xf32>
    %dot_general3A_71 = tpu.matmul %add3A_51, %slice3A_70, %dot_general3A {dimension_numbers = #tpu.dot_dimension_numbers<[1], [0], [0], [1], [0, 0, 1, 1], [], []>, transpose_lhs_hint = false} : vector<2048x64xf32>, vector<64x128xf32>, vector<2048x128xf32> -> vector<2048x128xf32>
    %slice3A_72 = vector.extract_strided_slice %get3A_69 {offsets = [64, 0], sizes = [64, 128], strides = [1, 1]} : vector<128x128xf32> to vector<64x128xf32>
    %dot_general3A_73 = arith.constant dense<0.000000e+00> : vector<2048x128xf32>
    %dot_general3A_74 = tpu.matmul %add3A_66, %slice3A_72, %dot_general3A_73 {dimension_numbers = #tpu.dot_dimension_numbers<[1], [0], [0], [1], [0, 0, 1, 1], [], []>, transpose_lhs_hint = false} : vector<2048x64xf32>, vector<64x128xf32>, vector<2048x128xf32> -> vector<2048x128xf32>
    %add3A_75 = arith.addf %dot_general3A_71, %dot_general3A_74 : vector<2048x128xf32>
    %get3A_76 = arith.constant 0 : index
    %get3A_77 = arith.constant 0 : index
    %get3A_78 = vector.load %arg6[%get3A_76, %get3A_77] : memref<1x128xf32, #tpu.memory_space<vmem>>, vector<1x128xf32>
    %add3A_79 = vector.broadcast %get3A_78 : vector<1x128xf32> to vector<2048x128xf32>
    %add3A_80 = arith.addf %add3A_75, %add3A_79 : vector<2048x128xf32>
    %get3A_81 = arith.constant 0 : index
    %get3A_82 = arith.constant 0 : index
    %get3A_83 = vector.load %arg7[%get3A_81, %get3A_82] : memref<128x64xf32, #tpu.memory_space<vmem>>, vector<128x64xf32>
    %dot_general3A_84 = arith.constant dense<0.000000e+00> : vector<2048x64xf32>
    %dot_general3A_85 = tpu.matmul %add3A_80, %get3A_83, %dot_general3A_84 {dimension_numbers = #tpu.dot_dimension_numbers<[1], [0], [0], [1], [0, 0, 1, 1], [], []>, transpose_lhs_hint = false} : vector<2048x128xf32>, vector<128x64xf32>, vector<2048x64xf32> -> vector<2048x64xf32>
    %get3A_86 = arith.constant 0 : index
    %get3A_87 = arith.constant 0 : index
    %get3A_88 = vector.load %arg8[%get3A_86, %get3A_87] : memref<1x64xf32, #tpu.memory_space<vmem>>, vector<1x64xf32>
    %add3A_89 = vector.broadcast %get3A_88 : vector<1x64xf32> to vector<2048x64xf32>
    %add3A_90 = arith.addf %dot_general3A_85, %add3A_89 : vector<2048x64xf32>
    %get3A_91 = arith.constant 0 : index
    %get3A_92 = arith.constant 0 : index
    %get3A_93 = vector.load %arg9[%get3A_91, %get3A_92] : memref<16x128xi32, #tpu.memory_space<vmem>>, vector<16x128xi32>
    %slice3A_94 = vector.extract_strided_slice %get3A_93 {offsets = [0, 0], sizes = [1, 128], strides = [1, 1]} : vector<16x128xi32> to vector<1x128xi32>
    %transpose3A_95 = tpu.transpose %slice3A_94, [1, 0] : vector<1x128xi32> -> vector<128x1xi32>
    %slice3A_96 = vector.extract_strided_slice %get3A_93 {offsets = [1, 0], sizes = [1, 128], strides = [1, 1]} : vector<16x128xi32> to vector<1x128xi32>
    %transpose3A_97 = tpu.transpose %slice3A_96, [1, 0] : vector<1x128xi32> -> vector<128x1xi32>
    %slice3A_98 = vector.extract_strided_slice %get3A_93 {offsets = [2, 0], sizes = [1, 128], strides = [1, 1]} : vector<16x128xi32> to vector<1x128xi32>
    %transpose3A_99 = tpu.transpose %slice3A_98, [1, 0] : vector<1x128xi32> -> vector<128x1xi32>
    %slice3A_100 = vector.extract_strided_slice %get3A_93 {offsets = [3, 0], sizes = [1, 128], strides = [1, 1]} : vector<16x128xi32> to vector<1x128xi32>
    %transpose3A_101 = tpu.transpose %slice3A_100, [1, 0] : vector<1x128xi32> -> vector<128x1xi32>
    %slice3A_102 = vector.extract_strided_slice %get3A_93 {offsets = [4, 0], sizes = [1, 128], strides = [1, 1]} : vector<16x128xi32> to vector<1x128xi32>
    %transpose3A_103 = tpu.transpose %slice3A_102, [1, 0] : vector<1x128xi32> -> vector<128x1xi32>
    %slice3A_104 = vector.extract_strided_slice %get3A_93 {offsets = [5, 0], sizes = [1, 128], strides = [1, 1]} : vector<16x128xi32> to vector<1x128xi32>
    %transpose3A_105 = tpu.transpose %slice3A_104, [1, 0] : vector<1x128xi32> -> vector<128x1xi32>
    %slice3A_106 = vector.extract_strided_slice %get3A_93 {offsets = [6, 0], sizes = [1, 128], strides = [1, 1]} : vector<16x128xi32> to vector<1x128xi32>
    %transpose3A_107 = tpu.transpose %slice3A_106, [1, 0] : vector<1x128xi32> -> vector<128x1xi32>
    %slice3A_108 = vector.extract_strided_slice %get3A_93 {offsets = [7, 0], sizes = [1, 128], strides = [1, 1]} : vector<16x128xi32> to vector<1x128xi32>
    %transpose3A_109 = tpu.transpose %slice3A_108, [1, 0] : vector<1x128xi32> -> vector<128x1xi32>
    %slice3A_110 = vector.extract_strided_slice %get3A_93 {offsets = [8, 0], sizes = [1, 128], strides = [1, 1]} : vector<16x128xi32> to vector<1x128xi32>
    %transpose3A_111 = tpu.transpose %slice3A_110, [1, 0] : vector<1x128xi32> -> vector<128x1xi32>
    %slice3A_112 = vector.extract_strided_slice %get3A_93 {offsets = [9, 0], sizes = [1, 128], strides = [1, 1]} : vector<16x128xi32> to vector<1x128xi32>
    %transpose3A_113 = tpu.transpose %slice3A_112, [1, 0] : vector<1x128xi32> -> vector<128x1xi32>
    %slice3A_114 = vector.extract_strided_slice %get3A_93 {offsets = [10, 0], sizes = [1, 128], strides = [1, 1]} : vector<16x128xi32> to vector<1x128xi32>
    %transpose3A_115 = tpu.transpose %slice3A_114, [1, 0] : vector<1x128xi32> -> vector<128x1xi32>
    %slice3A_116 = vector.extract_strided_slice %get3A_93 {offsets = [11, 0], sizes = [1, 128], strides = [1, 1]} : vector<16x128xi32> to vector<1x128xi32>
    %transpose3A_117 = tpu.transpose %slice3A_116, [1, 0] : vector<1x128xi32> -> vector<128x1xi32>
    %slice3A_118 = vector.extract_strided_slice %get3A_93 {offsets = [12, 0], sizes = [1, 128], strides = [1, 1]} : vector<16x128xi32> to vector<1x128xi32>
    %transpose3A_119 = tpu.transpose %slice3A_118, [1, 0] : vector<1x128xi32> -> vector<128x1xi32>
    %slice3A_120 = vector.extract_strided_slice %get3A_93 {offsets = [13, 0], sizes = [1, 128], strides = [1, 1]} : vector<16x128xi32> to vector<1x128xi32>
    %transpose3A_121 = tpu.transpose %slice3A_120, [1, 0] : vector<1x128xi32> -> vector<128x1xi32>
    %slice3A_122 = vector.extract_strided_slice %get3A_93 {offsets = [14, 0], sizes = [1, 128], strides = [1, 1]} : vector<16x128xi32> to vector<1x128xi32>
    %transpose3A_123 = tpu.transpose %slice3A_122, [1, 0] : vector<1x128xi32> -> vector<128x1xi32>
    %slice3A_124 = vector.extract_strided_slice %get3A_93 {offsets = [15, 0], sizes = [1, 128], strides = [1, 1]} : vector<16x128xi32> to vector<1x128xi32>
    %transpose3A_125 = tpu.transpose %slice3A_124, [1, 0] : vector<1x128xi32> -> vector<128x1xi32>
    %concatenate3A_126 = tpu.concatenate %transpose3A_95, %transpose3A_97, %transpose3A_99, %transpose3A_101, %transpose3A_103, %transpose3A_105, %transpose3A_107, %transpose3A_109, %transpose3A_111, %transpose3A_113, %transpose3A_115, %transpose3A_117, %transpose3A_119, %transpose3A_121, %transpose3A_123, %transpose3A_125 in 0 : vector<128x1xi32>, vector<128x1xi32>, vector<128x1xi32>, vector<128x1xi32>, vector<128x1xi32>, vector<128x1xi32>, vector<128x1xi32>, vector<128x1xi32>, vector<128x1xi32>, vector<128x1xi32>, vector<128x1xi32>, vector<128x1xi32>, vector<128x1xi32>, vector<128x1xi32>, vector<128x1xi32>, vector<128x1xi32> -> vector<2048x1xi32>
    %iota3A = tpu.iota {dimensions = array<i32: 1>} : vector<1x64xi32>
    %eq3A_127 = vector.broadcast %concatenate3A_126 : vector<2048x1xi32> to vector<2048x64xi32>
    %eq3A_128 = vector.broadcast %iota3A : vector<1x64xi32> to vector<2048x64xi32>
    %eq3A_129 = arith.cmpi eq, %eq3A_127, %eq3A_128 : vector<2048x64xi32>
    %convert_element_type3A_130 = arith.extui %eq3A_129 : vector<2048x64xi1> to vector<2048x64xi32>
    %convert_element_type3A_131 = arith.sitofp %convert_element_type3A_130 : vector<2048x64xi32> to vector<2048x64xf32>
    %get3A_132 = arith.constant 0 : index
    %get3A_133 = arith.constant 0 : index
    %get3A_134 = vector.load %arg12[%get3A_132, %get3A_133] : memref<64x64xf32, #tpu.memory_space<vmem>>, vector<64x64xf32>
    %dot_general3A_135 = arith.constant dense<0.000000e+00> : vector<64x64xf32>
    %dot_general3A_136 = tpu.matmul %convert_element_type3A_131, %add3A_90, %dot_general3A_135 {dimension_numbers = #tpu.dot_dimension_numbers<[0], [0], [1], [1], [0, 1, 1, 1], [], []>, transpose_lhs_hint = false} : vector<2048x64xf32>, vector<2048x64xf32>, vector<64x64xf32> -> vector<64x64xf32>
    %add3A_137 = arith.addf %get3A_134, %dot_general3A_136 : vector<64x64xf32>
    %swap3A = arith.constant 0 : index
    %swap3A_138 = arith.constant 0 : index
    %swap3A_139 = vector.load %arg12[%swap3A, %swap3A_138] : memref<64x64xf32, #tpu.memory_space<vmem>>, vector<64x64xf32>
    tpu.vector_store %arg12[%swap3A, %swap3A_138], %add3A_137 {strides = array<i32>} : memref<64x64xf32, #tpu.memory_space<vmem>>, vector<64x64xf32>,
    %broadcast_in_dim3A = arith.constant 1.000000e+00 : f32
    %broadcast_in_dim3A_140 = vector.broadcast %broadcast_in_dim3A : f32 to vector<2048x1xf32>
    %dot_general3A_141 = arith.constant dense<0.000000e+00> : vector<64x1xf32>
    %dot_general3A_142 = tpu.matmul %convert_element_type3A_131, %broadcast_in_dim3A_140, %dot_general3A_141 {dimension_numbers = #tpu.dot_dimension_numbers<[0], [0], [1], [1], [0, 1, 1, 1], [], []>, transpose_lhs_hint = false} : vector<2048x64xf32>, vector<2048x1xf32>, vector<64x1xf32> -> vector<64x1xf32>
    %get3A_143 = arith.constant 0 : index
    %get3A_144 = arith.constant 0 : index
    %get3A_145 = vector.load %arg13[%get3A_143, %get3A_144] : memref<64x1xf32, #tpu.memory_space<vmem>>, vector<64x1xf32>
    %add3A_146 = arith.addf %get3A_145, %dot_general3A_142 : vector<64x1xf32>
    %swap3A_147 = arith.constant 0 : index
    %swap3A_148 = arith.constant 0 : index
    %swap3A_149 = vector.load %arg13[%swap3A_147, %swap3A_148] : memref<64x1xf32, #tpu.memory_space<vmem>>, vector<64x1xf32>
    tpu.vector_store %arg13[%swap3A_147, %swap3A_148], %add3A_146 {strides = array<i32>} : memref<64x1xf32, #tpu.memory_space<vmem>>, vector<64x1xf32>,
    %broadcast_in_dim3A_150 = arith.constant 0xFF800000 : f32
    %broadcast_in_dim3A_151 = vector.broadcast %broadcast_in_dim3A_150 : f32 to vector<1x64xf32>
    %slice3A_152 = vector.extract_strided_slice %add3A_90 {offsets = [0, 0], sizes = [2047, 64], strides = [1, 1]} : vector<2048x64xf32> to vector<2047x64xf32>
    %concatenate3A_153 = tpu.concatenate %broadcast_in_dim3A_151, %slice3A_152 in 0 : vector<1x64xf32>, vector<2047x64xf32> -> vector<2048x64xf32>
    %broadcast_in_dim3A_154 = arith.constant -1 : i32
    %broadcast_in_dim3A_155 = vector.broadcast %broadcast_in_dim3A_154 : i32 to vector<1x1xi32>
    %slice3A_156 = vector.extract_strided_slice %concatenate3A_126 {offsets = [0, 0], sizes = [2047, 1], strides = [1, 1]} : vector<2048x1xi32> to vector<2047x1xi32>
    %concatenate3A_157 = tpu.concatenate %broadcast_in_dim3A_155, %slice3A_156 in 0 : vector<1x1xi32>, vector<2047x1xi32> -> vector<2048x1xi32>
    %eq3A_158 = arith.cmpi eq, %concatenate3A_126, %concatenate3A_157 : vector<2048x1xi32>
    %jit3A = arith.constant 0xFF800000 : f32
    %broadcast_in_dim3A_159 = vector.shape_cast %eq3A_158 : vector<2048x1xi1> to vector<2048x1xi1>
    %broadcast_in_dim3A_160 = vector.broadcast %broadcast_in_dim3A_159 : vector<2048x1xi1> to vector<2048x64xi1>
    %broadcast_in_dim3A_161 = vector.broadcast %jit3A : f32 to vector<2048x64xf32>
    %select_n3A = arith.select %broadcast_in_dim3A_160, %concatenate3A_153, %broadcast_in_dim3A_161 : vector<2048x64xi1>, vector<2048x64xf32>
    %max3A = arith.maximumf %add3A_90, %select_n3A : vector<2048x64xf32>
    %broadcast_in_dim3A_162 = arith.constant 0xFF800000 : f32
    %broadcast_in_dim3A_163 = vector.broadcast %broadcast_in_dim3A_162 : f32 to vector<2x64xf32>
    %slice3A_164 = vector.extract_strided_slice %max3A {offsets = [0, 0], sizes = [2046, 64], strides = [1, 1]} : vector<2048x64xf32> to vector<2046x64xf32>
    %concatenate3A_165 = tpu.concatenate %broadcast_in_dim3A_163, %slice3A_164 in 0 : vector<2x64xf32>, vector<2046x64xf32> -> vector<2048x64xf32>
    %broadcast_in_dim3A_166 = arith.constant -1 : i32
    %broadcast_in_dim3A_167 = vector.broadcast %broadcast_in_dim3A_166 : i32 to vector<2x1xi32>
    %slice3A_168 = vector.extract_strided_slice %concatenate3A_126 {offsets = [0, 0], sizes = [2046, 1], strides = [1, 1]} : vector<2048x1xi32> to vector<2046x1xi32>
    %concatenate3A_169 = tpu.concatenate %broadcast_in_dim3A_167, %slice3A_168 in 0 : vector<2x1xi32>, vector<2046x1xi32> -> vector<2048x1xi32>
    %eq3A_170 = arith.cmpi eq, %concatenate3A_126, %concatenate3A_169 : vector<2048x1xi32>
    %jit3A_171 = arith.constant 0xFF800000 : f32
    %broadcast_in_dim3A_172 = vector.shape_cast %eq3A_170 : vector<2048x1xi1> to vector<2048x1xi1>
    %broadcast_in_dim3A_173 = vector.broadcast %broadcast_in_dim3A_172 : vector<2048x1xi1> to vector<2048x64xi1>
    %broadcast_in_dim3A_174 = vector.broadcast %jit3A_171 : f32 to vector<2048x64xf32>
    %select_n3A_175 = arith.select %broadcast_in_dim3A_173, %concatenate3A_165, %broadcast_in_dim3A_174 : vector<2048x64xi1>, vector<2048x64xf32>
    %max3A_176 = arith.maximumf %max3A, %select_n3A_175 : vector<2048x64xf32>
    %broadcast_in_dim3A_177 = arith.constant 0xFF800000 : f32
    %broadcast_in_dim3A_178 = vector.broadcast %broadcast_in_dim3A_177 : f32 to vector<4x64xf32>
    %slice3A_179 = vector.extract_strided_slice %max3A_176 {offsets = [0, 0], sizes = [2044, 64], strides = [1, 1]} : vector<2048x64xf32> to vector<2044x64xf32>
    %concatenate3A_180 = tpu.concatenate %broadcast_in_dim3A_178, %slice3A_179 in 0 : vector<4x64xf32>, vector<2044x64xf32> -> vector<2048x64xf32>
    %broadcast_in_dim3A_181 = arith.constant -1 : i32
    %broadcast_in_dim3A_182 = vector.broadcast %broadcast_in_dim3A_181 : i32 to vector<4x1xi32>
    %slice3A_183 = vector.extract_strided_slice %concatenate3A_126 {offsets = [0, 0], sizes = [2044, 1], strides = [1, 1]} : vector<2048x1xi32> to vector<2044x1xi32>
    %concatenate3A_184 = tpu.concatenate %broadcast_in_dim3A_182, %slice3A_183 in 0 : vector<4x1xi32>, vector<2044x1xi32> -> vector<2048x1xi32>
    %eq3A_185 = arith.cmpi eq, %concatenate3A_126, %concatenate3A_184 : vector<2048x1xi32>
    %jit3A_186 = arith.constant 0xFF800000 : f32
    %broadcast_in_dim3A_187 = vector.shape_cast %eq3A_185 : vector<2048x1xi1> to vector<2048x1xi1>
    %broadcast_in_dim3A_188 = vector.broadcast %broadcast_in_dim3A_187 : vector<2048x1xi1> to vector<2048x64xi1>
    %broadcast_in_dim3A_189 = vector.broadcast %jit3A_186 : f32 to vector<2048x64xf32>
    %select_n3A_190 = arith.select %broadcast_in_dim3A_188, %concatenate3A_180, %broadcast_in_dim3A_189 : vector<2048x64xi1>, vector<2048x64xf32>
    %max3A_191 = arith.maximumf %max3A_176, %select_n3A_190 : vector<2048x64xf32>
    %broadcast_in_dim3A_192 = arith.constant 0xFF800000 : f32
    %broadcast_in_dim3A_193 = vector.broadcast %broadcast_in_dim3A_192 : f32 to vector<8x64xf32>
    %slice3A_194 = vector.extract_strided_slice %max3A_191 {offsets = [0, 0], sizes = [2040, 64], strides = [1, 1]} : vector<2048x64xf32> to vector<2040x64xf32>
    %concatenate3A_195 = tpu.concatenate %broadcast_in_dim3A_193, %slice3A_194 in 0 : vector<8x64xf32>, vector<2040x64xf32> -> vector<2048x64xf32>
    %broadcast_in_dim3A_196 = arith.constant -1 : i32
    %broadcast_in_dim3A_197 = vector.broadcast %broadcast_in_dim3A_196 : i32 to vector<8x1xi32>
    %slice3A_198 = vector.extract_strided_slice %concatenate3A_126 {offsets = [0, 0], sizes = [2040, 1], strides = [1, 1]} : vector<2048x1xi32> to vector<2040x1xi32>
    %concatenate3A_199 = tpu.concatenate %broadcast_in_dim3A_197, %slice3A_198 in 0 : vector<8x1xi32>, vector<2040x1xi32> -> vector<2048x1xi32>
    %eq3A_200 = arith.cmpi eq, %concatenate3A_126, %concatenate3A_199 : vector<2048x1xi32>
    %jit3A_201 = arith.constant 0xFF800000 : f32
    %broadcast_in_dim3A_202 = vector.shape_cast %eq3A_200 : vector<2048x1xi1> to vector<2048x1xi1>
    %broadcast_in_dim3A_203 = vector.broadcast %broadcast_in_dim3A_202 : vector<2048x1xi1> to vector<2048x64xi1>
    %broadcast_in_dim3A_204 = vector.broadcast %jit3A_201 : f32 to vector<2048x64xf32>
    %select_n3A_205 = arith.select %broadcast_in_dim3A_203, %concatenate3A_195, %broadcast_in_dim3A_204 : vector<2048x64xi1>, vector<2048x64xf32>
    %max3A_206 = arith.maximumf %max3A_191, %select_n3A_205 : vector<2048x64xf32>
    %broadcast_in_dim3A_207 = arith.constant 0xFF800000 : f32
    %broadcast_in_dim3A_208 = vector.broadcast %broadcast_in_dim3A_207 : f32 to vector<16x64xf32>
    %slice3A_209 = vector.extract_strided_slice %max3A_206 {offsets = [0, 0], sizes = [2032, 64], strides = [1, 1]} : vector<2048x64xf32> to vector<2032x64xf32>
    %concatenate3A_210 = tpu.concatenate %broadcast_in_dim3A_208, %slice3A_209 in 0 : vector<16x64xf32>, vector<2032x64xf32> -> vector<2048x64xf32>
    %broadcast_in_dim3A_211 = arith.constant -1 : i32
    %broadcast_in_dim3A_212 = vector.broadcast %broadcast_in_dim3A_211 : i32 to vector<16x1xi32>
    %slice3A_213 = vector.extract_strided_slice %concatenate3A_126 {offsets = [0, 0], sizes = [2032, 1], strides = [1, 1]} : vector<2048x1xi32> to vector<2032x1xi32>
    %concatenate3A_214 = tpu.concatenate %broadcast_in_dim3A_212, %slice3A_213 in 0 : vector<16x1xi32>, vector<2032x1xi32> -> vector<2048x1xi32>
    %eq3A_215 = arith.cmpi eq, %concatenate3A_126, %concatenate3A_214 : vector<2048x1xi32>
    %jit3A_216 = arith.constant 0xFF800000 : f32
    %broadcast_in_dim3A_217 = vector.shape_cast %eq3A_215 : vector<2048x1xi1> to vector<2048x1xi1>
    %broadcast_in_dim3A_218 = vector.broadcast %broadcast_in_dim3A_217 : vector<2048x1xi1> to vector<2048x64xi1>
    %broadcast_in_dim3A_219 = vector.broadcast %jit3A_216 : f32 to vector<2048x64xf32>
    %select_n3A_220 = arith.select %broadcast_in_dim3A_218, %concatenate3A_210, %broadcast_in_dim3A_219 : vector<2048x64xi1>, vector<2048x64xf32>
    %max3A_221 = arith.maximumf %max3A_206, %select_n3A_220 : vector<2048x64xf32>
    %broadcast_in_dim3A_222 = arith.constant 0xFF800000 : f32
    %broadcast_in_dim3A_223 = vector.broadcast %broadcast_in_dim3A_222 : f32 to vector<32x64xf32>
    %slice3A_224 = vector.extract_strided_slice %max3A_221 {offsets = [0, 0], sizes = [2016, 64], strides = [1, 1]} : vector<2048x64xf32> to vector<2016x64xf32>
    %concatenate3A_225 = tpu.concatenate %broadcast_in_dim3A_223, %slice3A_224 in 0 : vector<32x64xf32>, vector<2016x64xf32> -> vector<2048x64xf32>
    %broadcast_in_dim3A_226 = arith.constant -1 : i32
    %broadcast_in_dim3A_227 = vector.broadcast %broadcast_in_dim3A_226 : i32 to vector<32x1xi32>
    %slice3A_228 = vector.extract_strided_slice %concatenate3A_126 {offsets = [0, 0], sizes = [2016, 1], strides = [1, 1]} : vector<2048x1xi32> to vector<2016x1xi32>
    %concatenate3A_229 = tpu.concatenate %broadcast_in_dim3A_227, %slice3A_228 in 0 : vector<32x1xi32>, vector<2016x1xi32> -> vector<2048x1xi32>
    %eq3A_230 = arith.cmpi eq, %concatenate3A_126, %concatenate3A_229 : vector<2048x1xi32>
    %jit3A_231 = arith.constant 0xFF800000 : f32
    %broadcast_in_dim3A_232 = vector.shape_cast %eq3A_230 : vector<2048x1xi1> to vector<2048x1xi1>
    %broadcast_in_dim3A_233 = vector.broadcast %broadcast_in_dim3A_232 : vector<2048x1xi1> to vector<2048x64xi1>
    %broadcast_in_dim3A_234 = vector.broadcast %jit3A_231 : f32 to vector<2048x64xf32>
    %select_n3A_235 = arith.select %broadcast_in_dim3A_233, %concatenate3A_225, %broadcast_in_dim3A_234 : vector<2048x64xi1>, vector<2048x64xf32>
    %max3A_236 = arith.maximumf %max3A_221, %select_n3A_235 : vector<2048x64xf32>
    %broadcast_in_dim3A_237 = arith.constant 0xFF800000 : f32
    %broadcast_in_dim3A_238 = vector.broadcast %broadcast_in_dim3A_237 : f32 to vector<64x64xf32>
    %slice3A_239 = vector.extract_strided_slice %max3A_236 {offsets = [0, 0], sizes = [1984, 64], strides = [1, 1]} : vector<2048x64xf32> to vector<1984x64xf32>
    %concatenate3A_240 = tpu.concatenate %broadcast_in_dim3A_238, %slice3A_239 in 0 : vector<64x64xf32>, vector<1984x64xf32> -> vector<2048x64xf32>
    %broadcast_in_dim3A_241 = arith.constant -1 : i32
    %broadcast_in_dim3A_242 = vector.broadcast %broadcast_in_dim3A_241 : i32 to vector<64x1xi32>
    %slice3A_243 = vector.extract_strided_slice %concatenate3A_126 {offsets = [0, 0], sizes = [1984, 1], strides = [1, 1]} : vector<2048x1xi32> to vector<1984x1xi32>
    %concatenate3A_244 = tpu.concatenate %broadcast_in_dim3A_242, %slice3A_243 in 0 : vector<64x1xi32>, vector<1984x1xi32> -> vector<2048x1xi32>
    %eq3A_245 = arith.cmpi eq, %concatenate3A_126, %concatenate3A_244 : vector<2048x1xi32>
    %jit3A_246 = arith.constant 0xFF800000 : f32
    %broadcast_in_dim3A_247 = vector.shape_cast %eq3A_245 : vector<2048x1xi1> to vector<2048x1xi1>
    %broadcast_in_dim3A_248 = vector.broadcast %broadcast_in_dim3A_247 : vector<2048x1xi1> to vector<2048x64xi1>
    %broadcast_in_dim3A_249 = vector.broadcast %jit3A_246 : f32 to vector<2048x64xf32>
    %select_n3A_250 = arith.select %broadcast_in_dim3A_248, %concatenate3A_240, %broadcast_in_dim3A_249 : vector<2048x64xi1>, vector<2048x64xf32>
    %max3A_251 = arith.maximumf %max3A_236, %select_n3A_250 : vector<2048x64xf32>
    %broadcast_in_dim3A_252 = arith.constant 0xFF800000 : f32
    %broadcast_in_dim3A_253 = vector.broadcast %broadcast_in_dim3A_252 : f32 to vector<128x64xf32>
    %slice3A_254 = vector.extract_strided_slice %max3A_251 {offsets = [0, 0], sizes = [1920, 64], strides = [1, 1]} : vector<2048x64xf32> to vector<1920x64xf32>
    %concatenate3A_255 = tpu.concatenate %broadcast_in_dim3A_253, %slice3A_254 in 0 : vector<128x64xf32>, vector<1920x64xf32> -> vector<2048x64xf32>
    %broadcast_in_dim3A_256 = arith.constant -1 : i32
    %broadcast_in_dim3A_257 = vector.broadcast %broadcast_in_dim3A_256 : i32 to vector<128x1xi32>
    %slice3A_258 = vector.extract_strided_slice %concatenate3A_126 {offsets = [0, 0], sizes = [1920, 1], strides = [1, 1]} : vector<2048x1xi32> to vector<1920x1xi32>
    %concatenate3A_259 = tpu.concatenate %broadcast_in_dim3A_257, %slice3A_258 in 0 : vector<128x1xi32>, vector<1920x1xi32> -> vector<2048x1xi32>
    %eq3A_260 = arith.cmpi eq, %concatenate3A_126, %concatenate3A_259 : vector<2048x1xi32>
    %jit3A_261 = arith.constant 0xFF800000 : f32
    %broadcast_in_dim3A_262 = vector.shape_cast %eq3A_260 : vector<2048x1xi1> to vector<2048x1xi1>
    %broadcast_in_dim3A_263 = vector.broadcast %broadcast_in_dim3A_262 : vector<2048x1xi1> to vector<2048x64xi1>
    %broadcast_in_dim3A_264 = vector.broadcast %jit3A_261 : f32 to vector<2048x64xf32>
    %select_n3A_265 = arith.select %broadcast_in_dim3A_263, %concatenate3A_255, %broadcast_in_dim3A_264 : vector<2048x64xi1>, vector<2048x64xf32>
    %max3A_266 = arith.maximumf %max3A_251, %select_n3A_265 : vector<2048x64xf32>
    %broadcast_in_dim3A_267 = arith.constant 0xFF800000 : f32
    %broadcast_in_dim3A_268 = vector.broadcast %broadcast_in_dim3A_267 : f32 to vector<256x64xf32>
    %slice3A_269 = vector.extract_strided_slice %max3A_266 {offsets = [0, 0], sizes = [1792, 64], strides = [1, 1]} : vector<2048x64xf32> to vector<1792x64xf32>
    %concatenate3A_270 = tpu.concatenate %broadcast_in_dim3A_268, %slice3A_269 in 0 : vector<256x64xf32>, vector<1792x64xf32> -> vector<2048x64xf32>
    %broadcast_in_dim3A_271 = arith.constant -1 : i32
    %broadcast_in_dim3A_272 = vector.broadcast %broadcast_in_dim3A_271 : i32 to vector<256x1xi32>
    %slice3A_273 = vector.extract_strided_slice %concatenate3A_126 {offsets = [0, 0], sizes = [1792, 1], strides = [1, 1]} : vector<2048x1xi32> to vector<1792x1xi32>
    %concatenate3A_274 = tpu.concatenate %broadcast_in_dim3A_272, %slice3A_273 in 0 : vector<256x1xi32>, vector<1792x1xi32> -> vector<2048x1xi32>
    %eq3A_275 = arith.cmpi eq, %concatenate3A_126, %concatenate3A_274 : vector<2048x1xi32>
    %jit3A_276 = arith.constant 0xFF800000 : f32
    %broadcast_in_dim3A_277 = vector.shape_cast %eq3A_275 : vector<2048x1xi1> to vector<2048x1xi1>
    %broadcast_in_dim3A_278 = vector.broadcast %broadcast_in_dim3A_277 : vector<2048x1xi1> to vector<2048x64xi1>
    %broadcast_in_dim3A_279 = vector.broadcast %jit3A_276 : f32 to vector<2048x64xf32>
    %select_n3A_280 = arith.select %broadcast_in_dim3A_278, %concatenate3A_270, %broadcast_in_dim3A_279 : vector<2048x64xi1>, vector<2048x64xf32>
    %max3A_281 = arith.maximumf %max3A_266, %select_n3A_280 : vector<2048x64xf32>
    %broadcast_in_dim3A_282 = arith.constant 0xFF800000 : f32
    %broadcast_in_dim3A_283 = vector.broadcast %broadcast_in_dim3A_282 : f32 to vector<512x64xf32>
    %slice3A_284 = vector.extract_strided_slice %max3A_281 {offsets = [0, 0], sizes = [1536, 64], strides = [1, 1]} : vector<2048x64xf32> to vector<1536x64xf32>
    %concatenate3A_285 = tpu.concatenate %broadcast_in_dim3A_283, %slice3A_284 in 0 : vector<512x64xf32>, vector<1536x64xf32> -> vector<2048x64xf32>
    %broadcast_in_dim3A_286 = arith.constant -1 : i32
    %broadcast_in_dim3A_287 = vector.broadcast %broadcast_in_dim3A_286 : i32 to vector<512x1xi32>
    %slice3A_288 = vector.extract_strided_slice %concatenate3A_126 {offsets = [0, 0], sizes = [1536, 1], strides = [1, 1]} : vector<2048x1xi32> to vector<1536x1xi32>
    %concatenate3A_289 = tpu.concatenate %broadcast_in_dim3A_287, %slice3A_288 in 0 : vector<512x1xi32>, vector<1536x1xi32> -> vector<2048x1xi32>
    %eq3A_290 = arith.cmpi eq, %concatenate3A_126, %concatenate3A_289 : vector<2048x1xi32>
    %jit3A_291 = arith.constant 0xFF800000 : f32
    %broadcast_in_dim3A_292 = vector.shape_cast %eq3A_290 : vector<2048x1xi1> to vector<2048x1xi1>
    %broadcast_in_dim3A_293 = vector.broadcast %broadcast_in_dim3A_292 : vector<2048x1xi1> to vector<2048x64xi1>
    %broadcast_in_dim3A_294 = vector.broadcast %jit3A_291 : f32 to vector<2048x64xf32>
    %select_n3A_295 = arith.select %broadcast_in_dim3A_293, %concatenate3A_285, %broadcast_in_dim3A_294 : vector<2048x64xi1>, vector<2048x64xf32>
    %max3A_296 = arith.maximumf %max3A_281, %select_n3A_295 : vector<2048x64xf32>
    %broadcast_in_dim3A_297 = arith.constant 0xFF800000 : f32
    %broadcast_in_dim3A_298 = vector.broadcast %broadcast_in_dim3A_297 : f32 to vector<1024x64xf32>
    %slice3A_299 = vector.extract_strided_slice %max3A_296 {offsets = [0, 0], sizes = [1024, 64], strides = [1, 1]} : vector<2048x64xf32> to vector<1024x64xf32>
    %concatenate3A_300 = tpu.concatenate %broadcast_in_dim3A_298, %slice3A_299 in 0 : vector<1024x64xf32>, vector<1024x64xf32> -> vector<2048x64xf32>
    %broadcast_in_dim3A_301 = arith.constant -1 : i32
    %broadcast_in_dim3A_302 = vector.broadcast %broadcast_in_dim3A_301 : i32 to vector<1024x1xi32>
    %slice3A_303 = vector.extract_strided_slice %concatenate3A_126 {offsets = [0, 0], sizes = [1024, 1], strides = [1, 1]} : vector<2048x1xi32> to vector<1024x1xi32>
    %concatenate3A_304 = tpu.concatenate %broadcast_in_dim3A_302, %slice3A_303 in 0 : vector<1024x1xi32>, vector<1024x1xi32> -> vector<2048x1xi32>
    %eq3A_305 = arith.cmpi eq, %concatenate3A_126, %concatenate3A_304 : vector<2048x1xi32>
    %jit3A_306 = arith.constant 0xFF800000 : f32
    %broadcast_in_dim3A_307 = vector.shape_cast %eq3A_305 : vector<2048x1xi1> to vector<2048x1xi1>
    %broadcast_in_dim3A_308 = vector.broadcast %broadcast_in_dim3A_307 : vector<2048x1xi1> to vector<2048x64xi1>
    %broadcast_in_dim3A_309 = vector.broadcast %jit3A_306 : f32 to vector<2048x64xf32>
    %select_n3A_310 = arith.select %broadcast_in_dim3A_308, %concatenate3A_300, %broadcast_in_dim3A_309 : vector<2048x64xi1>, vector<2048x64xf32>
    %max3A_311 = arith.maximumf %max3A_296, %select_n3A_310 : vector<2048x64xf32>
    %slice3A_312 = vector.extract_strided_slice %concatenate3A_126 {offsets = [1, 0], sizes = [2047, 1], strides = [1, 1]} : vector<2048x1xi32> to vector<2047x1xi32>
    %broadcast_in_dim3A_313 = arith.constant 65 : i32
    %broadcast_in_dim3A_314 = vector.broadcast %broadcast_in_dim3A_313 : i32 to vector<1x1xi32>
    %concatenate3A_315 = tpu.concatenate %slice3A_312, %broadcast_in_dim3A_314 in 0 : vector<2047x1xi32>, vector<1x1xi32> -> vector<2048x1xi32>
    %ne3A = arith.cmpi ne, %concatenate3A_126, %concatenate3A_315 : vector<2048x1xi32>
    %jit3A_316 = arith.constant 0.000000e+00 : f32
    %broadcast_in_dim3A_317 = vector.shape_cast %ne3A : vector<2048x1xi1> to vector<2048x1xi1>
    %broadcast_in_dim3A_318 = vector.broadcast %broadcast_in_dim3A_317 : vector<2048x1xi1> to vector<2048x64xi1>
    %broadcast_in_dim3A_319 = vector.broadcast %jit3A_316 : f32 to vector<2048x64xf32>
    %select_n3A_320 = arith.select %broadcast_in_dim3A_318, %max3A_311, %broadcast_in_dim3A_319 : vector<2048x64xi1>, vector<2048x64xf32>
    %dot_general3A_321 = arith.constant dense<0.000000e+00> : vector<64x64xf32>
    %dot_general3A_322 = tpu.matmul %convert_element_type3A_131, %select_n3A_320, %dot_general3A_321 {dimension_numbers = #tpu.dot_dimension_numbers<[0], [0], [1], [1], [0, 1, 1, 1], [], []>, transpose_lhs_hint = false} : vector<2048x64xf32>, vector<2048x64xf32>, vector<64x64xf32> -> vector<64x64xf32>
    %gt3A = arith.constant 0.000000e+00 : f32
    %gt3A_323 = vector.broadcast %gt3A : f32 to vector<64x1xf32>
    %gt3A_324 = arith.cmpf ogt, %dot_general3A_142, %gt3A_323 : vector<64x1xf32>
    %jit3A_325 = arith.constant 0xFF800000 : f32
    %broadcast_in_dim3A_326 = vector.shape_cast %gt3A_324 : vector<64x1xi1> to vector<64x1xi1>
    %broadcast_in_dim3A_327 = vector.broadcast %broadcast_in_dim3A_326 : vector<64x1xi1> to vector<64x64xi1>
    %broadcast_in_dim3A_328 = vector.broadcast %jit3A_325 : f32 to vector<64x64xf32>
    %select_n3A_329 = arith.select %broadcast_in_dim3A_327, %dot_general3A_322, %broadcast_in_dim3A_328 : vector<64x64xi1>, vector<64x64xf32>
    %get3A_330 = arith.constant 0 : index
    %get3A_331 = arith.constant 0 : index
    %get3A_332 = vector.load %arg11[%get3A_330, %get3A_331] : memref<64x64xf32, #tpu.memory_space<vmem>>, vector<64x64xf32>
    %max3A_333 = arith.maximumf %get3A_332, %select_n3A_329 : vector<64x64xf32>
    %swap3A_334 = arith.constant 0 : index
    %swap3A_335 = arith.constant 0 : index
    %swap3A_336 = vector.load %arg11[%swap3A_334, %swap3A_335] : memref<64x64xf32, #tpu.memory_space<vmem>>, vector<64x64xf32>
    tpu.vector_store %arg11[%swap3A_334, %swap3A_335], %max3A_333 {strides = array<i32>} : memref<64x64xf32, #tpu.memory_space<vmem>>, vector<64x64xf32>,
    %eq3A_337 = arith.constant 4 : i32
    %eq3A_338 = arith.cmpi eq, %arg0, %eq3A_337 : i32
    %convert_element_type3A_339 = arith.extui %eq3A_338 : i1 to i32
    %cond3A_340 = arith.constant 0 : i32
    %cond3A_341 = arith.cmpi ne, %convert_element_type3A_339, %cond3A_340 : i32
    scf.if %cond3A_341 {
      %get3A_342 = arith.constant 0 : index
      %get3A_343 = arith.constant 0 : index
      %get3A_344 = vector.load %arg13[%get3A_342, %get3A_343] : memref<64x1xf32, #tpu.memory_space<vmem>>, vector<64x1xf32>
      %max3A_345 = arith.constant 1.000000e+00 : f32
      %max3A_346 = vector.broadcast %max3A_345 : f32 to vector<64x1xf32>
      %max3A_347 = arith.maximumf %get3A_344, %max3A_346 : vector<64x1xf32>
      %get3A_348 = arith.constant 0 : index
      %get3A_349 = arith.constant 0 : index
      %get3A_350 = vector.load %arg12[%get3A_348, %get3A_349] : memref<64x64xf32, #tpu.memory_space<vmem>>, vector<64x64xf32>
      %div3A = vector.broadcast %max3A_347 : vector<64x1xf32> to vector<64x64xf32>
      %div3A_351 = arith.divf %get3A_350, %div3A : vector<64x64xf32>
      %get3A_352 = arith.constant 0 : index
      %get3A_353 = arith.constant 0 : index
      %get3A_354 = vector.load %arg11[%get3A_352, %get3A_353] : memref<64x64xf32, #tpu.memory_space<vmem>>, vector<64x64xf32>
      %concatenate3A_355 = tpu.concatenate %get3A_354, %div3A_351 in 1 : vector<64x64xf32>, vector<64x64xf32> -> vector<64x128xf32>
      %reduce_max3A = arith.constant dense<0xFF800000> : vector<64xf32>
      %reduce_max3A_356 = vector.multi_reduction <maximumf>, %concatenate3A_355, %reduce_max3A [1] : vector<64x128xf32> to vector<64xf32>
      %broadcast_in_dim3A_357 = vector.shape_cast %reduce_max3A_356 : vector<64xf32> to vector<64x1xf32>
      %sub3A = vector.broadcast %broadcast_in_dim3A_357 : vector<64x1xf32> to vector<64x128xf32>
      %sub3A_358 = arith.subf %concatenate3A_355, %sub3A : vector<64x128xf32>
      %exp3A = math.exp %sub3A_358 : vector<64x128xf32>
      %sub3A_359 = vector.broadcast %broadcast_in_dim3A_357 : vector<64x1xf32> to vector<64x128xf32>
      %sub3A_360 = arith.subf %concatenate3A_355, %sub3A_359 : vector<64x128xf32>
      %reduce_sum3A = arith.constant dense<0.000000e+00> : vector<64xf32>
      %reduce_sum3A_361 = vector.multi_reduction <add>, %exp3A, %reduce_sum3A [1] : vector<64x128xf32> to vector<64xf32>
      %broadcast_in_dim3A_362 = vector.shape_cast %reduce_sum3A_361 : vector<64xf32> to vector<64x1xf32>
      %log3A = math.log %broadcast_in_dim3A_362 : vector<64x1xf32>
      %sub3A_363 = vector.broadcast %log3A : vector<64x1xf32> to vector<64x128xf32>
      %sub3A_364 = arith.subf %sub3A_360, %sub3A_363 : vector<64x128xf32>
      %swap3A_365 = arith.constant 0 : index
      %swap3A_366 = arith.constant 0 : index
      %swap3A_367 = vector.load %arg10[%swap3A_365, %swap3A_366] : memref<64x128xf32, #tpu.memory_space<vmem>>, vector<64x128xf32>
      tpu.vector_store %arg10[%swap3A_365, %swap3A_366], %sub3A_364 {strides = array<i32>} : memref<64x128xf32, #tpu.memory_space<vmem>>, vector<64x128xf32>,
    } else {
    }
    return
  }
  func.func @transform_0(%arg0: i32) -> (i32, i32, i32) {
    %c0_i32 = arith.constant 0 : i32
    %c0_i32_0 = arith.constant 0 : i32
    %c0_i32_1 = arith.constant 0 : i32
    return %c0_i32, %arg0, %c0_i32_0 : i32, i32, i32
  }
  func.func @transform_1(%arg0: i32) -> (i32, i32, i32) {
    %c0_i32 = arith.constant 0 : i32
    %c0_i32_0 = arith.constant 0 : i32
    %c0_i32_1 = arith.constant 0 : i32
    return %c0_i32, %arg0, %c0_i32_0 : i32, i32, i32
  }
  func.func @transform_2(%arg0: i32) -> (i32, i32) {
    %c0_i32 = arith.constant 0 : i32
    %c0_i32_0 = arith.constant 0 : i32
    return %arg0, %c0_i32 : i32, i32
  }
  func.func @transform_3(%arg0: i32) -> (i32, i32) {
    %c0_i32 = arith.constant 0 : i32
    %c0_i32_0 = arith.constant 0 : i32
    %c0_i32_1 = arith.constant 0 : i32
    return %c0_i32, %c0_i32_0 : i32, i32
  }
  func.func @transform_4(%arg0: i32) -> (i32, i32) {
    %c0_i32 = arith.constant 0 : i32
    %c0_i32_0 = arith.constant 0 : i32
    %c0_i32_1 = arith.constant 0 : i32
    return %c0_i32, %c0_i32_0 : i32, i32
  }
  func.func @transform_5(%arg0: i32) -> (i32, i32) {
    %c0_i32 = arith.constant 0 : i32
    %c0_i32_0 = arith.constant 0 : i32
    %c0_i32_1 = arith.constant 0 : i32
    return %c0_i32, %c0_i32_0 : i32, i32
  }
  func.func @transform_6(%arg0: i32) -> (i32, i32) {
    %c0_i32 = arith.constant 0 : i32
    %c0_i32_0 = arith.constant 0 : i32
    %c0_i32_1 = arith.constant 0 : i32
    return %c0_i32, %c0_i32_0 : i32, i32
  }
  func.func @transform_7(%arg0: i32) -> (i32, i32) {
    %c0_i32 = arith.constant 0 : i32
    %c0_i32_0 = arith.constant 0 : i32
    %c0_i32_1 = arith.constant 0 : i32
    return %c0_i32, %c0_i32_0 : i32, i32
  }
  func.func @transform_8(%arg0: i32) -> (i32, i32) {
    %c0_i32 = arith.constant 0 : i32
    %c0_i32_0 = arith.constant 0 : i32
    return %arg0, %c0_i32 : i32, i32
  }
  func.func @transform_9(%arg0: i32) -> (i32, i32) {
    %c0_i32 = arith.constant 0 : i32
    %c0_i32_0 = arith.constant 0 : i32
    %c0_i32_1 = arith.constant 0 : i32
    return %c0_i32, %c0_i32_0 : i32, i32
  }
}

</mosaic_0001>

<sc_bundles>
// kernel: kernel.10.cloned.1.call-start
scs
__scs_entry_jumppad:
0x0: {  	(pc) =	sbr.rel $0x88, $3  }
0x1: {  	(tag) =	ssettag $0x0;
	lr =	simm.s32 $0x1  }
0x2: {  	[smem:$0x3F90] =	sst lr;
	_ =	strace $0xD0000000  }
0x3: {  	_ = 	snop  }
0x4: {  	_ = 	snop  }
0x5: {  	_ = 	snop  }
0x6: {  	_ = 	snop  }
0x7: {  	_ = 	snop  }
__scs_overlays_trampoline_lowered:
0x8: {  	[smem:$0x3F9F] =	sst s0  }
0x9: {  	[smem:$0x3FA0] =	sst s1  }
0xa: {  	[smem:$0x3FA1] =	sst s2  }
0xb: {  	[smem:$0x3FA2] =	sst s3  }
0xc: {  	[smem:$0x3FA3] =	sst s4  }
0xd: {  	[smem:$0x3FA4] =	sst s5  }
0xe: {  	[smem:$0x3FA5] =	sst s6  }
0xf: {  	[smem:$0x3FA6] =	sst s7  }
0x10: {  	[smem:$0x3FA7] =	sst s8  }
0x11: {  	[smem:$0x3FA8] =	sst s9;
	s0 =	simm.s32 @!p0 $0x0  }
0x12: {  	s1 =	sld [smem:$0x3F8E];
	s0 =	simm.s32 @p0 $0x1  }
0x13: {  	[smem:$0x3FA9] =	sst s0;
	s0 =	simm.s32 @!p1 $0x0  }
0x14: {  	s2 =	sld [smem:$0x3F8D];
	s0 =	simm.s32 @p1 $0x1  }
0x15: {  	[smem:$0x3FAA] =	sst s0;
	s0 =	simm.s32 @!p2 $0x0  }
0x16: {  	s3 =	sld [smem:$0x3FDB];
	s0 =	simm.s32 @p2 $0x1  }
0x17: {  	s4 =	simm.s32 $0x1BF5;
	[smem:$0x3FAC] =	sst s0  }
0x18: {  	s0 =	sld [smem:$0x3F8F];
	_ =	swait.ge [sflag:s4], $0x0  }
0x19: {  	s7 =	sld [smem:$0x3F90]  }
0x1a: {  	s8 =	sadd.s32 $0xFFFFE003, lr  }
0x1b: {  	s9 =	sadd.s32 $0xFFFFFEF7, lr;
	s5 =	simm.s32 $0xFFFFFFFF;
	p2 =	slt.u32 s8, $0xFFFFF086  }
0x1c: {  	p1 =	slt.u32 s9, $0xF7A;
	s5 =	simm.s32 @!p2 $0x0  }
0x1d: {  	s5 =	simm.s32 @p1 $0x1;
	p0 =	seq.s32 s7, s2  }
0x1e: {  	s7 =	smul.u32 @!p0 $0xF7A, s2;
	p2 =	seq.s32 @!p0 s5, $0x0  }
0x1f: {  	s9 =	smul.u32 $0xF7A, s1;
	s8 =	simm.s32 @!p0 $0x1BF5;
	p2 =	por !p2, p0  }
0x20: {  	[sflag:s8] =	ssyncset.s32 @!p0 $0xFFFFF086;
	s6 =	sadd.s32 @!p0 s3, s7;
	s7 =	simm.s32 @!p0 $0x108  }
0x21: {  	s3 =	sadd.s32 s3, s9;
	s6 =	sadd.s32 @!p0 $0x88, s6;
	s7 =	simm.s32 @p2 $0x1082  }
0x22: {  	[simem:s7], [sflag:s8] =	dma.local @!p0 [hbm:s6], $0xF7A  }
0x23: {  	s9 =	sor.u32 $0xD0000000, s2;
	s6 =	simm.s32 $0x108;
	_ =	swait.ge @!p0 [sflag:s8], $0x0  }
0x24: {  	s3 =	sadd.s32 $0x88, s3;
	s6 =	simm.s32 @!p1 $0x1082;
	[sflag:s4] =	ssyncset.s32 $0xFFFFF086  }
0x25: {  	[simem:s6], [sflag:s4] =	dma.local [hbm:s3], $0xF7A  }
0x26: {  	[smem:$0x3F90] =	sst s1;
	(tag) =	ssettag s2;
	_ =	strace s9  }
0x27: {  	s1 =	sld [smem:$0x3FA0]  }
0x28: {  	s2 =	sld [smem:$0x3FA1]  }
0x29: {  	s4 =	sld [smem:$0x3FA3]  }
0x2a: {  	p0 =	seq.s32 s5, $0x0;
	s5 =	sld [smem:$0x3FA4]  }
0x2b: {  	s6 =	sld [smem:$0x3FA5]  }
0x2c: {  	s7 =	sld [smem:$0x3FA6]  }
0x2d: {  	s3 =	simm.s32 $0x108;
	s8 =	sld [smem:$0x3FA7]  }
0x2e: {  	s3 =	simm.s32 @!p0 $0x1082;
	s9 =	sld [smem:$0x3FA8]  }
0x2f: {  	lr =	sadd.s32 s0, s3;
	s0 =	sld [smem:$0x3F9F]  }
0x30: {  	s3 =	sld [smem:$0x3FA2]  }
0x31: {  	[smem:$0x3FAB] =	sst s10  }
0x32: {  	s10 =	sld [smem:$0x3FA9];
	_ =	sdelay $0x3  }
0x33: {  	p0 =	seq.s32 s10, $0x1;
	s10 =	sld [smem:$0x3FAB];
	_ =	sdelay $0x3  }
0x34: {  	[smem:$0x3FAB] =	sst s10  }
0x35: {  	s10 =	sld [smem:$0x3FAA];
	_ =	sdelay $0x3  }
0x36: {  	p1 =	seq.s32 s10, $0x1;
	s10 =	sld [smem:$0x3FAB];
	_ =	sdelay $0x3  }
0x37: {  	[smem:$0x3FAB] =	sst s10  }
0x38: {  	s10 =	sld [smem:$0x3FAC]  }
0x39: {  	_ = 	snop;
	(pc) =	sbr.ind lr, $3  }
0x3a: {  	_ = 	snop  }
0x3b: {  	_ = 	snop  }
0x3c: {  	p2 =	seq.s32 s10, $0x1;
	s10 =	sld [smem:$0x3FAB]  }
0x3d: {  	_ =	shalt  }
0x3e: {  	_ =	shalt  }
0x3f: {  	_ =	shalt  }
0x40: {  	_ =	shalt  }
0x41: {  	_ =	shalt  }
0x42: {  	_ =	shalt  }
0x43: {  	_ =	shalt  }
0x44: {  	_ =	shalt  }
0x45: {  	_ =	shalt  }
0x46: {  	_ =	shalt  }
0x47: {  	_ =	shalt  }
0x48: {  	_ =	shalt  }
0x49: {  	_ =	shalt  }
0x4a: {  	_ =	shalt  }
0x4b: {  	_ =	shalt  }
0x4c: {  	_ =	shalt  }
0x4d: {  	_ =	shalt  }
0x4e: {  	_ =	shalt  }
0x4f: {  	_ =	shalt  }
0x50: {  	_ =	shalt  }
0x51: {  	_ =	shalt  }
0x52: {  	_ =	shalt  }
0x53: {  	_ =	shalt  }
0x54: {  	_ =	shalt  }
0x55: {  	_ =	shalt  }
0x56: {  	_ =	shalt  }
0x57: {  	_ =	shalt  }
0x58: {  	_ =	shalt  }
0x59: {  	_ =	shalt  }
0x5a: {  	_ =	shalt  }
0x5b: {  	_ =	shalt  }
0x5c: {  	_ =	shalt  }
0x5d: {  	_ =	shalt  }
0x5e: {  	_ =	shalt  }
0x5f: {  	_ =	shalt  }
0x60: {  	_ =	shalt  }
0x61: {  	_ =	shalt  }
0x62: {  	_ =	shalt  }
0x63: {  	_ =	shalt  }
0x64: {  	_ =	shalt  }
0x65: {  	_ =	shalt  }
0x66: {  	_ =	shalt  }
0x67: {  	_ =	shalt  }
0x68: {  	_ =	shalt  }
0x69: {  	_ =	shalt  }
0x6a: {  	_ =	shalt  }
0x6b: {  	_ =	shalt  }
0x6c: {  	_ =	shalt  }
0x6d: {  	_ =	shalt  }
0x6e: {  	_ =	shalt  }
0x6f: {  	_ =	shalt  }
0x70: {  	_ =	shalt  }
0x71: {  	_ =	shalt  }
0x72: {  	_ =	shalt  }
0x73: {  	_ =	shalt  }
0x74: {  	_ =	shalt  }
0x75: {  	_ =	shalt  }
0x76: {  	_ =	shalt  }
0x77: {  	_ =	shalt  }
0x78: {  	_ =	shalt  }
0x79: {  	_ =	shalt  }
0x7a: {  	_ =	shalt  }
0x7b: {  	_ =	shalt  }
0x7c: {  	_ =	shalt  }
0x7d: {  	_ =	shalt  }
0x7e: {  	_ =	shalt  }
0x7f: {  	_ =	shalt  }
0x80: {  	_ =	shalt  }
0x81: {  	_ =	shalt  }
0x82: {  	_ =	shalt  }
0x83: {  	_ =	shalt  }
0x84: {  	_ =	shalt  }
0x85: {  	_ =	shalt  }
0x86: {  	_ =	shalt  }
0x87: {  	_ =	shalt  }
.Lfunc_end0:
.L_simem_size_0:
called_computation_lowered:
.L_overlay_start_0:
0x88: {  	s2 =	sld [smem:$0x3FD9]  }
0x89: {  	s3 =	sld [smem:$0x3FFE];
	_ =	sdelay $0x1  }
0x8a: {  	s1 =	srdreg.scid  }
0x8b: {  	s0 =	sand.u32 $0x1, s1  }
0x8c: {  	s16 =	sshll.u32 s0, $0xA;
	s2 =	sadd.s32 s3, s2  }
0x8d: {  	s2 =	sadd.s32 s2, s16  }
0x8e: {  	[smem:$0x3FB7] =	sst s2  }
0x8f: {  	_ = 	snop  }
0x90: {  	(tm) =	ssettm $0x1  }
0x91: {  	s17 =	sld [smem:$0x3FFB];
	_ =	sdelay $0x3  }
0x92: {  	_ =	strace s17  }
0x93: {  	s2 =	sld [smem:$0x3FFC];
	_ =	sdelay $0x3  }
0x94: {  	_ =	strace s2  }
0x95: {  	s2 =	sld [smem:$0x3FFD];
	_ =	sdelay $0x3  }
0x96: {  	_ =	strace s2  }
0x97: {  	_ =	strace $0x8FFFFFFF  }
0x98: {  	s18 =	sld [smem:$0x3FDB];
	_ =	sdelay $0x1  }
0x99: {  	s19 =	simm.s32 $_scs_section_size  }
0x9a: {  	s4 =	simm.s32 $_size__tile_overlayer_lowered;
	s5 =	simm.s32 $_tile_overlayer_lowered  }
0x9b: {  	s22 =	simm.s32 $0x1BFF;
	s21 =	sshll.u32 s5, $0x1;
	s2 =	sadd.s32 s19, s18  }
0x9c: {  	s6 =	simm.s32 $0x0;
	s20 =	sshll.u32 s4, $0x1;
	s4 =	sadd.s32 s21, s2  }
0x9d: {  	[timem:s6], [sflag:s22] =	dma.local [hbm:s4], s20  }
0x9e: {  	_ =	swait.ge [sflag:s22], s20  }
0x9f: {  	s3 =	ssub.s32 $0x0, s20;
	[sflag:s22] =	ssyncset.done $0x0  }
0xa0: {  	[sflag:s22] =	ssyncadd.s32 s3;
	_ =	sdelay $0x1  }
0xa1: {  	s23 =	simm.s32 $0x1B8B  }
0xa2: {  	_ =	swait.ge [sflag:s23], $0x1  }
0xa3: {  	[sflag:s23] =	ssyncset.done $0x0  }
0xa4: {  	s25 =	simm.s32 $0x1B8E;
	s24 =	sld [smem:$0x3FFE];
	[sflag:s23] =	ssyncadd.s32 $0xFFFFFFFF  }
0xa5: {  	s26 =	simm.s32 $execute0_lowered;
	[smem:$0x3FD2] =	sst s25  }
0xa6: {  	s4 =	sshll.u32 s26, $0x1;
	_ =	strace $0x80000046;
	[dreg:$0x1] =	wrdreg $0xFFFFFFFF  }
0xa7: {  	s28 =	simm.s32 $_size_execute0_lowered;
	s2 =	sadd.s32 s2, s4;
	[dreg:$0x0] =	wrdreg $0x0  }
0xa8: {  	s4 =	sshll.u32 s28, $0x1;
	[dreg:$0x2] =	wrdreg s2  }
0xa9: {  	[dreg:$0x3] =	wrdreg s4  }
0xaa: {  	[dreg:$0x4] =	wrdreg $0xC0  }
0xab: {  	_ =	task [dreg:s6], $0x5FFFF  }
0xac: {  	[dreg:$0x1] =	wrdreg $0xFFFFFFFF  }
0xad: {  	[dreg:$0x0] =	wrdreg $0x60  }
0xae: {  	[dreg:$0x2] =	wrdreg s24  }
0xaf: {  	[dreg:$0x3] =	wrdreg $0x53800  }
0xb0: {  	[dreg:$0x4] =	wrdreg $0x9  }
0xb1: {  	_ =	task.clear_ibuf [dreg:s6], $0x5FFFF;
	_ =	strace $0x90000046  }
0xb2: {  	s29 =	simm.s32 $0x9;
	_ =	strace $0x80000048  }
0xb3: {  	_ =	swait.ge [sflag:s29], $0x1  }
0xb4: {  	[sflag:s29] =	ssyncadd.s32 $0xFFFFFFFF  }
0xb5: {  	_ =	strace $0x90000048  }
0xb6: {  	_ =	sfence  }
0xb7: {  	s30 =	sld [smem:$0x0];
	_ =	sdelay $0x2  }
0xb8: {  	s31 =	sshll.u32 s1, $0xD;
	s1 =	sshrl.u32 s1, $0x2  }
0xb9: {  	s3 =	sand.u32 $0x4000, s31;
	s1 =	sadd.s32 s1, s30  }
0xba: {  	s0 =	sor.u32 s3, s0;
	s1 =	sshll.u32 s1, $0x11  }
0xbb: {  	s0 =	sor.u32 s1, s0  }
0xbc: {  	s0 =	sadd.s32 $0x8F2B, s0  }
0xbd: {  	[sflag:s0] =	ssyncadd.remote.s32 $0x1  }
0xbe: {  	_ =	sfence.sel $0xFFFF  }
0xbf: {  	[dreg:$0x0] =	wrdreg $0xFFFFFFFF;
	(pc) =	sbr.abs _section_cstart, $3  }
0xc0: {  	[dreg:$0x1] =	wrdreg $0xFFFFFFFF  }
0xc1: {  	_ =	task.clear_ibuf [dreg:s6], $0x2FFFF;
	_ =	strace $0x9FFFFFFF  }
0xc2: {  	(tm) =	ssettm $0x7FFFFFFF  }
0xc3: {  	_ =	shalt  }
tec
execute0_lowered:
.L_overlay_start_1:
0x0: {  	(tag) =	ssettag $0x1  }
0x1: {  	s4 =	rddreg [dreg:$0x0]  }
0x2: {  	s2 =	rddreg [dreg:$0x1]  }
0x3: {  	s0 =	rddreg [dreg:$0x2]  }
0x4: {  	s1 =	stileid.u32;
	s3 =	simm.s32 $0x0;
	s6 =	srdreg.scid  }
0x5: {  	s12 =	simm.s32 $0x5000;
	s15 =	simm.s32 $0x20;
	s5 =	smul.u32 $0xA00, s1  }
0x6: {  	s16 =	simm.s32 $0x10;
	s17 =	simm.s32 $0x0;
	s7 =	smul.u32 $0x500, s1  }
0x7: {  	[smem:$0x7FF] =	sst s3;
	s6 =	sand.u32 $0x1, s6;
	s11 =	smul.u32 $0xA40, s1  }
0x8: {  	s13 =	sshll.u32 s1, $0x6;
	_ =	strace $0x80000047;
	s8 =	sshll.u32 s6, $0x7  }
0x9: {  	s28 =	ssub.s32 $0x2, s6;
	s31 =	smul.u32 $0x9E00, s6;
	s13 =	sor.u32 $0x1C01, s13  }
0xa: {  	s9 =	sadd.s32 s5, s4;
	s7 =	sor.u32 s8, s7;
	s10 =	sshrl.u32 s28, $0x1  }
0xb: {  	s29 =	sshrl.u32 s11, $0x2;
	s30 =	sshrl.u32 s5, $0x2;
	s11 =	simm.s32 $0x80  }
0xc: {  	s7 =	sshrl.u32 s7, $0x3;
	s8 =	ssub.s32 s28, s10;
	s5 =	sadd.s32 s29, s2  }
0xd: {  	s14 =	sadd.s32 s30, s2;
	s10 =	simm.s32 $0x5080;
	s7 =	sadd.s32 s7, s4  }
0xe: {  	s4 =	sadd.s32 $0x3400, s9;
	s9 =	simm.s32 $0x1;
	s14 =	sshrl.u32 s14, $0x3  }
0xf: {  	v0 =	vimm.f32 $1.000000000e+00;
	v1 =	vimm.f32 $0.0e+00;
	s6 =	sadd.s32 $0xD400, s7;
	s7 =	smax.u32 s8, $0x1;
	s8 =	sshrl.u32 s31, $0x2  }
.LBB2_1:
0x10: {  	[tilespmem:s3], [sflag:$0x1] =	stream.linear.gather [hbm4b:s4+s3], $0x4F00, $0x38;
	[tilespmem:$0x5610] =	vst v63  }
0x11: {  	_ =	swait.ge [sflag:s9], $0x4F00  }
0x12: {  	[sflag:s9] =	ssyncset.done $0x0  }
0x13: {  	[sflag:s9] =	ssyncadd.s32 $0xFFFFB100  }
0x14: {  	[tilespmem:$0x5000] =	vst v0  }
0x15: {  	[tilespmem:$0x5010] =	vst v0  }
0x16: {  	[tilespmem:$0x5020] =	vst v0  }
0x17: {  	[tilespmem:$0x5030] =	vst v0  }
0x18: {  	[tilespmem:$0x5040] =	vst v0  }
0x19: {  	[tilespmem:$0x5050] =	vst v0  }
0x1a: {  	[tilespmem:$0x5060] =	vst v0  }
0x1b: {  	[tilespmem:$0x5070] =	vst v0  }
0x1c: {  	[tilespmem:$0x5080] =	vst v1  }
0x1d: {  	[tilespmem:$0x5090] =	vst v1  }
0x1e: {  	[tilespmem:$0x50A0] =	vst v1  }
0x1f: {  	[tilespmem:$0x50B0] =	vst v1  }
0x20: {  	[tilespmem:$0x50C0] =	vst v1  }
0x21: {  	[tilespmem:$0x50D0] =	vst v1  }
0x22: {  	[tilespmem:$0x50E0] =	vst v1  }
0x23: {  	[tilespmem:$0x50F0] =	vst v1  }
0x24: {  	[tilespmem:$0x5100] =	vst v1  }
0x25: {  	[tilespmem:$0x5110] =	vst v1  }
0x26: {  	[tilespmem:$0x5120] =	vst v1  }
0x27: {  	[tilespmem:$0x5130] =	vst v1  }
0x28: {  	[tilespmem:$0x5140] =	vst v1  }
0x29: {  	[tilespmem:$0x5150] =	vst v1  }
0x2a: {  	[tilespmem:$0x5160] =	vst v1  }
0x2b: {  	[tilespmem:$0x5170] =	vst v1  }
0x2c: {  	[tilespmem:$0x5180] =	vst v1  }
0x2d: {  	[tilespmem:$0x5190] =	vst v1  }
0x2e: {  	[tilespmem:$0x51A0] =	vst v1  }
0x2f: {  	[tilespmem:$0x51B0] =	vst v1  }
0x30: {  	[tilespmem:$0x51C0] =	vst v1  }
0x31: {  	[tilespmem:$0x51D0] =	vst v1  }
0x32: {  	[tilespmem:$0x51E0] =	vst v1  }
0x33: {  	[tilespmem:$0x51F0] =	vst v1  }
0x34: {  	[tilespmem:$0x5200] =	vst v1  }
0x35: {  	[tilespmem:$0x5210] =	vst v1  }
0x36: {  	[tilespmem:$0x5220] =	vst v1  }
0x37: {  	[tilespmem:$0x5230] =	vst v1  }
0x38: {  	[tilespmem:$0x5240] =	vst v1  }
0x39: {  	[tilespmem:$0x5250] =	vst v1  }
0x3a: {  	[tilespmem:$0x5260] =	vst v1  }
0x3b: {  	[tilespmem:$0x5270] =	vst v1  }
0x3c: {  	[tilespmem:$0x5280] =	vst v1  }
0x3d: {  	[tilespmem:$0x5290] =	vst v1  }
0x3e: {  	[tilespmem:$0x52A0] =	vst v1  }
0x3f: {  	[tilespmem:$0x52B0] =	vst v1  }
0x40: {  	[tilespmem:$0x52C0] =	vst v1  }
0x41: {  	[tilespmem:$0x52D0] =	vst v1  }
0x42: {  	[tilespmem:$0x52E0] =	vst v1  }
0x43: {  	[tilespmem:$0x52F0] =	vst v1  }
0x44: {  	[tilespmem:$0x5300] =	vst v1  }
0x45: {  	[spmem:s5] =	stream.linear.scatter [tilespmem:s10], [sflag:$0x1], $0x290, $0x38;
	[tilespmem:$0x5610] =	vst v63  }
0x46: {  	_ =	swait.ge [sflag:s9], $0x290  }
0x47: {  	[sflag:s9] =	ssyncset.done $0x0  }
0x48: {  	[sflag:s9] =	ssyncadd.s32 $0xFFFFFD70  }
0x49: {  	s18 =	sadd.s32 $0x0, s8;
	[bflag:$0x0] =	sbarrier.arrive $0xFFFF  }
0x4a: {  	[spmem:s2] =	stream.indirect.scatter.add.f32 [tilespmem:s12], [sflag:$0x1], $0x1, s18, s11, $0xb8;
	[tilespmem:$0x5610] =	vst v63  }
0x4b: {  	s18 =	simm.s32 $0x200;
	_ =	swait.ge [sflag:s9], $0x80  }
.LBB2_2:
0x4c: {  	s19 =	sshra.s32 s18, $0x2;
	[sflag:s9] =	ssyncset.done $0x0;
	p0 =	sne.s32 s18, $0x9C00  }
.Ltmp0:
0x4d: {  	s19 =	sadd.s32 s19, s8;
	[sflag:s9] =	ssyncadd.s32 $0xFFFFFF80;
	(pc) =	sbr.rel @p0 .LBB2_2-.Ltmp0, $3  }
0x4e: {  	[spmem:s2] =	stream.indirect.scatter.add.f32 [tilespmem:s12], [sflag:$0x1], $0x1, s19, s11, $0xb8;
	[tilespmem:$0x5610] =	vst v63  }
0x4f: {  	s18 =	sadd.s32 $0x200, s18;
	_ =	sdelay $0x1  }
0x50: {  	_ =	swait.ge [sflag:s9], $0x80  }
0x51: {  	[sflag:s9] =	ssyncset.done $0x0;
	s17 =	sadd.s32 $0x1, s17  }
0x52: {  	[sflag:s9] =	ssyncadd.s32 $0xFFFFFF80;
	p0 =	sne.s32 s17, s7  }
.Ltmp1:
0x53: {  	[bflag:$0x0] =	sbarrier.arrive $0xFFFF;
	(pc) =	sbr.rel @p0 .LBB2_1-.Ltmp1, $4  }
0x54: {  	[hbm:s6@s15], [sflag:s13] =	dma.strided [spmem:s14@s16], $0x50, s9, $0x10   }
0x55: {  	_ =	swait.ge [sflag:s9], $0x50  }
0x56: {  	[sflag:s9] =	ssyncset.done $0x0  }
0x57: {  	[sflag:s9] =	ssyncadd.s32 $0xFFFFFFB0  }
0x58: {  	_ =	sfence.sel $0x180000  }
0x59: {  	[bflag:$0x0] =	sbarrier.arrive $0xFFFF  }
0x5a: {  	p0 =	sne.s32 s1, $0x0;
	_ =	strace $0x90000047  }
0x5b: {  	s0 =	sadd.s32 @!p0 $0x100000, s0;
	[bflag:$0x2] =	sbarrier.arrive $0xFFFF  }
0x5c: {  	[sflag:s0] =	ssyncadd.tile.s32 @!p0 $0x1;
	_ =	shalt  }
.Lfunc_end2:
_tile_overlayer_lowered:
.L_overlay_start_2:
0x5d: {  	(tag) =	ssettag $0x2  }
0x5e: {  	s0 =	rddreg [dreg:$0x0];
	s2 =	stileid.u32  }
0x5f: {  	s1 =	rddreg [dreg:$0x1];
	p0 =	sne.s32 s2, $0x0  }
0x60: {  	s3 =	rddreg [dreg:$0x2];
	[bflag:$0x3] =	sbarrier.arrive $0xFFFF;
	s2 =	simm.s32 @!p0 $0x1C01  }
0x61: {  	[timem:s3], [sflag:s2] =	dma.local @!p0 [hbm:s0], s1  }
0x62: {  	s0 =	simm.s32 @!p0 $0x1  }
0x63: {  	_ =	swait.ge @!p0 [sflag:s0], s1  }
0x64: {  	s1 =	ssub.s32 @!p0 $0x0, s1;
	[sflag:s0] =	ssyncset.done @!p0 $0x0  }
0x65: {  	[sflag:s0] =	ssyncadd.s32 @!p0 s1  }
0x66: {  	[bflag:$0x3] =	sbarrier.arrive $0xFFFF  }
0x67: {  	_ =	shalt  }

// kernel: kernel.13.cloned.1.call-start
scs
__scs_entry_jumppad:
0x0: {  	(pc) =	sbr.rel $0x88, $3  }
0x1: {  	(tag) =	ssettag $0x0;
	lr =	simm.s32 $0x1  }
0x2: {  	[smem:$0x3F90] =	sst lr;
	_ =	strace $0xD0000000  }
0x3: {  	_ = 	snop  }
0x4: {  	_ = 	snop  }
0x5: {  	_ = 	snop  }
0x6: {  	_ = 	snop  }
0x7: {  	_ = 	snop  }
__scs_overlays_trampoline_lowered:
0x8: {  	[smem:$0x3F9F] =	sst s0  }
0x9: {  	[smem:$0x3FA0] =	sst s1  }
0xa: {  	[smem:$0x3FA1] =	sst s2  }
0xb: {  	[smem:$0x3FA2] =	sst s3  }
0xc: {  	[smem:$0x3FA3] =	sst s4  }
0xd: {  	[smem:$0x3FA4] =	sst s5  }
0xe: {  	[smem:$0x3FA5] =	sst s6  }
0xf: {  	[smem:$0x3FA6] =	sst s7  }
0x10: {  	[smem:$0x3FA7] =	sst s8  }
0x11: {  	[smem:$0x3FA8] =	sst s9;
	s0 =	simm.s32 @!p0 $0x0  }
0x12: {  	s1 =	sld [smem:$0x3F8E];
	s0 =	simm.s32 @p0 $0x1  }
0x13: {  	[smem:$0x3FA9] =	sst s0;
	s0 =	simm.s32 @!p1 $0x0  }
0x14: {  	s2 =	sld [smem:$0x3F8D];
	s0 =	simm.s32 @p1 $0x1  }
0x15: {  	[smem:$0x3FAA] =	sst s0;
	s0 =	simm.s32 @!p2 $0x0  }
0x16: {  	s3 =	sld [smem:$0x3FDB];
	s0 =	simm.s32 @p2 $0x1  }
0x17: {  	s4 =	simm.s32 $0x1BF5;
	[smem:$0x3FAC] =	sst s0  }
0x18: {  	s0 =	sld [smem:$0x3F8F];
	_ =	swait.ge [sflag:s4], $0x0  }
0x19: {  	s7 =	sld [smem:$0x3F90]  }
0x1a: {  	s8 =	sadd.s32 $0xFFFFE003, lr  }
0x1b: {  	s9 =	sadd.s32 $0xFFFFFEF7, lr;
	s5 =	simm.s32 $0xFFFFFFFF;
	p2 =	slt.u32 s8, $0xFFFFF086  }
0x1c: {  	p1 =	slt.u32 s9, $0xF7A;
	s5 =	simm.s32 @!p2 $0x0  }
0x1d: {  	s5 =	simm.s32 @p1 $0x1;
	p0 =	seq.s32 s7, s2  }
0x1e: {  	s7 =	smul.u32 @!p0 $0xF7A, s2;
	p2 =	seq.s32 @!p0 s5, $0x0  }
0x1f: {  	s9 =	smul.u32 $0xF7A, s1;
	s8 =	simm.s32 @!p0 $0x1BF5;
	p2 =	por !p2, p0  }
0x20: {  	[sflag:s8] =	ssyncset.s32 @!p0 $0xFFFFF086;
	s6 =	sadd.s32 @!p0 s3, s7;
	s7 =	simm.s32 @!p0 $0x108  }
0x21: {  	s3 =	sadd.s32 s3, s9;
	s6 =	sadd.s32 @!p0 $0x88, s6;
	s7 =	simm.s32 @p2 $0x1082  }
0x22: {  	[simem:s7], [sflag:s8] =	dma.local @!p0 [hbm:s6], $0xF7A  }
0x23: {  	s9 =	sor.u32 $0xD0000000, s2;
	s6 =	simm.s32 $0x108;
	_ =	swait.ge @!p0 [sflag:s8], $0x0  }
0x24: {  	s3 =	sadd.s32 $0x88, s3;
	s6 =	simm.s32 @!p1 $0x1082;
	[sflag:s4] =	ssyncset.s32 $0xFFFFF086  }
0x25: {  	[simem:s6], [sflag:s4] =	dma.local [hbm:s3], $0xF7A  }
0x26: {  	[smem:$0x3F90] =	sst s1;
	(tag) =	ssettag s2;
	_ =	strace s9  }
0x27: {  	s1 =	sld [smem:$0x3FA0]  }
0x28: {  	s2 =	sld [smem:$0x3FA1]  }
0x29: {  	s4 =	sld [smem:$0x3FA3]  }
0x2a: {  	p0 =	seq.s32 s5, $0x0;
	s5 =	sld [smem:$0x3FA4]  }
0x2b: {  	s6 =	sld [smem:$0x3FA5]  }
0x2c: {  	s7 =	sld [smem:$0x3FA6]  }
0x2d: {  	s3 =	simm.s32 $0x108;
	s8 =	sld [smem:$0x3FA7]  }
0x2e: {  	s3 =	simm.s32 @!p0 $0x1082;
	s9 =	sld [smem:$0x3FA8]  }
0x2f: {  	lr =	sadd.s32 s0, s3;
	s0 =	sld [smem:$0x3F9F]  }
0x30: {  	s3 =	sld [smem:$0x3FA2]  }
0x31: {  	[smem:$0x3FAB] =	sst s10  }
0x32: {  	s10 =	sld [smem:$0x3FA9];
	_ =	sdelay $0x3  }
0x33: {  	p0 =	seq.s32 s10, $0x1;
	s10 =	sld [smem:$0x3FAB];
	_ =	sdelay $0x3  }
0x34: {  	[smem:$0x3FAB] =	sst s10  }
0x35: {  	s10 =	sld [smem:$0x3FAA];
	_ =	sdelay $0x3  }
0x36: {  	p1 =	seq.s32 s10, $0x1;
	s10 =	sld [smem:$0x3FAB];
	_ =	sdelay $0x3  }
0x37: {  	[smem:$0x3FAB] =	sst s10  }
0x38: {  	s10 =	sld [smem:$0x3FAC]  }
0x39: {  	_ = 	snop;
	(pc) =	sbr.ind lr, $3  }
0x3a: {  	_ = 	snop  }
0x3b: {  	_ = 	snop  }
0x3c: {  	p2 =	seq.s32 s10, $0x1;
	s10 =	sld [smem:$0x3FAB]  }
0x3d: {  	_ =	shalt  }
0x3e: {  	_ =	shalt  }
0x3f: {  	_ =	shalt  }
0x40: {  	_ =	shalt  }
0x41: {  	_ =	shalt  }
0x42: {  	_ =	shalt  }
0x43: {  	_ =	shalt  }
0x44: {  	_ =	shalt  }
0x45: {  	_ =	shalt  }
0x46: {  	_ =	shalt  }
0x47: {  	_ =	shalt  }
0x48: {  	_ =	shalt  }
0x49: {  	_ =	shalt  }
0x4a: {  	_ =	shalt  }
0x4b: {  	_ =	shalt  }
0x4c: {  	_ =	shalt  }
0x4d: {  	_ =	shalt  }
0x4e: {  	_ =	shalt  }
0x4f: {  	_ =	shalt  }
0x50: {  	_ =	shalt  }
0x51: {  	_ =	shalt  }
0x52: {  	_ =	shalt  }
0x53: {  	_ =	shalt  }
0x54: {  	_ =	shalt  }
0x55: {  	_ =	shalt  }
0x56: {  	_ =	shalt  }
0x57: {  	_ =	shalt  }
0x58: {  	_ =	shalt  }
0x59: {  	_ =	shalt  }
0x5a: {  	_ =	shalt  }
0x5b: {  	_ =	shalt  }
0x5c: {  	_ =	shalt  }
0x5d: {  	_ =	shalt  }
0x5e: {  	_ =	shalt  }
0x5f: {  	_ =	shalt  }
0x60: {  	_ =	shalt  }
0x61: {  	_ =	shalt  }
0x62: {  	_ =	shalt  }
0x63: {  	_ =	shalt  }
0x64: {  	_ =	shalt  }
0x65: {  	_ =	shalt  }
0x66: {  	_ =	shalt  }
0x67: {  	_ =	shalt  }
0x68: {  	_ =	shalt  }
0x69: {  	_ =	shalt  }
0x6a: {  	_ =	shalt  }
0x6b: {  	_ =	shalt  }
0x6c: {  	_ =	shalt  }
0x6d: {  	_ =	shalt  }
0x6e: {  	_ =	shalt  }
0x6f: {  	_ =	shalt  }
0x70: {  	_ =	shalt  }
0x71: {  	_ =	shalt  }
0x72: {  	_ =	shalt  }
0x73: {  	_ =	shalt  }
0x74: {  	_ =	shalt  }
0x75: {  	_ =	shalt  }
0x76: {  	_ =	shalt  }
0x77: {  	_ =	shalt  }
0x78: {  	_ =	shalt  }
0x79: {  	_ =	shalt  }
0x7a: {  	_ =	shalt  }
0x7b: {  	_ =	shalt  }
0x7c: {  	_ =	shalt  }
0x7d: {  	_ =	shalt  }
0x7e: {  	_ =	shalt  }
0x7f: {  	_ =	shalt  }
0x80: {  	_ =	shalt  }
0x81: {  	_ =	shalt  }
0x82: {  	_ =	shalt  }
0x83: {  	_ =	shalt  }
0x84: {  	_ =	shalt  }
0x85: {  	_ =	shalt  }
0x86: {  	_ =	shalt  }
0x87: {  	_ =	shalt  }
.Lfunc_end0:
.L_simem_size_0:
called_computation.1_lowered:
.L_overlay_start_0:
0x88: {  	s2 =	sld [smem:$0x3FD9]  }
0x89: {  	s3 =	sld [smem:$0x3FFE];
	_ =	sdelay $0x1  }
0x8a: {  	s1 =	srdreg.scid  }
0x8b: {  	s0 =	sand.u32 $0x1, s1  }
0x8c: {  	s16 =	sshll.u32 s0, $0xA;
	s2 =	sadd.s32 s3, s2  }
0x8d: {  	s2 =	sadd.s32 s2, s16  }
0x8e: {  	[smem:$0x3FB7] =	sst s2  }
0x8f: {  	_ = 	snop  }
0x90: {  	(tm) =	ssettm $0x1  }
0x91: {  	s17 =	sld [smem:$0x3FFB];
	_ =	sdelay $0x3  }
0x92: {  	_ =	strace s17  }
0x93: {  	s2 =	sld [smem:$0x3FFC];
	_ =	sdelay $0x3  }
0x94: {  	_ =	strace s2  }
0x95: {  	s2 =	sld [smem:$0x3FFD];
	_ =	sdelay $0x3  }
0x96: {  	_ =	strace s2  }
0x97: {  	_ =	strace $0x8FFFFFFF  }
0x98: {  	s18 =	sld [smem:$0x3FDB];
	_ =	sdelay $0x1  }
0x99: {  	s19 =	simm.s32 $_scs_section_size  }
0x9a: {  	s4 =	simm.s32 $_size__tile_overlayer_lowered;
	s5 =	simm.s32 $_tile_overlayer_lowered  }
0x9b: {  	s22 =	simm.s32 $0x1BFF;
	s21 =	sshll.u32 s5, $0x1;
	s2 =	sadd.s32 s19, s18  }
0x9c: {  	s6 =	simm.s32 $0x0;
	s20 =	sshll.u32 s4, $0x1;
	s4 =	sadd.s32 s21, s2  }
0x9d: {  	[timem:s6], [sflag:s22] =	dma.local [hbm:s4], s20  }
0x9e: {  	_ =	swait.ge [sflag:s22], s20  }
0x9f: {  	s3 =	ssub.s32 $0x0, s20;
	[sflag:s22] =	ssyncset.done $0x0  }
0xa0: {  	[sflag:s22] =	ssyncadd.s32 s3;
	_ =	sdelay $0x1  }
0xa1: {  	s23 =	simm.s32 $0x1B8B  }
0xa2: {  	_ =	swait.ge [sflag:s23], $0x1  }
0xa3: {  	[sflag:s23] =	ssyncset.done $0x0  }
0xa4: {  	s25 =	simm.s32 $0x1B8E;
	s24 =	sld [smem:$0x3FFE];
	[sflag:s23] =	ssyncadd.s32 $0xFFFFFFFF  }
0xa5: {  	s26 =	simm.s32 $execute0_lowered;
	[smem:$0x3FD2] =	sst s25  }
0xa6: {  	s4 =	sshll.u32 s26, $0x1;
	_ =	strace $0x80000049;
	[dreg:$0x1] =	wrdreg $0xFFFFFFFF  }
0xa7: {  	s28 =	simm.s32 $_size_execute0_lowered;
	s2 =	sadd.s32 s2, s4;
	[dreg:$0x0] =	wrdreg $0x0  }
0xa8: {  	s4 =	sshll.u32 s28, $0x1;
	[dreg:$0x2] =	wrdreg s2  }
0xa9: {  	[dreg:$0x3] =	wrdreg s4  }
0xaa: {  	[dreg:$0x4] =	wrdreg $0xC0  }
0xab: {  	_ =	task [dreg:s6], $0x5FFFF  }
0xac: {  	[dreg:$0x1] =	wrdreg $0xFFFFFFFF  }
0xad: {  	[dreg:$0x0] =	wrdreg $0x60  }
0xae: {  	[dreg:$0x2] =	wrdreg s24  }
0xaf: {  	[dreg:$0x3] =	wrdreg $0xFE000  }
0xb0: {  	[dreg:$0x4] =	wrdreg $0x9  }
0xb1: {  	_ =	task.clear_ibuf [dreg:s6], $0x5FFFF;
	_ =	strace $0x90000049  }
0xb2: {  	s29 =	simm.s32 $0x9;
	_ =	strace $0x8000004B  }
0xb3: {  	_ =	swait.ge [sflag:s29], $0x1  }
0xb4: {  	[sflag:s29] =	ssyncadd.s32 $0xFFFFFFFF  }
0xb5: {  	_ =	strace $0x9000004B  }
0xb6: {  	_ =	sfence  }
0xb7: {  	s30 =	sld [smem:$0x0];
	_ =	sdelay $0x2  }
0xb8: {  	s31 =	sshll.u32 s1, $0xD;
	s1 =	sshrl.u32 s1, $0x2  }
0xb9: {  	s3 =	sand.u32 $0x4000, s31;
	s1 =	sadd.s32 s1, s30  }
0xba: {  	s0 =	sor.u32 s3, s0;
	s1 =	sshll.u32 s1, $0x11  }
0xbb: {  	s0 =	sor.u32 s1, s0  }
0xbc: {  	s0 =	sadd.s32 $0x8F2B, s0  }
0xbd: {  	[sflag:s0] =	ssyncadd.remote.s32 $0x1  }
0xbe: {  	_ =	sfence.sel $0xFFFF  }
0xbf: {  	[dreg:$0x0] =	wrdreg $0xFFFFFFFF;
	(pc) =	sbr.abs _section_cstart, $3  }
0xc0: {  	[dreg:$0x1] =	wrdreg $0xFFFFFFFF  }
0xc1: {  	_ =	task.clear_ibuf [dreg:s6], $0x2FFFF;
	_ =	strace $0x9FFFFFFF  }
0xc2: {  	(tm) =	ssettm $0x7FFFFFFF  }
0xc3: {  	_ =	shalt  }
tec
execute0_lowered:
.L_overlay_start_1:
0x0: {  	(tag) =	ssettag $0x1  }
0x1: {  	s4 =	rddreg [dreg:$0x0];
	s0 =	srdreg.scid  }
0x2: {  	s2 =	rddreg [dreg:$0x1];
	s30 =	stileid.u32;
	s3 =	simm.s32 $0x0  }
0x3: {  	s16 =	simm.s32 $0x4F00;
	s17 =	simm.s32 $0xDE00;
	s18 =	simm.s32 $0x80  }
0x4: {  	s19 =	simm.s32 $0x9E00;
	s20 =	simm.s32 $0xBE00;
	s21 =	simm.s32 $0x1  }
0x5: {  	s22 =	simm.s32 $0x2;
	s23 =	simm.s32 $0x4E80;
	s7 =	smul.u32 $0x9E0, s30  }
0x6: {  	s24 =	simm.s32 $0x9D00;
	s26 =	simm.s32 $0x9D80;
	s14 =	smul.u32 $0xA000, s30  }
0x7: {  	s28 =	simm.s32 $0x0;
	s5 =	sand.u32 $0x1, s0;
	s31 =	smul.u32 $0x28100, s30  }
0x8: {  	[smem:$0x7FF] =	sst s3;
	s6 =	smul.u32 $0xA0000, s5;
	s5 =	ssub.s32 $0x2, s5  }
0x9: {  	_ =	strace $0x8000004A;
	s7 =	sadd.s32 s7, s4;
	s9 =	sshrl.u32 s5, $0x1  }
0xa: {  	s25 =	sadd.s32 s14, s2;
	s8 =	sshrl.u32 s6, $0x3;
	s6 =	sadd.s32 s14, s6  }
0xb: {  	s15 =	ssub.s32 s5, s9;
	s5 =	sadd.s32 $0x17C00, s7;
	s25 =	sshrl.u32 s25, $0x3  }
0xc: {  	s12 =	sadd.s32 s8, s4;
	s6 =	sshrl.u32 s6, $0x3;
	s8 =	sshrl.u32 s31, $0x2  }
0xd: {  	s14 =	smax.u32 s15, $0x1;
	s15 =	simm.s32 $0x3;
	s13 =	sadd.s32 s6, s4  }
0xe: {  	s4 =	sadd.s32 s8, s2;
	s6 =	sadd.s32 $0xDE00, s7;
	s12 =	sadd.s32 $0x71A00, s12  }
0xf: {  	s7 =	sadd.s32 $0x2000, s4;
	s8 =	sadd.s32 $0x4000, s4;
	s9 =	sadd.s32 $0x6000, s4  }
0x10: {  	v0 =	vimm.f32 $0.0e+00;
	s10 =	sadd.s32 $0x8000, s4;
	s11 =	sadd.s32 $0xA000, s4;
	s13 =	sadd.s32 $0x99A00, s13  }
.LBB2_1:
0x11: {  	[tilespmem:s3], [sflag:$0x3] =	stream.linear.gather [hbm4b:s5+s3], $0x4F00, $0x38;
	[tilespmem:$0x19E40] =	vst v63  }
0x12: {  	_ =	swait.ge [sflag:s15], $0x4F00  }
0x13: {  	[sflag:s15] =	ssyncset.done $0x0  }
0x14: {  	[sflag:s15] =	ssyncadd.s32 $0xFFFFB100  }
0x15: {  	[tilespmem:s16], [sflag:$0x3] =	stream.linear.gather [hbm4b:s6+s3], $0x4F00, $0x38;
	[tilespmem:$0x19E40] =	vst v63  }
0x16: {  	_ =	swait.ge [sflag:s15], $0x4F00  }
0x17: {  	[sflag:s15] =	ssyncset.done $0x0  }
0x18: {  	s30 =	simm.s32 $0x100;
	s29 =	simm.s32 $0x0;
	[sflag:s15] =	ssyncadd.s32 $0xFFFFB100  }
.LBB2_2:
0x19: {  	p0 =	sne.s32 s30, $0x7F00;
	[tilespmem:s29+$0xDE30] =	vst v0;
	s31 =	smov.u32 s30;
	s30 =	sadd.s32 $0x100, s30  }
.Ltmp0:
0x1a: {  	[tilespmem:s29+$0xDE20] =	vst v0;
	(pc) =	sbr.rel @p0 .LBB2_2-.Ltmp0, $3  }
0x1b: {  	[tilespmem:s29+$0xDE00] =	vst v0  }
0x1c: {  	[tilespmem:s29+$0xDE10] =	vst v0;
	_ =	sdelay $0x1  }
0x1d: {  	s29 =	sshra.s32 s31, $0x2  }
0x1e: {  	[tilespmem:s29+$0xDE30] =	vst v0  }
0x1f: {  	[tilespmem:s29+$0xDE20] =	vst v0  }
0x20: {  	[tilespmem:s29+$0xDE00] =	vst v0  }
0x21: {  	[tilespmem:s29+$0xDE10] =	vst v0  }
0x22: {  	[spmem:s4] =	stream.linear.scatter [tilespmem:s17], [sflag:$0x3], $0x2000, $0x38;
	[tilespmem:$0x19E40] =	vst v63  }
0x23: {  	_ =	swait.ge [sflag:s15], $0x2000  }
0x24: {  	[sflag:s15] =	ssyncset.done $0x0  }
0x25: {  	[sflag:s15] =	ssyncadd.s32 $0xFFFFE000  }
0x26: {  	[spmem:s7] =	stream.linear.scatter [tilespmem:s17], [sflag:$0x3], $0x2000, $0x38;
	[tilespmem:$0x19E40] =	vst v63  }
0x27: {  	_ =	swait.ge [sflag:s15], $0x2000  }
0x28: {  	[sflag:s15] =	ssyncset.done $0x0  }
0x29: {  	[sflag:s15] =	ssyncadd.s32 $0xFFFFE000  }
0x2a: {  	[spmem:s8] =	stream.linear.scatter [tilespmem:s17], [sflag:$0x3], $0x2000, $0x38;
	[tilespmem:$0x19E40] =	vst v63  }
0x2b: {  	_ =	swait.ge [sflag:s15], $0x2000  }
0x2c: {  	[sflag:s15] =	ssyncset.done $0x0  }
0x2d: {  	[sflag:s15] =	ssyncadd.s32 $0xFFFFE000  }
0x2e: {  	[spmem:s9] =	stream.linear.scatter [tilespmem:s17], [sflag:$0x3], $0x2000, $0x38;
	[tilespmem:$0x19E40] =	vst v63  }
0x2f: {  	_ =	swait.ge [sflag:s15], $0x2000  }
0x30: {  	[sflag:s15] =	ssyncset.done $0x0  }
0x31: {  	[sflag:s15] =	ssyncadd.s32 $0xFFFFE000  }
0x32: {  	[spmem:s10] =	stream.linear.scatter [tilespmem:s17], [sflag:$0x3], $0x2000, $0x38;
	[tilespmem:$0x19E40] =	vst v63  }
0x33: {  	_ =	swait.ge [sflag:s15], $0x2000  }
0x34: {  	[sflag:s15] =	ssyncset.done $0x0  }
0x35: {  	[sflag:s15] =	ssyncadd.s32 $0xFFFFE000  }
0x36: {  	[spmem:s11] =	stream.linear.scatter [tilespmem:s17], [sflag:$0x3], $0x40, $0x38;
	[tilespmem:$0x19E40] =	vst v63  }
0x37: {  	_ =	swait.ge [sflag:s15], $0x40  }
0x38: {  	[sflag:s15] =	ssyncset.done $0x0  }
0x39: {  	[sflag:s15] =	ssyncadd.s32 $0xFFFFFFC0  }
0x3a: {  	s29 =	simm.s32 $0x0;
	[bflag:$0x0] =	sbarrier.arrive $0xFFFF  }
0x3b: {  	[tilespmem:s19], [sflag:$0x1] =	stream.indirect.gather [hbm4b:s12+s18], $0x40, s29, s18, $0xb8;
	[tilespmem:$0x19E40] =	vst v63  }
0x3c: {  	s29 =	simm.s32 $0x80  }
0x3d: {  	[tilespmem:s20], [sflag:$0x2] =	stream.indirect.gather [hbm4b:s12+s18], $0x40, s29, s18, $0xb8;
	[tilespmem:$0x19E40] =	vst v63  }
0x3e: {  	_ =	swait.ge [sflag:s21], $0x2000  }
0x3f: {  	[sflag:s21] =	ssyncset.done $0x0  }
0x40: {  	s29 =	simm.s32 $0x4F00;
	[sflag:s21] =	ssyncadd.s32 $0xFFFFE000  }
0x41: {  	[spmem:s2] =	stream.indirect.scatter.add.f32 [tilespmem:s19], [sflag:$0x3], $0x40, s29, s18, $0xb8;
	[tilespmem:$0x19E40] =	vst v63  }
0x42: {  	_ =	swait.ge [sflag:s15], $0x2000  }
0x43: {  	[sflag:s15] =	ssyncset.done $0x0  }
0x44: {  	s29 =	simm.s32 $0x100;
	[sflag:s15] =	ssyncadd.s32 $0xFFFFE000  }
0x45: {  	[tilespmem:s19], [sflag:$0x1] =	stream.indirect.gather [hbm4b:s12+s18], $0x40, s29, s18, $0xb8;
	[tilespmem:$0x19E40] =	vst v63  }
0x46: {  	_ =	swait.ge [sflag:s22], $0x2000  }
0x47: {  	[sflag:s22] =	ssyncset.done $0x0  }
0x48: {  	s29 =	simm.s32 $0x4F80;
	[sflag:s22] =	ssyncadd.s32 $0xFFFFE000  }
0x49: {  	[spmem:s2] =	stream.indirect.scatter.add.f32 [tilespmem:s20], [sflag:$0x3], $0x40, s29, s18, $0xb8;
	[tilespmem:$0x19E40] =	vst v63  }
0x4a: {  	_ =	swait.ge [sflag:s15], $0x2000  }
0x4b: {  	s30 =	simm.s32 $0x800;
	s29 =	simm.s32 $0x100;
	[sflag:s15] =	ssyncset.done $0x0  }
.LBB2_4:
0x4c: {  	s31 =	sadd.s32 $0x80, s29  }
0x4d: {  	[sflag:s15] =	ssyncadd.s32 $0xFFFFE000;
	s0 =	smov.u32 s30;
	s1 =	sadd.s32 $0x400, s30  }
0x4e: {  	[tilespmem:s20], [sflag:$0x2] =	stream.indirect.gather [hbm4b:s12+s18], $0x40, s31, s18, $0xb8;
	[tilespmem:$0x19E40] =	vst v63  }
0x4f: {  	p0 =	sne.s32 s30, $0x13400;
	_ =	swait.ge [sflag:s21], $0x2000  }
0x50: {  	[sflag:s21] =	ssyncset.done $0x0  }
0x51: {  	s30 =	sadd.s32 $0x4F00, s29;
	[sflag:s21] =	ssyncadd.s32 $0xFFFFE000  }
0x52: {  	[spmem:s2] =	stream.indirect.scatter.add.f32 [tilespmem:s19], [sflag:$0x3], $0x40, s30, s18, $0xb8;
	[tilespmem:$0x19E40] =	vst v63  }
0x53: {  	_ =	swait.ge [sflag:s15], $0x2000  }
0x54: {  	[sflag:s15] =	ssyncset.done $0x0  }
0x55: {  	s30 =	sadd.s32 $0x100, s29;
	[sflag:s15] =	ssyncadd.s32 $0xFFFFE000  }
0x56: {  	[tilespmem:s19], [sflag:$0x1] =	stream.indirect.gather [hbm4b:s12+s18], $0x40, s30, s18, $0xb8;
	[tilespmem:$0x19E40] =	vst v63  }
0x57: {  	_ =	swait.ge [sflag:s22], $0x2000  }
.Ltmp1:
0x58: {  	[sflag:s22] =	ssyncset.done $0x0;
	(pc) =	sbr.rel @p0 .LBB2_4-.Ltmp1, $4  }
0x59: {  	s29 =	sadd.s32 $0x4F80, s29;
	[sflag:s22] =	ssyncadd.s32 $0xFFFFE000  }
0x5a: {  	[spmem:s2] =	stream.indirect.scatter.add.f32 [tilespmem:s20], [sflag:$0x3], $0x40, s29, s18, $0xb8;
	[tilespmem:$0x19E40] =	vst v63  }
0x5b: {  	_ =	swait.ge [sflag:s15], $0x2000  }
0x5c: {  	s30 =	smov.u32 s1;
	s29 =	sshra.s32 s0, $0x2;
	[sflag:s15] =	ssyncset.done $0x0  }
0x5d: {  	s0 =	sadd.s32 $0x80, s29;
	[sflag:s15] =	ssyncadd.s32 $0xFFFFE000  }
0x5e: {  	[tilespmem:s20], [sflag:$0x2] =	stream.indirect.gather [hbm4b:s12+s18], $0x40, s0, s18, $0xb8;
	[tilespmem:$0x19E40] =	vst v63  }
0x5f: {  	_ =	swait.ge [sflag:s21], $0x2000  }
0x60: {  	[sflag:s21] =	ssyncset.done $0x0  }
0x61: {  	s31 =	sadd.s32 $0x4F00, s29;
	[sflag:s21] =	ssyncadd.s32 $0xFFFFE000  }
0x62: {  	[spmem:s2] =	stream.indirect.scatter.add.f32 [tilespmem:s19], [sflag:$0x3], $0x40, s31, s18, $0xb8;
	[tilespmem:$0x19E40] =	vst v63  }
0x63: {  	_ =	swait.ge [sflag:s15], $0x2000  }
0x64: {  	[sflag:s15] =	ssyncset.done $0x0  }
0x65: {  	s1 =	sadd.s32 $0x100, s29;
	[sflag:s15] =	ssyncadd.s32 $0xFFFFE000  }
0x66: {  	[tilespmem:s19], [sflag:$0x1] =	stream.indirect.gather [hbm4b:s12+s18], $0x40, s1, s18, $0xb8;
	[tilespmem:$0x19E40] =	vst v63  }
0x67: {  	_ =	swait.ge [sflag:s22], $0x2000  }
0x68: {  	[sflag:s22] =	ssyncset.done $0x0  }
0x69: {  	s30 =	sadd.s32 $0x4F80, s29;
	[sflag:s22] =	ssyncadd.s32 $0xFFFFE000  }
0x6a: {  	[spmem:s2] =	stream.indirect.scatter.add.f32 [tilespmem:s20], [sflag:$0x3], $0x40, s30, s18, $0xb8;
	[tilespmem:$0x19E40] =	vst v63  }
0x6b: {  	_ =	swait.ge [sflag:s15], $0x2000  }
0x6c: {  	[sflag:s15] =	ssyncset.done $0x0  }
0x6d: {  	[sflag:s15] =	ssyncadd.s32 $0xFFFFE000  }
0x6e: {  	[tilespmem:s20], [sflag:$0x2] =	stream.indirect.gather [hbm4b:s12+s18], $0x40, s23, s18, $0xb8;
	[tilespmem:$0x19E40] =	vst v63  }
0x6f: {  	_ =	swait.ge [sflag:s21], $0x2000  }
0x70: {  	[sflag:s21] =	ssyncset.done $0x0  }
0x71: {  	[sflag:s21] =	ssyncadd.s32 $0xFFFFE000  }
0x72: {  	[spmem:s2] =	stream.indirect.scatter.add.f32 [tilespmem:s19], [sflag:$0x3], $0x40, s24, s18, $0xb8;
	[tilespmem:$0x19E40] =	vst v63  }
0x73: {  	_ =	swait.ge [sflag:s15], $0x2000  }
0x74: {  	[sflag:s15] =	ssyncset.done $0x0  }
0x75: {  	[sflag:s15] =	ssyncadd.s32 $0xFFFFE000  }
0x76: {  	_ =	swait.ge [sflag:s22], $0x2000  }
0x77: {  	[sflag:s22] =	ssyncset.done $0x0  }
0x78: {  	[sflag:s22] =	ssyncadd.s32 $0xFFFFE000  }
0x79: {  	[spmem:s2] =	stream.indirect.scatter.add.f32 [tilespmem:s20], [sflag:$0x3], $0x40, s26, s18, $0xb8;
	[tilespmem:$0x19E40] =	vst v63  }
0x7a: {  	_ =	swait.ge [sflag:s15], $0x2000  }
0x7b: {  	s28 =	sadd.s32 $0x1, s28;
	s31 =	stileid.u32;
	[sflag:s15] =	ssyncset.done $0x0  }
0x7c: {  	p0 =	sne.s32 s28, s14;
	s0 =	sshll.u32 s31, $0x6;
	[sflag:s15] =	ssyncadd.s32 $0xFFFFE000  }
.Ltmp2:
0x7d: {  	s0 =	sor.u32 $0x1C03, s0;
	[bflag:$0x0] =	sbarrier.arrive $0xFFFF;
	(pc) =	sbr.rel @p0 .LBB2_1-.Ltmp2, $4  }
0x7e: {  	[hbm:s13], [sflag:s0] =	dma.local [spmem:s25], $0x1400  }
0x7f: {  	_ =	swait.ge [sflag:s15], $0x1400  }
0x80: {  	[sflag:s15] =	ssyncset.done $0x0  }
0x81: {  	[sflag:s15] =	ssyncadd.s32 $0xFFFFEC00  }
0x82: {  	_ =	sfence.sel $0x180000  }
0x83: {  	[bflag:$0x0] =	sbarrier.arrive $0xFFFF  }
0x84: {  	_ =	strace $0x9000004A  }
0x85: {  	s0 =	stileid.u32;
	[bflag:$0x2] =	sbarrier.arrive $0xFFFF  }
0x86: {  	p0 =	sne.s32 s0, $0x0;
	s0 =	rddreg [dreg:$0x2]  }
0x87: {  	s0 =	sadd.s32 @!p0 $0x100000, s0  }
0x88: {  	[sflag:s0] =	ssyncadd.tile.s32 @!p0 $0x1;
	_ =	shalt  }
.Lfunc_end2:
_tile_overlayer_lowered:
.L_overlay_start_2:
0x89: {  	(tag) =	ssettag $0x2  }
0x8a: {  	s0 =	rddreg [dreg:$0x0];
	s2 =	stileid.u32  }
0x8b: {  	s1 =	rddreg [dreg:$0x1];
	p0 =	sne.s32 s2, $0x0  }
0x8c: {  	s3 =	rddreg [dreg:$0x2];
	[bflag:$0x3] =	sbarrier.arrive $0xFFFF;
	s2 =	simm.s32 @!p0 $0x1C03  }
0x8d: {  	[timem:s3], [sflag:s2] =	dma.local @!p0 [hbm:s0], s1  }
0x8e: {  	s0 =	simm.s32 @!p0 $0x3  }
0x8f: {  	_ =	swait.ge @!p0 [sflag:s0], s1  }
0x90: {  	s1 =	ssub.s32 @!p0 $0x0, s1;
	[sflag:s0] =	ssyncset.done @!p0 $0x0  }
0x91: {  	[sflag:s0] =	ssyncadd.s32 @!p0 s1  }
0x92: {  	[bflag:$0x3] =	sbarrier.arrive $0xFFFF  }
0x93: {  	_ =	shalt  }

// kernel: kernel.16.cloned.1.call-start
scs
__scs_entry_jumppad:
0x0: {  	(pc) =	sbr.rel $0x88, $3  }
0x1: {  	(tag) =	ssettag $0x0;
	lr =	simm.s32 $0x1  }
0x2: {  	[smem:$0x3F90] =	sst lr;
	_ =	strace $0xD0000000  }
0x3: {  	_ = 	snop  }
0x4: {  	_ = 	snop  }
0x5: {  	_ = 	snop  }
0x6: {  	_ = 	snop  }
0x7: {  	_ = 	snop  }
__scs_overlays_trampoline_lowered:
0x8: {  	[smem:$0x3F9F] =	sst s0  }
0x9: {  	[smem:$0x3FA0] =	sst s1  }
0xa: {  	[smem:$0x3FA1] =	sst s2  }
0xb: {  	[smem:$0x3FA2] =	sst s3  }
0xc: {  	[smem:$0x3FA3] =	sst s4  }
0xd: {  	[smem:$0x3FA4] =	sst s5  }
0xe: {  	[smem:$0x3FA5] =	sst s6  }
0xf: {  	[smem:$0x3FA6] =	sst s7  }
0x10: {  	[smem:$0x3FA7] =	sst s8  }
0x11: {  	[smem:$0x3FA8] =	sst s9;
	s0 =	simm.s32 @!p0 $0x0  }
0x12: {  	s1 =	sld [smem:$0x3F8E];
	s0 =	simm.s32 @p0 $0x1  }
0x13: {  	[smem:$0x3FA9] =	sst s0;
	s0 =	simm.s32 @!p1 $0x0  }
0x14: {  	s2 =	sld [smem:$0x3F8D];
	s0 =	simm.s32 @p1 $0x1  }
0x15: {  	[smem:$0x3FAA] =	sst s0;
	s0 =	simm.s32 @!p2 $0x0  }
0x16: {  	s3 =	sld [smem:$0x3FDB];
	s0 =	simm.s32 @p2 $0x1  }
0x17: {  	s4 =	simm.s32 $0x1BF5;
	[smem:$0x3FAC] =	sst s0  }
0x18: {  	s0 =	sld [smem:$0x3F8F];
	_ =	swait.ge [sflag:s4], $0x0  }
0x19: {  	s7 =	sld [smem:$0x3F90]  }
0x1a: {  	s8 =	sadd.s32 $0xFFFFE003, lr  }
0x1b: {  	s9 =	sadd.s32 $0xFFFFFEF7, lr;
	s5 =	simm.s32 $0xFFFFFFFF;
	p2 =	slt.u32 s8, $0xFFFFF086  }
0x1c: {  	p1 =	slt.u32 s9, $0xF7A;
	s5 =	simm.s32 @!p2 $0x0  }
0x1d: {  	s5 =	simm.s32 @p1 $0x1;
	p0 =	seq.s32 s7, s2  }
0x1e: {  	s7 =	smul.u32 @!p0 $0xF7A, s2;
	p2 =	seq.s32 @!p0 s5, $0x0  }
0x1f: {  	s9 =	smul.u32 $0xF7A, s1;
	s8 =	simm.s32 @!p0 $0x1BF5;
	p2 =	por !p2, p0  }
0x20: {  	[sflag:s8] =	ssyncset.s32 @!p0 $0xFFFFF086;
	s6 =	sadd.s32 @!p0 s3, s7;
	s7 =	simm.s32 @!p0 $0x108  }
0x21: {  	s3 =	sadd.s32 s3, s9;
	s6 =	sadd.s32 @!p0 $0x88, s6;
	s7 =	simm.s32 @p2 $0x1082  }
0x22: {  	[simem:s7], [sflag:s8] =	dma.local @!p0 [hbm:s6], $0xF7A  }
0x23: {  	s9 =	sor.u32 $0xD0000000, s2;
	s6 =	simm.s32 $0x108;
	_ =	swait.ge @!p0 [sflag:s8], $0x0  }
0x24: {  	s3 =	sadd.s32 $0x88, s3;
	s6 =	simm.s32 @!p1 $0x1082;
	[sflag:s4] =	ssyncset.s32 $0xFFFFF086  }
0x25: {  	[simem:s6], [sflag:s4] =	dma.local [hbm:s3], $0xF7A  }
0x26: {  	[smem:$0x3F90] =	sst s1;
	(tag) =	ssettag s2;
	_ =	strace s9  }
0x27: {  	s1 =	sld [smem:$0x3FA0]  }
0x28: {  	s2 =	sld [smem:$0x3FA1]  }
0x29: {  	s4 =	sld [smem:$0x3FA3]  }
0x2a: {  	p0 =	seq.s32 s5, $0x0;
	s5 =	sld [smem:$0x3FA4]  }
0x2b: {  	s6 =	sld [smem:$0x3FA5]  }
0x2c: {  	s7 =	sld [smem:$0x3FA6]  }
0x2d: {  	s3 =	simm.s32 $0x108;
	s8 =	sld [smem:$0x3FA7]  }
0x2e: {  	s3 =	simm.s32 @!p0 $0x1082;
	s9 =	sld [smem:$0x3FA8]  }
0x2f: {  	lr =	sadd.s32 s0, s3;
	s0 =	sld [smem:$0x3F9F]  }
0x30: {  	s3 =	sld [smem:$0x3FA2]  }
0x31: {  	[smem:$0x3FAB] =	sst s10  }
0x32: {  	s10 =	sld [smem:$0x3FA9];
	_ =	sdelay $0x3  }
0x33: {  	p0 =	seq.s32 s10, $0x1;
	s10 =	sld [smem:$0x3FAB];
	_ =	sdelay $0x3  }
0x34: {  	[smem:$0x3FAB] =	sst s10  }
0x35: {  	s10 =	sld [smem:$0x3FAA];
	_ =	sdelay $0x3  }
0x36: {  	p1 =	seq.s32 s10, $0x1;
	s10 =	sld [smem:$0x3FAB];
	_ =	sdelay $0x3  }
0x37: {  	[smem:$0x3FAB] =	sst s10  }
0x38: {  	s10 =	sld [smem:$0x3FAC]  }
0x39: {  	_ = 	snop;
	(pc) =	sbr.ind lr, $3  }
0x3a: {  	_ = 	snop  }
0x3b: {  	_ = 	snop  }
0x3c: {  	p2 =	seq.s32 s10, $0x1;
	s10 =	sld [smem:$0x3FAB]  }
0x3d: {  	_ =	shalt  }
0x3e: {  	_ =	shalt  }
0x3f: {  	_ =	shalt  }
0x40: {  	_ =	shalt  }
0x41: {  	_ =	shalt  }
0x42: {  	_ =	shalt  }
0x43: {  	_ =	shalt  }
0x44: {  	_ =	shalt  }
0x45: {  	_ =	shalt  }
0x46: {  	_ =	shalt  }
0x47: {  	_ =	shalt  }
0x48: {  	_ =	shalt  }
0x49: {  	_ =	shalt  }
0x4a: {  	_ =	shalt  }
0x4b: {  	_ =	shalt  }
0x4c: {  	_ =	shalt  }
0x4d: {  	_ =	shalt  }
0x4e: {  	_ =	shalt  }
0x4f: {  	_ =	shalt  }
0x50: {  	_ =	shalt  }
0x51: {  	_ =	shalt  }
0x52: {  	_ =	shalt  }
0x53: {  	_ =	shalt  }
0x54: {  	_ =	shalt  }
0x55: {  	_ =	shalt  }
0x56: {  	_ =	shalt  }
0x57: {  	_ =	shalt  }
0x58: {  	_ =	shalt  }
0x59: {  	_ =	shalt  }
0x5a: {  	_ =	shalt  }
0x5b: {  	_ =	shalt  }
0x5c: {  	_ =	shalt  }
0x5d: {  	_ =	shalt  }
0x5e: {  	_ =	shalt  }
0x5f: {  	_ =	shalt  }
0x60: {  	_ =	shalt  }
0x61: {  	_ =	shalt  }
0x62: {  	_ =	shalt  }
0x63: {  	_ =	shalt  }
0x64: {  	_ =	shalt  }
0x65: {  	_ =	shalt  }
0x66: {  	_ =	shalt  }
0x67: {  	_ =	shalt  }
0x68: {  	_ =	shalt  }
0x69: {  	_ =	shalt  }
0x6a: {  	_ =	shalt  }
0x6b: {  	_ =	shalt  }
0x6c: {  	_ =	shalt  }
0x6d: {  	_ =	shalt  }
0x6e: {  	_ =	shalt  }
0x6f: {  	_ =	shalt  }
0x70: {  	_ =	shalt  }
0x71: {  	_ =	shalt  }
0x72: {  	_ =	shalt  }
0x73: {  	_ =	shalt  }
0x74: {  	_ =	shalt  }
0x75: {  	_ =	shalt  }
0x76: {  	_ =	shalt  }
0x77: {  	_ =	shalt  }
0x78: {  	_ =	shalt  }
0x79: {  	_ =	shalt  }
0x7a: {  	_ =	shalt  }
0x7b: {  	_ =	shalt  }
0x7c: {  	_ =	shalt  }
0x7d: {  	_ =	shalt  }
0x7e: {  	_ =	shalt  }
0x7f: {  	_ =	shalt  }
0x80: {  	_ =	shalt  }
0x81: {  	_ =	shalt  }
0x82: {  	_ =	shalt  }
0x83: {  	_ =	shalt  }
0x84: {  	_ =	shalt  }
0x85: {  	_ =	shalt  }
0x86: {  	_ =	shalt  }
0x87: {  	_ =	shalt  }
.Lfunc_end0:
.L_simem_size_0:
called_computation.2_lowered:
.L_overlay_start_0:
0x88: {  	s2 =	sld [smem:$0x3FD9]  }
0x89: {  	s3 =	sld [smem:$0x3FFE];
	_ =	sdelay $0x1  }
0x8a: {  	s1 =	srdreg.scid  }
0x8b: {  	s0 =	sand.u32 $0x1, s1  }
0x8c: {  	s16 =	sshll.u32 s0, $0xA;
	s2 =	sadd.s32 s3, s2  }
0x8d: {  	s2 =	sadd.s32 s2, s16  }
0x8e: {  	[smem:$0x3FB7] =	sst s2  }
0x8f: {  	_ = 	snop  }
0x90: {  	(tm) =	ssettm $0x1  }
0x91: {  	s17 =	sld [smem:$0x3FFB];
	_ =	sdelay $0x3  }
0x92: {  	_ =	strace s17  }
0x93: {  	s2 =	sld [smem:$0x3FFC];
	_ =	sdelay $0x3  }
0x94: {  	_ =	strace s2  }
0x95: {  	s2 =	sld [smem:$0x3FFD];
	_ =	sdelay $0x3  }
0x96: {  	_ =	strace s2  }
0x97: {  	_ =	strace $0x8FFFFFFF  }
0x98: {  	s18 =	sld [smem:$0x3FDB];
	_ =	sdelay $0x1  }
0x99: {  	s19 =	simm.s32 $_scs_section_size  }
0x9a: {  	s4 =	simm.s32 $_size__tile_overlayer_lowered;
	s5 =	simm.s32 $_tile_overlayer_lowered  }
0x9b: {  	s22 =	simm.s32 $0x1BFF;
	s21 =	sshll.u32 s5, $0x1;
	s2 =	sadd.s32 s19, s18  }
0x9c: {  	s6 =	simm.s32 $0x0;
	s20 =	sshll.u32 s4, $0x1;
	s4 =	sadd.s32 s21, s2  }
0x9d: {  	[timem:s6], [sflag:s22] =	dma.local [hbm:s4], s20  }
0x9e: {  	_ =	swait.ge [sflag:s22], s20  }
0x9f: {  	s3 =	ssub.s32 $0x0, s20;
	[sflag:s22] =	ssyncset.done $0x0  }
0xa0: {  	[sflag:s22] =	ssyncadd.s32 s3;
	_ =	sdelay $0x1  }
0xa1: {  	s23 =	simm.s32 $0x1B8B  }
0xa2: {  	_ =	swait.ge [sflag:s23], $0x1  }
0xa3: {  	[sflag:s23] =	ssyncset.done $0x0  }
0xa4: {  	s25 =	simm.s32 $0x1B8E;
	s24 =	sld [smem:$0x3FFE];
	[sflag:s23] =	ssyncadd.s32 $0xFFFFFFFF  }
0xa5: {  	s26 =	simm.s32 $execute0_lowered;
	[smem:$0x3FD2] =	sst s25  }
0xa6: {  	s4 =	sshll.u32 s26, $0x1;
	_ =	strace $0x8000004C;
	[dreg:$0x1] =	wrdreg $0xFFFFFFFF  }
0xa7: {  	s28 =	simm.s32 $_size_execute0_lowered;
	s2 =	sadd.s32 s2, s4;
	[dreg:$0x0] =	wrdreg $0x0  }
0xa8: {  	s4 =	sshll.u32 s28, $0x1;
	[dreg:$0x2] =	wrdreg s2  }
0xa9: {  	[dreg:$0x3] =	wrdreg s4  }
0xaa: {  	[dreg:$0x4] =	wrdreg $0xC0  }
0xab: {  	_ =	task [dreg:s6], $0x5FFFF  }
0xac: {  	[dreg:$0x1] =	wrdreg $0xFFFFFFFF  }
0xad: {  	[dreg:$0x0] =	wrdreg $0x60  }
0xae: {  	[dreg:$0x2] =	wrdreg s24  }
0xaf: {  	[dreg:$0x3] =	wrdreg $0xFE000  }
0xb0: {  	[dreg:$0x4] =	wrdreg $0x9  }
0xb1: {  	_ =	task.clear_ibuf [dreg:s6], $0x5FFFF;
	_ =	strace $0x9000004C  }
0xb2: {  	s29 =	simm.s32 $0x9;
	_ =	strace $0x8000004E  }
0xb3: {  	_ =	swait.ge [sflag:s29], $0x1  }
0xb4: {  	[sflag:s29] =	ssyncadd.s32 $0xFFFFFFFF  }
0xb5: {  	_ =	strace $0x9000004E  }
0xb6: {  	_ =	sfence  }
0xb7: {  	s30 =	sld [smem:$0x0];
	_ =	sdelay $0x2  }
0xb8: {  	s31 =	sshll.u32 s1, $0xD;
	s1 =	sshrl.u32 s1, $0x2  }
0xb9: {  	s3 =	sand.u32 $0x4000, s31;
	s1 =	sadd.s32 s1, s30  }
0xba: {  	s0 =	sor.u32 s3, s0;
	s1 =	sshll.u32 s1, $0x11  }
0xbb: {  	s0 =	sor.u32 s1, s0  }
0xbc: {  	s0 =	sadd.s32 $0x8F2B, s0  }
0xbd: {  	[sflag:s0] =	ssyncadd.remote.s32 $0x1  }
0xbe: {  	_ =	sfence.sel $0xFFFF  }
0xbf: {  	[dreg:$0x0] =	wrdreg $0xFFFFFFFF;
	(pc) =	sbr.abs _section_cstart, $3  }
0xc0: {  	[dreg:$0x1] =	wrdreg $0xFFFFFFFF  }
0xc1: {  	_ =	task.clear_ibuf [dreg:s6], $0x2FFFF;
	_ =	strace $0x9FFFFFFF  }
0xc2: {  	(tm) =	ssettm $0x7FFFFFFF  }
0xc3: {  	_ =	shalt  }
tec
execute0_lowered:
.L_overlay_start_1:
0x0: {  	(tag) =	ssettag $0x1  }
0x1: {  	s4 =	rddreg [dreg:$0x0];
	s0 =	srdreg.scid  }
0x2: {  	s2 =	rddreg [dreg:$0x1];
	s30 =	stileid.u32;
	s3 =	simm.s32 $0x0  }
0x3: {  	s16 =	simm.s32 $0x4F00;
	s17 =	simm.s32 $0xDE00;
	s18 =	simm.s32 $0x80  }
0x4: {  	s19 =	simm.s32 $0x9E00;
	s20 =	simm.s32 $0xBE00;
	s21 =	simm.s32 $0x1  }
0x5: {  	s22 =	simm.s32 $0x2;
	s23 =	simm.s32 $0x4E80;
	s7 =	smul.u32 $0x9E0, s30  }
0x6: {  	s24 =	simm.s32 $0x9D00;
	s26 =	simm.s32 $0x9D80;
	s14 =	smul.u32 $0xA000, s30  }
0x7: {  	s28 =	simm.s32 $0x0;
	s5 =	sand.u32 $0x1, s0;
	s31 =	smul.u32 $0x28100, s30  }
0x8: {  	[smem:$0x7FF] =	sst s3;
	s6 =	smul.u32 $0xA0000, s5;
	s5 =	ssub.s32 $0x2, s5  }
0x9: {  	_ =	strace $0x8000004D;
	s7 =	sadd.s32 s7, s4;
	s9 =	sshrl.u32 s5, $0x1  }
0xa: {  	s25 =	sadd.s32 s14, s2;
	s8 =	sshrl.u32 s6, $0x3;
	s6 =	sadd.s32 s14, s6  }
0xb: {  	s15 =	ssub.s32 s5, s9;
	s5 =	sadd.s32 $0x17C00, s7;
	s25 =	sshrl.u32 s25, $0x3  }
0xc: {  	s12 =	sadd.s32 s8, s4;
	s6 =	sshrl.u32 s6, $0x3;
	s8 =	sshrl.u32 s31, $0x2  }
0xd: {  	s14 =	smax.u32 s15, $0x1;
	s15 =	simm.s32 $0x3;
	s13 =	sadd.s32 s6, s4  }
0xe: {  	s4 =	sadd.s32 s8, s2;
	s6 =	sadd.s32 $0xDE00, s7;
	s12 =	sadd.s32 $0x71A00, s12  }
0xf: {  	s7 =	sadd.s32 $0x2000, s4;
	s8 =	sadd.s32 $0x4000, s4;
	s9 =	sadd.s32 $0x6000, s4  }
0x10: {  	v0 =	vimm.f32 $0.0e+00;
	s10 =	sadd.s32 $0x8000, s4;
	s11 =	sadd.s32 $0xA000, s4;
	s13 =	sadd.s32 $0x99A00, s13  }
.LBB2_1:
0x11: {  	[tilespmem:s3], [sflag:$0x3] =	stream.linear.gather [hbm4b:s5+s3], $0x4F00, $0x38;
	[tilespmem:$0x19E40] =	vst v63  }
0x12: {  	_ =	swait.ge [sflag:s15], $0x4F00  }
0x13: {  	[sflag:s15] =	ssyncset.done $0x0  }
0x14: {  	[sflag:s15] =	ssyncadd.s32 $0xFFFFB100  }
0x15: {  	[tilespmem:s16], [sflag:$0x3] =	stream.linear.gather [hbm4b:s6+s3], $0x4F00, $0x38;
	[tilespmem:$0x19E40] =	vst v63  }
0x16: {  	_ =	swait.ge [sflag:s15], $0x4F00  }
0x17: {  	[sflag:s15] =	ssyncset.done $0x0  }
0x18: {  	s30 =	simm.s32 $0x100;
	s29 =	simm.s32 $0x0;
	[sflag:s15] =	ssyncadd.s32 $0xFFFFB100  }
.LBB2_2:
0x19: {  	p0 =	sne.s32 s30, $0x7F00;
	[tilespmem:s29+$0xDE30] =	vst v0;
	s31 =	smov.u32 s30;
	s30 =	sadd.s32 $0x100, s30  }
.Ltmp0:
0x1a: {  	[tilespmem:s29+$0xDE20] =	vst v0;
	(pc) =	sbr.rel @p0 .LBB2_2-.Ltmp0, $3  }
0x1b: {  	[tilespmem:s29+$0xDE00] =	vst v0  }
0x1c: {  	[tilespmem:s29+$0xDE10] =	vst v0;
	_ =	sdelay $0x1  }
0x1d: {  	s29 =	sshra.s32 s31, $0x2  }
0x1e: {  	[tilespmem:s29+$0xDE30] =	vst v0  }
0x1f: {  	[tilespmem:s29+$0xDE20] =	vst v0  }
0x20: {  	[tilespmem:s29+$0xDE00] =	vst v0  }
0x21: {  	[tilespmem:s29+$0xDE10] =	vst v0  }
0x22: {  	[spmem:s4] =	stream.linear.scatter [tilespmem:s17], [sflag:$0x3], $0x2000, $0x38;
	[tilespmem:$0x19E40] =	vst v63  }
0x23: {  	_ =	swait.ge [sflag:s15], $0x2000  }
0x24: {  	[sflag:s15] =	ssyncset.done $0x0  }
0x25: {  	[sflag:s15] =	ssyncadd.s32 $0xFFFFE000  }
0x26: {  	[spmem:s7] =	stream.linear.scatter [tilespmem:s17], [sflag:$0x3], $0x2000, $0x38;
	[tilespmem:$0x19E40] =	vst v63  }
0x27: {  	_ =	swait.ge [sflag:s15], $0x2000  }
0x28: {  	[sflag:s15] =	ssyncset.done $0x0  }
0x29: {  	[sflag:s15] =	ssyncadd.s32 $0xFFFFE000  }
0x2a: {  	[spmem:s8] =	stream.linear.scatter [tilespmem:s17], [sflag:$0x3], $0x2000, $0x38;
	[tilespmem:$0x19E40] =	vst v63  }
0x2b: {  	_ =	swait.ge [sflag:s15], $0x2000  }
0x2c: {  	[sflag:s15] =	ssyncset.done $0x0  }
0x2d: {  	[sflag:s15] =	ssyncadd.s32 $0xFFFFE000  }
0x2e: {  	[spmem:s9] =	stream.linear.scatter [tilespmem:s17], [sflag:$0x3], $0x2000, $0x38;
	[tilespmem:$0x19E40] =	vst v63  }
0x2f: {  	_ =	swait.ge [sflag:s15], $0x2000  }
0x30: {  	[sflag:s15] =	ssyncset.done $0x0  }
0x31: {  	[sflag:s15] =	ssyncadd.s32 $0xFFFFE000  }
0x32: {  	[spmem:s10] =	stream.linear.scatter [tilespmem:s17], [sflag:$0x3], $0x2000, $0x38;
	[tilespmem:$0x19E40] =	vst v63  }
0x33: {  	_ =	swait.ge [sflag:s15], $0x2000  }
0x34: {  	[sflag:s15] =	ssyncset.done $0x0  }
0x35: {  	[sflag:s15] =	ssyncadd.s32 $0xFFFFE000  }
0x36: {  	[spmem:s11] =	stream.linear.scatter [tilespmem:s17], [sflag:$0x3], $0x40, $0x38;
	[tilespmem:$0x19E40] =	vst v63  }
0x37: {  	_ =	swait.ge [sflag:s15], $0x40  }
0x38: {  	[sflag:s15] =	ssyncset.done $0x0  }
0x39: {  	[sflag:s15] =	ssyncadd.s32 $0xFFFFFFC0  }
0x3a: {  	s29 =	simm.s32 $0x0;
	[bflag:$0x0] =	sbarrier.arrive $0xFFFF  }
0x3b: {  	[tilespmem:s19], [sflag:$0x1] =	stream.indirect.gather [hbm4b:s12+s18], $0x40, s29, s18, $0xb8;
	[tilespmem:$0x19E40] =	vst v63  }
0x3c: {  	s29 =	simm.s32 $0x80  }
0x3d: {  	[tilespmem:s20], [sflag:$0x2] =	stream.indirect.gather [hbm4b:s12+s18], $0x40, s29, s18, $0xb8;
	[tilespmem:$0x19E40] =	vst v63  }
0x3e: {  	_ =	swait.ge [sflag:s21], $0x2000  }
0x3f: {  	[sflag:s21] =	ssyncset.done $0x0  }
0x40: {  	s29 =	simm.s32 $0x4F00;
	[sflag:s21] =	ssyncadd.s32 $0xFFFFE000  }
0x41: {  	[spmem:s2] =	stream.indirect.scatter.add.f32 [tilespmem:s19], [sflag:$0x3], $0x40, s29, s18, $0xb8;
	[tilespmem:$0x19E40] =	vst v63  }
0x42: {  	_ =	swait.ge [sflag:s15], $0x2000  }
0x43: {  	[sflag:s15] =	ssyncset.done $0x0  }
0x44: {  	s29 =	simm.s32 $0x100;
	[sflag:s15] =	ssyncadd.s32 $0xFFFFE000  }
0x45: {  	[tilespmem:s19], [sflag:$0x1] =	stream.indirect.gather [hbm4b:s12+s18], $0x40, s29, s18, $0xb8;
	[tilespmem:$0x19E40] =	vst v63  }
0x46: {  	_ =	swait.ge [sflag:s22], $0x2000  }
0x47: {  	[sflag:s22] =	ssyncset.done $0x0  }
0x48: {  	s29 =	simm.s32 $0x4F80;
	[sflag:s22] =	ssyncadd.s32 $0xFFFFE000  }
0x49: {  	[spmem:s2] =	stream.indirect.scatter.add.f32 [tilespmem:s20], [sflag:$0x3], $0x40, s29, s18, $0xb8;
	[tilespmem:$0x19E40] =	vst v63  }
0x4a: {  	_ =	swait.ge [sflag:s15], $0x2000  }
0x4b: {  	s30 =	simm.s32 $0x800;
	s29 =	simm.s32 $0x100;
	[sflag:s15] =	ssyncset.done $0x0  }
.LBB2_4:
0x4c: {  	s31 =	sadd.s32 $0x80, s29  }
0x4d: {  	[sflag:s15] =	ssyncadd.s32 $0xFFFFE000;
	s0 =	smov.u32 s30;
	s1 =	sadd.s32 $0x400, s30  }
0x4e: {  	[tilespmem:s20], [sflag:$0x2] =	stream.indirect.gather [hbm4b:s12+s18], $0x40, s31, s18, $0xb8;
	[tilespmem:$0x19E40] =	vst v63  }
0x4f: {  	p0 =	sne.s32 s30, $0x13400;
	_ =	swait.ge [sflag:s21], $0x2000  }
0x50: {  	[sflag:s21] =	ssyncset.done $0x0  }
0x51: {  	s30 =	sadd.s32 $0x4F00, s29;
	[sflag:s21] =	ssyncadd.s32 $0xFFFFE000  }
0x52: {  	[spmem:s2] =	stream.indirect.scatter.add.f32 [tilespmem:s19], [sflag:$0x3], $0x40, s30, s18, $0xb8;
	[tilespmem:$0x19E40] =	vst v63  }
0x53: {  	_ =	swait.ge [sflag:s15], $0x2000  }
0x54: {  	[sflag:s15] =	ssyncset.done $0x0  }
0x55: {  	s30 =	sadd.s32 $0x100, s29;
	[sflag:s15] =	ssyncadd.s32 $0xFFFFE000  }
0x56: {  	[tilespmem:s19], [sflag:$0x1] =	stream.indirect.gather [hbm4b:s12+s18], $0x40, s30, s18, $0xb8;
	[tilespmem:$0x19E40] =	vst v63  }
0x57: {  	_ =	swait.ge [sflag:s22], $0x2000  }
.Ltmp1:
0x58: {  	[sflag:s22] =	ssyncset.done $0x0;
	(pc) =	sbr.rel @p0 .LBB2_4-.Ltmp1, $4  }
0x59: {  	s29 =	sadd.s32 $0x4F80, s29;
	[sflag:s22] =	ssyncadd.s32 $0xFFFFE000  }
0x5a: {  	[spmem:s2] =	stream.indirect.scatter.add.f32 [tilespmem:s20], [sflag:$0x3], $0x40, s29, s18, $0xb8;
	[tilespmem:$0x19E40] =	vst v63  }
0x5b: {  	_ =	swait.ge [sflag:s15], $0x2000  }
0x5c: {  	s30 =	smov.u32 s1;
	s29 =	sshra.s32 s0, $0x2;
	[sflag:s15] =	ssyncset.done $0x0  }
0x5d: {  	s0 =	sadd.s32 $0x80, s29;
	[sflag:s15] =	ssyncadd.s32 $0xFFFFE000  }
0x5e: {  	[tilespmem:s20], [sflag:$0x2] =	stream.indirect.gather [hbm4b:s12+s18], $0x40, s0, s18, $0xb8;
	[tilespmem:$0x19E40] =	vst v63  }
0x5f: {  	_ =	swait.ge [sflag:s21], $0x2000  }
0x60: {  	[sflag:s21] =	ssyncset.done $0x0  }
0x61: {  	s31 =	sadd.s32 $0x4F00, s29;
	[sflag:s21] =	ssyncadd.s32 $0xFFFFE000  }
0x62: {  	[spmem:s2] =	stream.indirect.scatter.add.f32 [tilespmem:s19], [sflag:$0x3], $0x40, s31, s18, $0xb8;
	[tilespmem:$0x19E40] =	vst v63  }
0x63: {  	_ =	swait.ge [sflag:s15], $0x2000  }
0x64: {  	[sflag:s15] =	ssyncset.done $0x0  }
0x65: {  	s1 =	sadd.s32 $0x100, s29;
	[sflag:s15] =	ssyncadd.s32 $0xFFFFE000  }
0x66: {  	[tilespmem:s19], [sflag:$0x1] =	stream.indirect.gather [hbm4b:s12+s18], $0x40, s1, s18, $0xb8;
	[tilespmem:$0x19E40] =	vst v63  }
0x67: {  	_ =	swait.ge [sflag:s22], $0x2000  }
0x68: {  	[sflag:s22] =	ssyncset.done $0x0  }
0x69: {  	s30 =	sadd.s32 $0x4F80, s29;
	[sflag:s22] =	ssyncadd.s32 $0xFFFFE000  }
0x6a: {  	[spmem:s2] =	stream.indirect.scatter.add.f32 [tilespmem:s20], [sflag:$0x3], $0x40, s30, s18, $0xb8;
	[tilespmem:$0x19E40] =	vst v63  }
0x6b: {  	_ =	swait.ge [sflag:s15], $0x2000  }
0x6c: {  	[sflag:s15] =	ssyncset.done $0x0  }
0x6d: {  	[sflag:s15] =	ssyncadd.s32 $0xFFFFE000  }
0x6e: {  	[tilespmem:s20], [sflag:$0x2] =	stream.indirect.gather [hbm4b:s12+s18], $0x40, s23, s18, $0xb8;
	[tilespmem:$0x19E40] =	vst v63  }
0x6f: {  	_ =	swait.ge [sflag:s21], $0x2000  }
0x70: {  	[sflag:s21] =	ssyncset.done $0x0  }
0x71: {  	[sflag:s21] =	ssyncadd.s32 $0xFFFFE000  }
0x72: {  	[spmem:s2] =	stream.indirect.scatter.add.f32 [tilespmem:s19], [sflag:$0x3], $0x40, s24, s18, $0xb8;
	[tilespmem:$0x19E40] =	vst v63  }
0x73: {  	_ =	swait.ge [sflag:s15], $0x2000  }
0x74: {  	[sflag:s15] =	ssyncset.done $0x0  }
0x75: {  	[sflag:s15] =	ssyncadd.s32 $0xFFFFE000  }
0x76: {  	_ =	swait.ge [sflag:s22], $0x2000  }
0x77: {  	[sflag:s22] =	ssyncset.done $0x0  }
0x78: {  	[sflag:s22] =	ssyncadd.s32 $0xFFFFE000  }
0x79: {  	[spmem:s2] =	stream.indirect.scatter.add.f32 [tilespmem:s20], [sflag:$0x3], $0x40, s26, s18, $0xb8;
	[tilespmem:$0x19E40] =	vst v63  }
0x7a: {  	_ =	swait.ge [sflag:s15], $0x2000  }
0x7b: {  	s28 =	sadd.s32 $0x1, s28;
	s31 =	stileid.u32;
	[sflag:s15] =	ssyncset.done $0x0  }
0x7c: {  	p0 =	sne.s32 s28, s14;
	s0 =	sshll.u32 s31, $0x6;
	[sflag:s15] =	ssyncadd.s32 $0xFFFFE000  }
.Ltmp2:
0x7d: {  	s0 =	sor.u32 $0x1C03, s0;
	[bflag:$0x0] =	sbarrier.arrive $0xFFFF;
	(pc) =	sbr.rel @p0 .LBB2_1-.Ltmp2, $4  }
0x7e: {  	[hbm:s13], [sflag:s0] =	dma.local [spmem:s25], $0x1400  }
0x7f: {  	_ =	swait.ge [sflag:s15], $0x1400  }
0x80: {  	[sflag:s15] =	ssyncset.done $0x0  }
0x81: {  	[sflag:s15] =	ssyncadd.s32 $0xFFFFEC00  }
0x82: {  	_ =	sfence.sel $0x180000  }
0x83: {  	[bflag:$0x0] =	sbarrier.arrive $0xFFFF  }
0x84: {  	_ =	strace $0x9000004D  }
0x85: {  	s0 =	stileid.u32;
	[bflag:$0x2] =	sbarrier.arrive $0xFFFF  }
0x86: {  	p0 =	sne.s32 s0, $0x0;
	s0 =	rddreg [dreg:$0x2]  }
0x87: {  	s0 =	sadd.s32 @!p0 $0x100000, s0  }
0x88: {  	[sflag:s0] =	ssyncadd.tile.s32 @!p0 $0x1;
	_ =	shalt  }
.Lfunc_end2:
_tile_overlayer_lowered:
.L_overlay_start_2:
0x89: {  	(tag) =	ssettag $0x2  }
0x8a: {  	s0 =	rddreg [dreg:$0x0];
	s2 =	stileid.u32  }
0x8b: {  	s1 =	rddreg [dreg:$0x1];
	p0 =	sne.s32 s2, $0x0  }
0x8c: {  	s3 =	rddreg [dreg:$0x2];
	[bflag:$0x3] =	sbarrier.arrive $0xFFFF;
	s2 =	simm.s32 @!p0 $0x1C03  }
0x8d: {  	[timem:s3], [sflag:s2] =	dma.local @!p0 [hbm:s0], s1  }
0x8e: {  	s0 =	simm.s32 @!p0 $0x3  }
0x8f: {  	_ =	swait.ge @!p0 [sflag:s0], s1  }
0x90: {  	s1 =	ssub.s32 @!p0 $0x0, s1;
	[sflag:s0] =	ssyncset.done @!p0 $0x0  }
0x91: {  	[sflag:s0] =	ssyncadd.s32 @!p0 s1  }
0x92: {  	[bflag:$0x3] =	sbarrier.arrive $0xFFFF  }
0x93: {  	_ =	shalt  }

// kernel: kernel.19.cloned.1.call-start
scs
__scs_entry_jumppad:
0x0: {  	(pc) =	sbr.rel $0x88, $3  }
0x1: {  	(tag) =	ssettag $0x0;
	lr =	simm.s32 $0x1  }
0x2: {  	[smem:$0x3F90] =	sst lr;
	_ =	strace $0xD0000000  }
0x3: {  	_ = 	snop  }
0x4: {  	_ = 	snop  }
0x5: {  	_ = 	snop  }
0x6: {  	_ = 	snop  }
0x7: {  	_ = 	snop  }
__scs_overlays_trampoline_lowered:
0x8: {  	[smem:$0x3F9F] =	sst s0  }
0x9: {  	[smem:$0x3FA0] =	sst s1  }
0xa: {  	[smem:$0x3FA1] =	sst s2  }
0xb: {  	[smem:$0x3FA2] =	sst s3  }
0xc: {  	[smem:$0x3FA3] =	sst s4  }
0xd: {  	[smem:$0x3FA4] =	sst s5  }
0xe: {  	[smem:$0x3FA5] =	sst s6  }
0xf: {  	[smem:$0x3FA6] =	sst s7  }
0x10: {  	[smem:$0x3FA7] =	sst s8  }
0x11: {  	[smem:$0x3FA8] =	sst s9;
	s0 =	simm.s32 @!p0 $0x0  }
0x12: {  	s1 =	sld [smem:$0x3F8E];
	s0 =	simm.s32 @p0 $0x1  }
0x13: {  	[smem:$0x3FA9] =	sst s0;
	s0 =	simm.s32 @!p1 $0x0  }
0x14: {  	s2 =	sld [smem:$0x3F8D];
	s0 =	simm.s32 @p1 $0x1  }
0x15: {  	[smem:$0x3FAA] =	sst s0;
	s0 =	simm.s32 @!p2 $0x0  }
0x16: {  	s3 =	sld [smem:$0x3FDB];
	s0 =	simm.s32 @p2 $0x1  }
0x17: {  	s4 =	simm.s32 $0x1BF5;
	[smem:$0x3FAC] =	sst s0  }
0x18: {  	s0 =	sld [smem:$0x3F8F];
	_ =	swait.ge [sflag:s4], $0x0  }
0x19: {  	s7 =	sld [smem:$0x3F90]  }
0x1a: {  	s8 =	sadd.s32 $0xFFFFE003, lr  }
0x1b: {  	s9 =	sadd.s32 $0xFFFFFEF7, lr;
	s5 =	simm.s32 $0xFFFFFFFF;
	p2 =	slt.u32 s8, $0xFFFFF086  }
0x1c: {  	p1 =	slt.u32 s9, $0xF7A;
	s5 =	simm.s32 @!p2 $0x0  }
0x1d: {  	s5 =	simm.s32 @p1 $0x1;
	p0 =	seq.s32 s7, s2  }
0x1e: {  	s7 =	smul.u32 @!p0 $0xF7A, s2;
	p2 =	seq.s32 @!p0 s5, $0x0  }
0x1f: {  	s9 =	smul.u32 $0xF7A, s1;
	s8 =	simm.s32 @!p0 $0x1BF5;
	p2 =	por !p2, p0  }
0x20: {  	[sflag:s8] =	ssyncset.s32 @!p0 $0xFFFFF086;
	s6 =	sadd.s32 @!p0 s3, s7;
	s7 =	simm.s32 @!p0 $0x108  }
0x21: {  	s3 =	sadd.s32 s3, s9;
	s6 =	sadd.s32 @!p0 $0x88, s6;
	s7 =	simm.s32 @p2 $0x1082  }
0x22: {  	[simem:s7], [sflag:s8] =	dma.local @!p0 [hbm:s6], $0xF7A  }
0x23: {  	s9 =	sor.u32 $0xD0000000, s2;
	s6 =	simm.s32 $0x108;
	_ =	swait.ge @!p0 [sflag:s8], $0x0  }
0x24: {  	s3 =	sadd.s32 $0x88, s3;
	s6 =	simm.s32 @!p1 $0x1082;
	[sflag:s4] =	ssyncset.s32 $0xFFFFF086  }
0x25: {  	[simem:s6], [sflag:s4] =	dma.local [hbm:s3], $0xF7A  }
0x26: {  	[smem:$0x3F90] =	sst s1;
	(tag) =	ssettag s2;
	_ =	strace s9  }
0x27: {  	s1 =	sld [smem:$0x3FA0]  }
0x28: {  	s2 =	sld [smem:$0x3FA1]  }
0x29: {  	s4 =	sld [smem:$0x3FA3]  }
0x2a: {  	p0 =	seq.s32 s5, $0x0;
	s5 =	sld [smem:$0x3FA4]  }
0x2b: {  	s6 =	sld [smem:$0x3FA5]  }
0x2c: {  	s7 =	sld [smem:$0x3FA6]  }
0x2d: {  	s3 =	simm.s32 $0x108;
	s8 =	sld [smem:$0x3FA7]  }
0x2e: {  	s3 =	simm.s32 @!p0 $0x1082;
	s9 =	sld [smem:$0x3FA8]  }
0x2f: {  	lr =	sadd.s32 s0, s3;
	s0 =	sld [smem:$0x3F9F]  }
0x30: {  	s3 =	sld [smem:$0x3FA2]  }
0x31: {  	[smem:$0x3FAB] =	sst s10  }
0x32: {  	s10 =	sld [smem:$0x3FA9];
	_ =	sdelay $0x3  }
0x33: {  	p0 =	seq.s32 s10, $0x1;
	s10 =	sld [smem:$0x3FAB];
	_ =	sdelay $0x3  }
0x34: {  	[smem:$0x3FAB] =	sst s10  }
0x35: {  	s10 =	sld [smem:$0x3FAA];
	_ =	sdelay $0x3  }
0x36: {  	p1 =	seq.s32 s10, $0x1;
	s10 =	sld [smem:$0x3FAB];
	_ =	sdelay $0x3  }
0x37: {  	[smem:$0x3FAB] =	sst s10  }
0x38: {  	s10 =	sld [smem:$0x3FAC]  }
0x39: {  	_ = 	snop;
	(pc) =	sbr.ind lr, $3  }
0x3a: {  	_ = 	snop  }
0x3b: {  	_ = 	snop  }
0x3c: {  	p2 =	seq.s32 s10, $0x1;
	s10 =	sld [smem:$0x3FAB]  }
0x3d: {  	_ =	shalt  }
0x3e: {  	_ =	shalt  }
0x3f: {  	_ =	shalt  }
0x40: {  	_ =	shalt  }
0x41: {  	_ =	shalt  }
0x42: {  	_ =	shalt  }
0x43: {  	_ =	shalt  }
0x44: {  	_ =	shalt  }
0x45: {  	_ =	shalt  }
0x46: {  	_ =	shalt  }
0x47: {  	_ =	shalt  }
0x48: {  	_ =	shalt  }
0x49: {  	_ =	shalt  }
0x4a: {  	_ =	shalt  }
0x4b: {  	_ =	shalt  }
0x4c: {  	_ =	shalt  }
0x4d: {  	_ =	shalt  }
0x4e: {  	_ =	shalt  }
0x4f: {  	_ =	shalt  }
0x50: {  	_ =	shalt  }
0x51: {  	_ =	shalt  }
0x52: {  	_ =	shalt  }
0x53: {  	_ =	shalt  }
0x54: {  	_ =	shalt  }
0x55: {  	_ =	shalt  }
0x56: {  	_ =	shalt  }
0x57: {  	_ =	shalt  }
0x58: {  	_ =	shalt  }
0x59: {  	_ =	shalt  }
0x5a: {  	_ =	shalt  }
0x5b: {  	_ =	shalt  }
0x5c: {  	_ =	shalt  }
0x5d: {  	_ =	shalt  }
0x5e: {  	_ =	shalt  }
0x5f: {  	_ =	shalt  }
0x60: {  	_ =	shalt  }
0x61: {  	_ =	shalt  }
0x62: {  	_ =	shalt  }
0x63: {  	_ =	shalt  }
0x64: {  	_ =	shalt  }
0x65: {  	_ =	shalt  }
0x66: {  	_ =	shalt  }
0x67: {  	_ =	shalt  }
0x68: {  	_ =	shalt  }
0x69: {  	_ =	shalt  }
0x6a: {  	_ =	shalt  }
0x6b: {  	_ =	shalt  }
0x6c: {  	_ =	shalt  }
0x6d: {  	_ =	shalt  }
0x6e: {  	_ =	shalt  }
0x6f: {  	_ =	shalt  }
0x70: {  	_ =	shalt  }
0x71: {  	_ =	shalt  }
0x72: {  	_ =	shalt  }
0x73: {  	_ =	shalt  }
0x74: {  	_ =	shalt  }
0x75: {  	_ =	shalt  }
0x76: {  	_ =	shalt  }
0x77: {  	_ =	shalt  }
0x78: {  	_ =	shalt  }
0x79: {  	_ =	shalt  }
0x7a: {  	_ =	shalt  }
0x7b: {  	_ =	shalt  }
0x7c: {  	_ =	shalt  }
0x7d: {  	_ =	shalt  }
0x7e: {  	_ =	shalt  }
0x7f: {  	_ =	shalt  }
0x80: {  	_ =	shalt  }
0x81: {  	_ =	shalt  }
0x82: {  	_ =	shalt  }
0x83: {  	_ =	shalt  }
0x84: {  	_ =	shalt  }
0x85: {  	_ =	shalt  }
0x86: {  	_ =	shalt  }
0x87: {  	_ =	shalt  }
.Lfunc_end0:
.L_simem_size_0:
called_computation.3_lowered:
.L_overlay_start_0:
0x88: {  	s2 =	sld [smem:$0x3FD9]  }
0x89: {  	s3 =	sld [smem:$0x3FFE];
	_ =	sdelay $0x1  }
0x8a: {  	s1 =	srdreg.scid  }
0x8b: {  	s0 =	sand.u32 $0x1, s1  }
0x8c: {  	s16 =	sshll.u32 s0, $0xA;
	s2 =	sadd.s32 s3, s2  }
0x8d: {  	s2 =	sadd.s32 s2, s16  }
0x8e: {  	[smem:$0x3FB7] =	sst s2  }
0x8f: {  	_ = 	snop  }
0x90: {  	(tm) =	ssettm $0x1  }
0x91: {  	s17 =	sld [smem:$0x3FFB];
	_ =	sdelay $0x3  }
0x92: {  	_ =	strace s17  }
0x93: {  	s2 =	sld [smem:$0x3FFC];
	_ =	sdelay $0x3  }
0x94: {  	_ =	strace s2  }
0x95: {  	s2 =	sld [smem:$0x3FFD];
	_ =	sdelay $0x3  }
0x96: {  	_ =	strace s2  }
0x97: {  	_ =	strace $0x8FFFFFFF  }
0x98: {  	s18 =	sld [smem:$0x3FDB];
	_ =	sdelay $0x1  }
0x99: {  	s19 =	simm.s32 $_scs_section_size  }
0x9a: {  	s4 =	simm.s32 $_size__tile_overlayer_lowered;
	s5 =	simm.s32 $_tile_overlayer_lowered  }
0x9b: {  	s22 =	simm.s32 $0x1BFF;
	s21 =	sshll.u32 s5, $0x1;
	s2 =	sadd.s32 s19, s18  }
0x9c: {  	s6 =	simm.s32 $0x0;
	s20 =	sshll.u32 s4, $0x1;
	s4 =	sadd.s32 s21, s2  }
0x9d: {  	[timem:s6], [sflag:s22] =	dma.local [hbm:s4], s20  }
0x9e: {  	_ =	swait.ge [sflag:s22], s20  }
0x9f: {  	s3 =	ssub.s32 $0x0, s20;
	[sflag:s22] =	ssyncset.done $0x0  }
0xa0: {  	[sflag:s22] =	ssyncadd.s32 s3;
	_ =	sdelay $0x1  }
0xa1: {  	s23 =	simm.s32 $0x1B8B  }
0xa2: {  	_ =	swait.ge [sflag:s23], $0x1  }
0xa3: {  	[sflag:s23] =	ssyncset.done $0x0  }
0xa4: {  	s25 =	simm.s32 $0x1B8E;
	s24 =	sld [smem:$0x3FFE];
	[sflag:s23] =	ssyncadd.s32 $0xFFFFFFFF  }
0xa5: {  	s26 =	simm.s32 $execute0_lowered;
	[smem:$0x3FD2] =	sst s25  }
0xa6: {  	s4 =	sshll.u32 s26, $0x1;
	_ =	strace $0x8000004F;
	[dreg:$0x1] =	wrdreg $0xFFFFFFFF  }
0xa7: {  	s28 =	simm.s32 $_size_execute0_lowered;
	s2 =	sadd.s32 s2, s4;
	[dreg:$0x0] =	wrdreg $0x0  }
0xa8: {  	s4 =	sshll.u32 s28, $0x1;
	[dreg:$0x2] =	wrdreg s2  }
0xa9: {  	[dreg:$0x3] =	wrdreg s4  }
0xaa: {  	[dreg:$0x4] =	wrdreg $0xC0  }
0xab: {  	_ =	task [dreg:s6], $0x5FFFF  }
0xac: {  	[dreg:$0x1] =	wrdreg $0xFFFFFFFF  }
0xad: {  	[dreg:$0x0] =	wrdreg $0x60  }
0xae: {  	[dreg:$0x2] =	wrdreg s24  }
0xaf: {  	[dreg:$0x3] =	wrdreg $0xFE000  }
0xb0: {  	[dreg:$0x4] =	wrdreg $0x9  }
0xb1: {  	_ =	task.clear_ibuf [dreg:s6], $0x5FFFF;
	_ =	strace $0x9000004F  }
0xb2: {  	s29 =	simm.s32 $0x9;
	_ =	strace $0x80000051  }
0xb3: {  	_ =	swait.ge [sflag:s29], $0x1  }
0xb4: {  	[sflag:s29] =	ssyncadd.s32 $0xFFFFFFFF  }
0xb5: {  	_ =	strace $0x90000051  }
0xb6: {  	_ =	sfence  }
0xb7: {  	s30 =	sld [smem:$0x0];
	_ =	sdelay $0x2  }
0xb8: {  	s31 =	sshll.u32 s1, $0xD;
	s1 =	sshrl.u32 s1, $0x2  }
0xb9: {  	s3 =	sand.u32 $0x4000, s31;
	s1 =	sadd.s32 s1, s30  }
0xba: {  	s0 =	sor.u32 s3, s0;
	s1 =	sshll.u32 s1, $0x11  }
0xbb: {  	s0 =	sor.u32 s1, s0  }
0xbc: {  	s0 =	sadd.s32 $0x8F2B, s0  }
0xbd: {  	[sflag:s0] =	ssyncadd.remote.s32 $0x1  }
0xbe: {  	_ =	sfence.sel $0xFFFF  }
0xbf: {  	[dreg:$0x0] =	wrdreg $0xFFFFFFFF;
	(pc) =	sbr.abs _section_cstart, $3  }
0xc0: {  	[dreg:$0x1] =	wrdreg $0xFFFFFFFF  }
0xc1: {  	_ =	task.clear_ibuf [dreg:s6], $0x2FFFF;
	_ =	strace $0x9FFFFFFF  }
0xc2: {  	(tm) =	ssettm $0x7FFFFFFF  }
0xc3: {  	_ =	shalt  }
tec
execute0_lowered:
.L_overlay_start_1:
0x0: {  	(tag) =	ssettag $0x1  }
0x1: {  	s4 =	rddreg [dreg:$0x0];
	s0 =	srdreg.scid  }
0x2: {  	s2 =	rddreg [dreg:$0x1];
	s30 =	stileid.u32;
	s3 =	simm.s32 $0x0  }
0x3: {  	s16 =	simm.s32 $0x4F00;
	s17 =	simm.s32 $0xDE00;
	s18 =	simm.s32 $0x80  }
0x4: {  	s19 =	simm.s32 $0x9E00;
	s20 =	simm.s32 $0xBE00;
	s21 =	simm.s32 $0x1  }
0x5: {  	s22 =	simm.s32 $0x2;
	s23 =	simm.s32 $0x4E80;
	s7 =	smul.u32 $0x9E0, s30  }
0x6: {  	s24 =	simm.s32 $0x9D00;
	s26 =	simm.s32 $0x9D80;
	s14 =	smul.u32 $0xA000, s30  }
0x7: {  	s28 =	simm.s32 $0x0;
	s5 =	sand.u32 $0x1, s0;
	s31 =	smul.u32 $0x28100, s30  }
0x8: {  	[smem:$0x7FF] =	sst s3;
	s6 =	smul.u32 $0xA0000, s5;
	s5 =	ssub.s32 $0x2, s5  }
0x9: {  	_ =	strace $0x80000050;
	s7 =	sadd.s32 s7, s4;
	s9 =	sshrl.u32 s5, $0x1  }
0xa: {  	s25 =	sadd.s32 s14, s2;
	s8 =	sshrl.u32 s6, $0x3;
	s6 =	sadd.s32 s14, s6  }
0xb: {  	s15 =	ssub.s32 s5, s9;
	s5 =	sadd.s32 $0x17C00, s7;
	s25 =	sshrl.u32 s25, $0x3  }
0xc: {  	s12 =	sadd.s32 s8, s4;
	s6 =	sshrl.u32 s6, $0x3;
	s8 =	sshrl.u32 s31, $0x2  }
0xd: {  	s14 =	smax.u32 s15, $0x1;
	s15 =	simm.s32 $0x3;
	s13 =	sadd.s32 s6, s4  }
0xe: {  	s4 =	sadd.s32 s8, s2;
	s6 =	sadd.s32 $0xDE00, s7;
	s12 =	sadd.s32 $0x21A00, s12  }
0xf: {  	s7 =	sadd.s32 $0x2000, s4;
	s8 =	sadd.s32 $0x4000, s4;
	s9 =	sadd.s32 $0x6000, s4  }
0x10: {  	v0 =	vimm.f32 $0.0e+00;
	s10 =	sadd.s32 $0x8000, s4;
	s11 =	sadd.s32 $0xA000, s4;
	s13 =	sadd.s32 $0x49A00, s13  }
.LBB2_1:
0x11: {  	[tilespmem:s3], [sflag:$0x3] =	stream.linear.gather [hbm4b:s5+s3], $0x4F00, $0x38;
	[tilespmem:$0x19E40] =	vst v63  }
0x12: {  	_ =	swait.ge [sflag:s15], $0x4F00  }
0x13: {  	[sflag:s15] =	ssyncset.done $0x0  }
0x14: {  	[sflag:s15] =	ssyncadd.s32 $0xFFFFB100  }
0x15: {  	[tilespmem:s16], [sflag:$0x3] =	stream.linear.gather [hbm4b:s6+s3], $0x4F00, $0x38;
	[tilespmem:$0x19E40] =	vst v63  }
0x16: {  	_ =	swait.ge [sflag:s15], $0x4F00  }
0x17: {  	[sflag:s15] =	ssyncset.done $0x0  }
0x18: {  	s30 =	simm.s32 $0x100;
	s29 =	simm.s32 $0x0;
	[sflag:s15] =	ssyncadd.s32 $0xFFFFB100  }
.LBB2_2:
0x19: {  	p0 =	sne.s32 s30, $0x7F00;
	[tilespmem:s29+$0xDE30] =	vst v0;
	s31 =	smov.u32 s30;
	s30 =	sadd.s32 $0x100, s30  }
.Ltmp0:
0x1a: {  	[tilespmem:s29+$0xDE20] =	vst v0;
	(pc) =	sbr.rel @p0 .LBB2_2-.Ltmp0, $3  }
0x1b: {  	[tilespmem:s29+$0xDE00] =	vst v0  }
0x1c: {  	[tilespmem:s29+$0xDE10] =	vst v0;
	_ =	sdelay $0x1  }
0x1d: {  	s29 =	sshra.s32 s31, $0x2  }
0x1e: {  	[tilespmem:s29+$0xDE30] =	vst v0  }
0x1f: {  	[tilespmem:s29+$0xDE20] =	vst v0  }
0x20: {  	[tilespmem:s29+$0xDE00] =	vst v0  }
0x21: {  	[tilespmem:s29+$0xDE10] =	vst v0  }
0x22: {  	[spmem:s4] =	stream.linear.scatter [tilespmem:s17], [sflag:$0x3], $0x2000, $0x38;
	[tilespmem:$0x19E40] =	vst v63  }
0x23: {  	_ =	swait.ge [sflag:s15], $0x2000  }
0x24: {  	[sflag:s15] =	ssyncset.done $0x0  }
0x25: {  	[sflag:s15] =	ssyncadd.s32 $0xFFFFE000  }
0x26: {  	[spmem:s7] =	stream.linear.scatter [tilespmem:s17], [sflag:$0x3], $0x2000, $0x38;
	[tilespmem:$0x19E40] =	vst v63  }
0x27: {  	_ =	swait.ge [sflag:s15], $0x2000  }
0x28: {  	[sflag:s15] =	ssyncset.done $0x0  }
0x29: {  	[sflag:s15] =	ssyncadd.s32 $0xFFFFE000  }
0x2a: {  	[spmem:s8] =	stream.linear.scatter [tilespmem:s17], [sflag:$0x3], $0x2000, $0x38;
	[tilespmem:$0x19E40] =	vst v63  }
0x2b: {  	_ =	swait.ge [sflag:s15], $0x2000  }
0x2c: {  	[sflag:s15] =	ssyncset.done $0x0  }
0x2d: {  	[sflag:s15] =	ssyncadd.s32 $0xFFFFE000  }
0x2e: {  	[spmem:s9] =	stream.linear.scatter [tilespmem:s17], [sflag:$0x3], $0x2000, $0x38;
	[tilespmem:$0x19E40] =	vst v63  }
0x2f: {  	_ =	swait.ge [sflag:s15], $0x2000  }
0x30: {  	[sflag:s15] =	ssyncset.done $0x0  }
0x31: {  	[sflag:s15] =	ssyncadd.s32 $0xFFFFE000  }
0x32: {  	[spmem:s10] =	stream.linear.scatter [tilespmem:s17], [sflag:$0x3], $0x2000, $0x38;
	[tilespmem:$0x19E40] =	vst v63  }
0x33: {  	_ =	swait.ge [sflag:s15], $0x2000  }
0x34: {  	[sflag:s15] =	ssyncset.done $0x0  }
0x35: {  	[sflag:s15] =	ssyncadd.s32 $0xFFFFE000  }
0x36: {  	[spmem:s11] =	stream.linear.scatter [tilespmem:s17], [sflag:$0x3], $0x40, $0x38;
	[tilespmem:$0x19E40] =	vst v63  }
0x37: {  	_ =	swait.ge [sflag:s15], $0x40  }
0x38: {  	[sflag:s15] =	ssyncset.done $0x0  }
0x39: {  	[sflag:s15] =	ssyncadd.s32 $0xFFFFFFC0  }
0x3a: {  	s29 =	simm.s32 $0x0;
	[bflag:$0x0] =	sbarrier.arrive $0xFFFF  }
0x3b: {  	[tilespmem:s19], [sflag:$0x1] =	stream.indirect.gather [hbm4b:s12+s18], $0x40, s29, s18, $0xb8;
	[tilespmem:$0x19E40] =	vst v63  }
0x3c: {  	s29 =	simm.s32 $0x80  }
0x3d: {  	[tilespmem:s20], [sflag:$0x2] =	stream.indirect.gather [hbm4b:s12+s18], $0x40, s29, s18, $0xb8;
	[tilespmem:$0x19E40] =	vst v63  }
0x3e: {  	_ =	swait.ge [sflag:s21], $0x2000  }
0x3f: {  	[sflag:s21] =	ssyncset.done $0x0  }
0x40: {  	s29 =	simm.s32 $0x4F00;
	[sflag:s21] =	ssyncadd.s32 $0xFFFFE000  }
0x41: {  	[spmem:s2] =	stream.indirect.scatter.add.f32 [tilespmem:s19], [sflag:$0x3], $0x40, s29, s18, $0xb8;
	[tilespmem:$0x19E40] =	vst v63  }
0x42: {  	_ =	swait.ge [sflag:s15], $0x2000  }
0x43: {  	[sflag:s15] =	ssyncset.done $0x0  }
0x44: {  	s29 =	simm.s32 $0x100;
	[sflag:s15] =	ssyncadd.s32 $0xFFFFE000  }
0x45: {  	[tilespmem:s19], [sflag:$0x1] =	stream.indirect.gather [hbm4b:s12+s18], $0x40, s29, s18, $0xb8;
	[tilespmem:$0x19E40] =	vst v63  }
0x46: {  	_ =	swait.ge [sflag:s22], $0x2000  }
0x47: {  	[sflag:s22] =	ssyncset.done $0x0  }
0x48: {  	s29 =	simm.s32 $0x4F80;
	[sflag:s22] =	ssyncadd.s32 $0xFFFFE000  }
0x49: {  	[spmem:s2] =	stream.indirect.scatter.add.f32 [tilespmem:s20], [sflag:$0x3], $0x40, s29, s18, $0xb8;
	[tilespmem:$0x19E40] =	vst v63  }
0x4a: {  	_ =	swait.ge [sflag:s15], $0x2000  }
0x4b: {  	s30 =	simm.s32 $0x800;
	s29 =	simm.s32 $0x100;
	[sflag:s15] =	ssyncset.done $0x0  }
.LBB2_4:
0x4c: {  	s31 =	sadd.s32 $0x80, s29  }
0x4d: {  	[sflag:s15] =	ssyncadd.s32 $0xFFFFE000;
	s0 =	smov.u32 s30;
	s1 =	sadd.s32 $0x400, s30  }
0x4e: {  	[tilespmem:s20], [sflag:$0x2] =	stream.indirect.gather [hbm4b:s12+s18], $0x40, s31, s18, $0xb8;
	[tilespmem:$0x19E40] =	vst v63  }
0x4f: {  	p0 =	sne.s32 s30, $0x13400;
	_ =	swait.ge [sflag:s21], $0x2000  }
0x50: {  	[sflag:s21] =	ssyncset.done $0x0  }
0x51: {  	s30 =	sadd.s32 $0x4F00, s29;
	[sflag:s21] =	ssyncadd.s32 $0xFFFFE000  }
0x52: {  	[spmem:s2] =	stream.indirect.scatter.add.f32 [tilespmem:s19], [sflag:$0x3], $0x40, s30, s18, $0xb8;
	[tilespmem:$0x19E40] =	vst v63  }
0x53: {  	_ =	swait.ge [sflag:s15], $0x2000  }
0x54: {  	[sflag:s15] =	ssyncset.done $0x0  }
0x55: {  	s30 =	sadd.s32 $0x100, s29;
	[sflag:s15] =	ssyncadd.s32 $0xFFFFE000  }
0x56: {  	[tilespmem:s19], [sflag:$0x1] =	stream.indirect.gather [hbm4b:s12+s18], $0x40, s30, s18, $0xb8;
	[tilespmem:$0x19E40] =	vst v63  }
0x57: {  	_ =	swait.ge [sflag:s22], $0x2000  }
.Ltmp1:
0x58: {  	[sflag:s22] =	ssyncset.done $0x0;
	(pc) =	sbr.rel @p0 .LBB2_4-.Ltmp1, $4  }
0x59: {  	s29 =	sadd.s32 $0x4F80, s29;
	[sflag:s22] =	ssyncadd.s32 $0xFFFFE000  }
0x5a: {  	[spmem:s2] =	stream.indirect.scatter.add.f32 [tilespmem:s20], [sflag:$0x3], $0x40, s29, s18, $0xb8;
	[tilespmem:$0x19E40] =	vst v63  }
0x5b: {  	_ =	swait.ge [sflag:s15], $0x2000  }
0x5c: {  	s30 =	smov.u32 s1;
	s29 =	sshra.s32 s0, $0x2;
	[sflag:s15] =	ssyncset.done $0x0  }
0x5d: {  	s0 =	sadd.s32 $0x80, s29;
	[sflag:s15] =	ssyncadd.s32 $0xFFFFE000  }
0x5e: {  	[tilespmem:s20], [sflag:$0x2] =	stream.indirect.gather [hbm4b:s12+s18], $0x40, s0, s18, $0xb8;
	[tilespmem:$0x19E40] =	vst v63  }
0x5f: {  	_ =	swait.ge [sflag:s21], $0x2000  }
0x60: {  	[sflag:s21] =	ssyncset.done $0x0  }
0x61: {  	s31 =	sadd.s32 $0x4F00, s29;
	[sflag:s21] =	ssyncadd.s32 $0xFFFFE000  }
0x62: {  	[spmem:s2] =	stream.indirect.scatter.add.f32 [tilespmem:s19], [sflag:$0x3], $0x40, s31, s18, $0xb8;
	[tilespmem:$0x19E40] =	vst v63  }
0x63: {  	_ =	swait.ge [sflag:s15], $0x2000  }
0x64: {  	[sflag:s15] =	ssyncset.done $0x0  }
0x65: {  	s1 =	sadd.s32 $0x100, s29;
	[sflag:s15] =	ssyncadd.s32 $0xFFFFE000  }
0x66: {  	[tilespmem:s19], [sflag:$0x1] =	stream.indirect.gather [hbm4b:s12+s18], $0x40, s1, s18, $0xb8;
	[tilespmem:$0x19E40] =	vst v63  }
0x67: {  	_ =	swait.ge [sflag:s22], $0x2000  }
0x68: {  	[sflag:s22] =	ssyncset.done $0x0  }
0x69: {  	s30 =	sadd.s32 $0x4F80, s29;
	[sflag:s22] =	ssyncadd.s32 $0xFFFFE000  }
0x6a: {  	[spmem:s2] =	stream.indirect.scatter.add.f32 [tilespmem:s20], [sflag:$0x3], $0x40, s30, s18, $0xb8;
	[tilespmem:$0x19E40] =	vst v63  }
0x6b: {  	_ =	swait.ge [sflag:s15], $0x2000  }
0x6c: {  	[sflag:s15] =	ssyncset.done $0x0  }
0x6d: {  	[sflag:s15] =	ssyncadd.s32 $0xFFFFE000  }
0x6e: {  	[tilespmem:s20], [sflag:$0x2] =	stream.indirect.gather [hbm4b:s12+s18], $0x40, s23, s18, $0xb8;
	[tilespmem:$0x19E40] =	vst v63  }
0x6f: {  	_ =	swait.ge [sflag:s21], $0x2000  }
0x70: {  	[sflag:s21] =	ssyncset.done $0x0  }
0x71: {  	[sflag:s21] =	ssyncadd.s32 $0xFFFFE000  }
0x72: {  	[spmem:s2] =	stream.indirect.scatter.add.f32 [tilespmem:s19], [sflag:$0x3], $0x40, s24, s18, $0xb8;
	[tilespmem:$0x19E40] =	vst v63  }
0x73: {  	_ =	swait.ge [sflag:s15], $0x2000  }
0x74: {  	[sflag:s15] =	ssyncset.done $0x0  }
0x75: {  	[sflag:s15] =	ssyncadd.s32 $0xFFFFE000  }
0x76: {  	_ =	swait.ge [sflag:s22], $0x2000  }
0x77: {  	[sflag:s22] =	ssyncset.done $0x0  }
0x78: {  	[sflag:s22] =	ssyncadd.s32 $0xFFFFE000  }
0x79: {  	[spmem:s2] =	stream.indirect.scatter.add.f32 [tilespmem:s20], [sflag:$0x3], $0x40, s26, s18, $0xb8;
	[tilespmem:$0x19E40] =	vst v63  }
0x7a: {  	_ =	swait.ge [sflag:s15], $0x2000  }
0x7b: {  	s28 =	sadd.s32 $0x1, s28;
	s31 =	stileid.u32;
	[sflag:s15] =	ssyncset.done $0x0  }
0x7c: {  	p0 =	sne.s32 s28, s14;
	s0 =	sshll.u32 s31, $0x6;
	[sflag:s15] =	ssyncadd.s32 $0xFFFFE000  }
.Ltmp2:
0x7d: {  	s0 =	sor.u32 $0x1C03, s0;
	[bflag:$0x0] =	sbarrier.arrive $0xFFFF;
	(pc) =	sbr.rel @p0 .LBB2_1-.Ltmp2, $4  }
0x7e: {  	[hbm:s13], [sflag:s0] =	dma.local [spmem:s25], $0x1400  }
0x7f: {  	_ =	swait.ge [sflag:s15], $0x1400  }
0x80: {  	[sflag:s15] =	ssyncset.done $0x0  }
0x81: {  	[sflag:s15] =	ssyncadd.s32 $0xFFFFEC00  }
0x82: {  	_ =	sfence.sel $0x180000  }
0x83: {  	[bflag:$0x0] =	sbarrier.arrive $0xFFFF  }
0x84: {  	_ =	strace $0x90000050  }
0x85: {  	s0 =	stileid.u32;
	[bflag:$0x2] =	sbarrier.arrive $0xFFFF  }
0x86: {  	p0 =	sne.s32 s0, $0x0;
	s0 =	rddreg [dreg:$0x2]  }
0x87: {  	s0 =	sadd.s32 @!p0 $0x100000, s0  }
0x88: {  	[sflag:s0] =	ssyncadd.tile.s32 @!p0 $0x1;
	_ =	shalt  }
.Lfunc_end2:
_tile_overlayer_lowered:
.L_overlay_start_2:
0x89: {  	(tag) =	ssettag $0x2  }
0x8a: {  	s0 =	rddreg [dreg:$0x0];
	s2 =	stileid.u32  }
0x8b: {  	s1 =	rddreg [dreg:$0x1];
	p0 =	sne.s32 s2, $0x0  }
0x8c: {  	s3 =	rddreg [dreg:$0x2];
	[bflag:$0x3] =	sbarrier.arrive $0xFFFF;
	s2 =	simm.s32 @!p0 $0x1C03  }
0x8d: {  	[timem:s3], [sflag:s2] =	dma.local @!p0 [hbm:s0], s1  }
0x8e: {  	s0 =	simm.s32 @!p0 $0x3  }
0x8f: {  	_ =	swait.ge @!p0 [sflag:s0], s1  }
0x90: {  	s1 =	ssub.s32 @!p0 $0x0, s1;
	[sflag:s0] =	ssyncset.done @!p0 $0x0  }
0x91: {  	[sflag:s0] =	ssyncadd.s32 @!p0 s1  }
0x92: {  	[bflag:$0x3] =	sbarrier.arrive $0xFFFF  }
0x93: {  	_ =	shalt  }

</sc_bundles>
